<compile_context>
chip_gen: v7x
topology: tpu7x:2x2x1
jax: 0.10.2.dev20260603
libtpu: 0.0.44.dev20260713+nightly
codegen_flags: <defaults>
</compile_context>

<pallas_src>
import functools

import jax
import jax.numpy as jnp
from jax import lax
from jax.experimental import pallas as pl
from jax.experimental.pallas import tpu as pltpu
from jax.experimental.pallas import tpu_sc as plsc

F32 = jnp.float32

NC = 2
NS = 16
NW = NC * NS
C = 80
RB = 40



def _node_proj(x, Ws, Wr, bn=1000):
    N, D = x.shape
    H = Ws.shape[1]

    def body(x_ref, ws_ref, wr_ref, xs_ref, xr_ref):
        xb = x_ref[...]
        xs_ref[...] = jnp.dot(xb, ws_ref[...], preferred_element_type=F32)
        xr_ref[...] = jnp.dot(xb, wr_ref[...], preferred_element_type=F32)

    return pl.pallas_call(
        body,
        grid=(N // bn,),
        in_specs=[
            pl.BlockSpec((bn, D), lambda i: (i, 0)),
            pl.BlockSpec((D, H), lambda i: (0, 0)),
            pl.BlockSpec((D, H), lambda i: (0, 0)),
        ],
        out_specs=[
            pl.BlockSpec((bn, H), lambda i: (i, 0)),
            pl.BlockSpec((bn, H), lambda i: (i, 0)),
        ],
        out_shape=[
            jax.ShapeDtypeStruct((N, H), F32),
            jax.ShapeDtypeStruct((N, H), F32),
        ],
    )(x, Ws, Wr)


def _edge_proj(ea2, Wea2, u, Wu, eb_b, be=2000):
    E2, De2 = ea2.shape
    H = Wu.shape[1]

    def body(ea_ref, wea_ref, u_ref, wu_ref, b_ref, out_ref):
        c1 = jnp.dot(u_ref[...], wu_ref[...], preferred_element_type=F32) + b_ref[...]
        c2 = jnp.concatenate([c1, c1], axis=1)
        out_ref[...] = (
            jnp.dot(ea_ref[...], wea_ref[...], preferred_element_type=F32) + c2
        )

    return pl.pallas_call(
        body,
        grid=(E2 // be,),
        in_specs=[
            pl.BlockSpec((be, De2), lambda i: (i, 0)),
            pl.BlockSpec((De2, 2 * H), lambda i: (0, 0)),
            pl.BlockSpec((1, H), lambda i: (0, 0)),
            pl.BlockSpec((H, H), lambda i: (0, 0)),
            pl.BlockSpec((1, H), lambda i: (0, 0)),
        ],
        out_specs=pl.BlockSpec((be, 2 * H), lambda i: (i, 0)),
        out_shape=jax.ShapeDtypeStruct((E2, 2 * H), F32),
    )(ea2, Wea2, u, Wu, eb_b)


def _node_block(aggP, x, Wagg, Wx, u, Wnu, nb_b, W1s, W1r, bn=1000):
    N, D = x.shape
    H = Wagg.shape[1]

    def body(aggP_ref, x_ref, wagg_ref, wx_ref, u_ref, wnu_ref, b_ref,
             w1s_ref, w1r_ref, ns_ref, nr_ref, nsum_ref, esum_ref):
        agg = aggP_ref[0] + aggP_ref[1]
        cn = jnp.dot(u_ref[...], wnu_ref[...], preferred_element_type=F32) + b_ref[...]
        n1 = jnp.maximum(
            jnp.dot(agg, wagg_ref[...], preferred_element_type=F32)
            + jnp.dot(x_ref[...], wx_ref[...], preferred_element_type=F32)
            + cn, 0.0)
        ns_ref[...] = jnp.dot(n1, w1s_ref[...], preferred_element_type=F32)
        nr_ref[...] = jnp.dot(n1, w1r_ref[...], preferred_element_type=F32)

        @pl.when(pl.program_id(0) == 0)
        def _():
            nsum_ref[...] = jnp.zeros_like(nsum_ref)
            esum_ref[...] = jnp.zeros_like(esum_ref)

        nsum_ref[...] += jnp.sum(n1, axis=0, keepdims=True)
        esum_ref[...] += jnp.sum(agg, axis=0, keepdims=True)

    return pl.pallas_call(
        body,
        grid=(N // bn,),
        in_specs=[
            pl.BlockSpec((NC, bn, H), lambda i: (0, i, 0)),
            pl.BlockSpec((bn, D), lambda i: (i, 0)),
            pl.BlockSpec((H, H), lambda i: (0, 0)),
            pl.BlockSpec((D, H), lambda i: (0, 0)),
            pl.BlockSpec((1, H), lambda i: (0, 0)),
            pl.BlockSpec((H, H), lambda i: (0, 0)),
            pl.BlockSpec((1, H), lambda i: (0, 0)),
            pl.BlockSpec((H, H), lambda i: (0, 0)),
            pl.BlockSpec((H, H), lambda i: (0, 0)),
        ],
        out_specs=[
            pl.BlockSpec((bn, H), lambda i: (i, 0)),
            pl.BlockSpec((bn, H), lambda i: (i, 0)),
            pl.BlockSpec((1, H), lambda i: (0, 0)),
            pl.BlockSpec((1, H), lambda i: (0, 0)),
        ],
        out_shape=[
            jax.ShapeDtypeStruct((N, H), F32),
            jax.ShapeDtypeStruct((N, H), F32),
            jax.ShapeDtypeStruct((1, H), F32),
            jax.ShapeDtypeStruct((1, H), F32),
        ],
    )(aggP, x, Wagg, Wx, u, Wnu, nb_b, W1s, W1r)


def _decoder(e1p, d2, esum, nsum, u, gbW_e, gbW_n, gbW_u, gb_b, W1e2, W1g,
             dec_b1, W22, b22, n_edges, n_nodes, be=2000):
    E2, H2 = e1p.shape
    H = H2 // 2
    O2 = W22.shape[1]

    def body(e1_ref, d_ref, esum_ref, nsum_ref, u_ref, gbe_ref, gbn_ref,
             gbu_ref, gbb_ref, w1e_ref, w1g_ref, b1_ref, w2_ref, b2_ref,
             out_ref):
        g1 = jnp.maximum(
            jnp.dot(esum_ref[...] * (1.0 / n_edges), gbe_ref[...],
                    preferred_element_type=F32)
            + jnp.dot(nsum_ref[...] * (1.0 / n_nodes), gbn_ref[...],
                      preferred_element_type=F32)
            + jnp.dot(u_ref[...], gbu_ref[...], preferred_element_type=F32)
            + gbb_ref[...], 0.0)
        cdec = jnp.dot(g1, w1g_ref[...], preferred_element_type=F32) + b1_ref[...]
        cdec2 = jnp.concatenate([cdec, cdec], axis=1)
        h = jnp.maximum(
            jnp.dot(e1_ref[...], w1e_ref[...], preferred_element_type=F32)
            + d_ref[...] + cdec2, 0.0)
        out_ref[...] = jnp.dot(h, w2_ref[...], preferred_element_type=F32) + b2_ref[...]

    return pl.pallas_call(
        body,
        grid=(E2 // be,),
        in_specs=[
            pl.BlockSpec((be, H2), lambda i: (i, 0)),
            pl.BlockSpec((be, H2), lambda i: (i, 0)),
            pl.BlockSpec((1, H), lambda i: (0, 0)),
            pl.BlockSpec((1, H), lambda i: (0, 0)),
            pl.BlockSpec((1, H), lambda i: (0, 0)),
            pl.BlockSpec((H, H), lambda i: (0, 0)),
            pl.BlockSpec((H, H), lambda i: (0, 0)),
            pl.BlockSpec((H, H), lambda i: (0, 0)),
            pl.BlockSpec((1, H), lambda i: (0, 0)),
            pl.BlockSpec((H2, H2), lambda i: (0, 0)),
            pl.BlockSpec((H, H), lambda i: (0, 0)),
            pl.BlockSpec((1, H), lambda i: (0, 0)),
            pl.BlockSpec((H2, O2), lambda i: (0, 0)),
            pl.BlockSpec((1, O2), lambda i: (0, 0)),
        ],
        out_specs=pl.BlockSpec((be, O2), lambda i: (i, 0)),
        out_shape=jax.ShapeDtypeStruct((E2, O2), F32),
    )(e1p, d2, esum, nsum, u, gbW_e, gbW_n, gbW_u, gb_b, W1e2, W1g, dec_b1,
      W22, b22)



def _sc_edge(eap2, xs, xr, s3d, r3d):
    E2, H2 = eap2.shape
    E = 2 * E2
    H = H2 // 2
    N = xs.shape[0]
    epw = E // NW
    nch = epw // C
    nrb = N // RB
    nzi = (nrb + NS - 1) // NS
    mesh = plsc.VectorSubcoreMesh(core_axis_name="c", subcore_axis_name="s")

    @functools.partial(
        pl.kernel,
        out_type=[
            jax.ShapeDtypeStruct((E2, H2), F32),
            jax.ShapeDtypeStruct((NC, N, H), F32),
        ],
        mesh=mesh,
        compiler_params=pltpu.CompilerParams(use_tc_tiling_on_sc=False),
        scratch_types=[
            pltpu.VMEM((nch, C), jnp.int32),
            pltpu.VMEM((nch, C), jnp.int32),
            pltpu.VMEM((C // 2, H2), F32),
            pltpu.VMEM((C // 2, H2), F32),
            pltpu.VMEM((C, H), F32),
            pltpu.VMEM((C, H), F32),
            pltpu.VMEM((C, H), F32),
            pltpu.VMEM((C, H), F32),
            pltpu.VMEM((C // 2, H2), F32),
            pltpu.VMEM((C // 2, H2), F32),
            pltpu.VMEM((C, H), F32),
            pltpu.VMEM((RB, H), F32),
            pltpu.VMEM_SHARED((N, H), F32),
            pltpu.SemaphoreType.DMA,
            pltpu.SemaphoreType.DMA,
            pltpu.SemaphoreType.DMA,
            pltpu.SemaphoreType.DMA,
            pltpu.SemaphoreType.DMA,
            pltpu.SemaphoreType.DMA,
            pltpu.SemaphoreType.DMA,
            pltpu.SemaphoreType.DMA,
        ],
    )
    def k(eap_hbm, xs_hbm, xr_hbm, s3d_hbm, r3d_hbm, e1_hbm, agg_hbm,
          idx_s, idx_r, bufE0, bufE1, bufS0, bufS1, bufR0, bufR1,
          bufP0, bufP1, bufU, zbuf, acc,
          semE0, semE1, semS0, semS1, semR0, semR1, semW0, semW1):
        cid = lax.axis_index("c")
        sid = lax.axis_index("s")
        wid = sid * NC + cid

        def zrow(i, carry):
            r = i // (H // 16)
            cc = i % (H // 16)
            zbuf[r, pl.ds(cc * 16, 16)] = jnp.zeros((16,), F32)
            return carry

        lax.fori_loop(0, RB * (H // 16), zrow, 0)

        def zacc(i, carry):
            b = sid * nzi + i

            @pl.when(b < nrb)
            def _():
                r0 = pl.multiple_of(b * RB, 8)
                pltpu.sync_copy(zbuf, acc.at[pl.ds(r0, RB)])

            return carry

        lax.fori_loop(0, nzi, zacc, 0)

        pltpu.sync_copy(s3d_hbm.at[wid], idx_s)
        pltpu.sync_copy(r3d_hbm.at[wid], idx_r)
        plsc.subcore_barrier()
        base_e = wid * epw

        def start_in(j, bE, bS, bR, sE, sS, sR):
            e0h = pl.multiple_of((base_e + j * C) // 2, 8)
            pltpu.async_copy(eap_hbm.at[pl.ds(e0h, C // 2)], bE, sE)
            pltpu.async_copy(xs_hbm.at[idx_s.at[j]], bS, sS)
            pltpu.async_copy(xr_hbm.at[idx_r.at[j]], bR, sR)

        def wait_in(bE, bS, bR, sE, sS, sR):
            pltpu.make_async_copy(eap_hbm.at[pl.ds(0, C // 2)], bE, sE).wait()
            pltpu.make_async_copy(xs_hbm.at[idx_s.at[0]], bS, sS).wait()
            pltpu.make_async_copy(xr_hbm.at[idx_r.at[0]], bR, sR).wait()

        def compute(j, bE, bS, bR, bP):
            def row(r2, rc):
                for half in range(2):
                    for cc in range(H // 16):
                        pk = pl.ds(half * H + cc * 16, 16)
                        sl = pl.ds(cc * 16, 16)
                        e = 2 * r2 + half
                        v = bE[r2, pk] + bS[e, sl] + bR[e, sl]
                        v = jnp.maximum(v, 0.0)
                        bufU[e, sl] = v
                        bP[r2, pk] = v
                return rc

            lax.fori_loop(0, C // 2, row, 0)
            pltpu.sync_copy(bufU, acc.at[idx_r.at[j]], add=True)

        def start_out(j, bP, sW):
            e0h = pl.multiple_of((base_e + j * C) // 2, 8)
            pltpu.async_copy(bP, e1_hbm.at[pl.ds(e0h, C // 2)], sW)

        def wait_out(bP, sW):
            pltpu.make_async_copy(bP, e1_hbm.at[pl.ds(0, C // 2)], sW).wait()

        set0 = (bufE0, bufS0, bufR0, semE0, semS0, semR0)
        set1 = (bufE1, bufS1, bufR1, semE1, semS1, semR1)
        start_in(0, *set0)

        def pipe(jj, carry):
            j0 = 2 * jj

            @pl.when(j0 + 1 < nch)
            def _():
                start_in(j0 + 1, *set1)

            wait_in(*set0)

            @pl.when(jj > 0)
            def _():
                wait_out(bufP0, semW0)

            compute(j0, bufE0, bufS0, bufR0, bufP0)
            start_out(j0, bufP0, semW0)

            @pl.when(j0 + 2 < nch)
            def _():
                start_in(j0 + 2, *set0)

            @pl.when(j0 + 1 < nch)
            def _():
                wait_in(*set1)

                @pl.when(jj > 0)
                def _():
                    wait_out(bufP1, semW1)

                compute(j0 + 1, bufE1, bufS1, bufR1, bufP1)
                start_out(j0 + 1, bufP1, semW1)

            return carry

        lax.fori_loop(0, (nch + 1) // 2, pipe, 0)
        wait_out(bufP0, semW0)
        wait_out(bufP1, semW1)
        plsc.subcore_barrier()

        def flush(i, carry):
            b = sid * nzi + i

            @pl.when(b < nrb)
            def _():
                r0 = pl.multiple_of(b * RB, 8)
                pltpu.sync_copy(acc.at[pl.ds(r0, RB)], zbuf)
                pltpu.sync_copy(zbuf, agg_hbm.at[cid, pl.ds(r0, RB)])

            return carry

        lax.fori_loop(0, nzi, flush, 0)

    return k(eap2, xs, xr, s3d, r3d)


def _sc_dec_gather(ns, nr, s3d, r3d, E):
    N, H = ns.shape
    H2 = 2 * H
    epw = E // NW
    nch = epw // C
    mesh = plsc.VectorSubcoreMesh(core_axis_name="c", subcore_axis_name="s")

    @functools.partial(
        pl.kernel,
        out_type=jax.ShapeDtypeStruct((E // 2, H2), F32),
        mesh=mesh,
        compiler_params=pltpu.CompilerParams(use_tc_tiling_on_sc=False),
        scratch_types=[
            pltpu.VMEM((nch, C), jnp.int32),
            pltpu.VMEM((nch, C), jnp.int32),
            pltpu.VMEM((C, H), F32),
            pltpu.VMEM((C, H), F32),
            pltpu.VMEM((C, H), F32),
            pltpu.VMEM((C, H), F32),
            pltpu.VMEM((C // 2, H2), F32),
            pltpu.VMEM((C // 2, H2), F32),
            pltpu.SemaphoreType.DMA,
            pltpu.SemaphoreType.DMA,
            pltpu.SemaphoreType.DMA,
            pltpu.SemaphoreType.DMA,
            pltpu.SemaphoreType.DMA,
            pltpu.SemaphoreType.DMA,
        ],
    )
    def k(ns_hbm, nr_hbm, s3d_hbm, r3d_hbm, d_hbm,
          idx_s, idx_r, bufA0, bufA1, bufB0, bufB1, bufP0, bufP1,
          semA0, semA1, semB0, semB1, semW0, semW1):
        cid = lax.axis_index("c")
        sid = lax.axis_index("s")
        wid = sid * NC + cid
        pltpu.sync_copy(s3d_hbm.at[wid], idx_s)
        pltpu.sync_copy(r3d_hbm.at[wid], idx_r)
        base_e = wid * epw

        def start_in(j, bA, bB, sA, sB):
            pltpu.async_copy(ns_hbm.at[idx_s.at[j]], bA, sA)
            pltpu.async_copy(nr_hbm.at[idx_r.at[j]], bB, sB)

        def wait_in(bA, bB, sA, sB):
            pltpu.make_async_copy(ns_hbm.at[idx_s.at[0]], bA, sA).wait()
            pltpu.make_async_copy(nr_hbm.at[idx_r.at[0]], bB, sB).wait()

        def compute(bA, bB, bP):
            def row(r2, rc):
                for half in range(2):
                    for cc in range(H // 16):
                        pk = pl.ds(half * H + cc * 16, 16)
                        sl = pl.ds(cc * 16, 16)
                        e = 2 * r2 + half
                        bP[r2, pk] = bA[e, sl] + bB[e, sl]
                return rc

            lax.fori_loop(0, C // 2, row, 0)

        def start_out(j, bP, sW):
            e0h = pl.multiple_of((base_e + j * C) // 2, 8)
            pltpu.async_copy(bP, d_hbm.at[pl.ds(e0h, C // 2)], sW)

        def wait_out(bP, sW):
            pltpu.make_async_copy(bP, d_hbm.at[pl.ds(0, C // 2)], sW).wait()

        set0 = (bufA0, bufB0, semA0, semB0)
        set1 = (bufA1, bufB1, semA1, semB1)
        start_in(0, *set0)

        def pipe(jj, carry):
            j0 = 2 * jj

            @pl.when(j0 + 1 < nch)
            def _():
                start_in(j0 + 1, *set1)

            wait_in(*set0)

            @pl.when(jj > 0)
            def _():
                wait_out(bufP0, semW0)

            compute(bufA0, bufB0, bufP0)
            start_out(j0, bufP0, semW0)

            @pl.when(j0 + 2 < nch)
            def _():
                start_in(j0 + 2, *set0)

            @pl.when(j0 + 1 < nch)
            def _():
                wait_in(*set1)

                @pl.when(jj > 0)
                def _():
                    wait_out(bufP1, semW1)

                compute(bufA1, bufB1, bufP1)
                start_out(j0 + 1, bufP1, semW1)

            return carry

        lax.fori_loop(0, (nch + 1) // 2, pipe, 0)
        wait_out(bufP0, semW0)
        wait_out(bufP1, semW1)

    return k(ns, nr, s3d, r3d)



def kernel(x, edge_index, edge_attr, u, eb_W, eb_b, nb_W, nb_b, gb_W, gb_b,
           dec_W1, dec_b1, dec_W2, dec_b2):
    N, D = x.shape
    E = edge_index.shape[1]
    De = edge_attr.shape[1]
    H = eb_W.shape[1]
    OUT = dec_W2.shape[1]
    assert E % (NW * C) == 0 and N % RB == 0

    senders = edge_index[0]
    receivers = edge_index[1]
    s3d = senders.reshape(NW, E // (NW * C), C)
    r3d = receivers.reshape(NW, E // (NW * C), C)

    Wea = eb_W[:De]
    Ws = eb_W[De:De + D]
    Wr = eb_W[De + D:De + 2 * D]
    Wu = eb_W[De + 2 * D:]
    Wagg = nb_W[:H]
    Wx = nb_W[H:H + D]
    Wnu = nb_W[H + D:]
    gbW_e = gb_W[:H]
    gbW_n = gb_W[H:2 * H]
    gbW_u = gb_W[2 * H:]
    W1e = dec_W1[:H]
    W1s = dec_W1[H:2 * H]
    W1r = dec_W1[2 * H:3 * H]
    W1g = dec_W1[3 * H:]

    zDe = jnp.zeros((De, H), F32)
    Wea2 = jnp.concatenate([
        jnp.concatenate([Wea, zDe], axis=1),
        jnp.concatenate([zDe, Wea], axis=1)], axis=0)
    zH = jnp.zeros((H, H), F32)
    W1e2 = jnp.concatenate([
        jnp.concatenate([W1e, zH], axis=1),
        jnp.concatenate([zH, W1e], axis=1)], axis=0)
    zO = jnp.zeros((H, OUT), F32)
    W22 = jnp.concatenate([
        jnp.concatenate([dec_W2, zO], axis=1),
        jnp.concatenate([zO, dec_W2], axis=1)], axis=0)
    b22 = jnp.concatenate([dec_b2, dec_b2]).reshape(1, 2 * OUT)

    u2 = u.reshape(1, H)
    eb_b2 = eb_b.reshape(1, H)
    nb_b2 = nb_b.reshape(1, H)
    gb_b2 = gb_b.reshape(1, H)
    dec_b12 = dec_b1.reshape(1, H)

    ea2 = edge_attr.reshape(E // 2, 2 * De)

    xs, xr = _node_proj(x, Ws, Wr)
    eap2 = _edge_proj(ea2, Wea2, u2, Wu, eb_b2)
    e1p, aggP = _sc_edge(eap2, xs, xr, s3d, r3d)
    ns, nr, nsum, esum = _node_block(aggP, x, Wagg, Wx, u2, Wnu, nb_b2,
                                     W1s, W1r)
    d2 = _sc_dec_gather(ns, nr, s3d, r3d, E)
    out2 = _decoder(e1p, d2, esum, nsum, u2, gbW_e, gbW_n, gbW_u, gb_b2,
                    W1e2, W1g, dec_b12, W22, b22, E, N)
    return out2.reshape(E, OUT)

# --- scband reference (transcript-rebuilt; emitter-appended) ---
"""Pipeline reference for scband-net-17729624998195 (READ-ONLY COPY).

The authoritative reference and input builder live on the scoring server;
editing this copy changes nothing except your own understanding.
"""

import jax, jax.numpy as jnp
import numpy as np

N = 10000
E = 320000
D_NODE = 128
D_EDGE = 16
H_E = 64
H_N = 64
H_G = 64
OUT = 16


def _mlp_params(key, fan_in, fan_out):
    k1, k2 = jax.random.split(key)
    W = jax.random.normal(k1, (fan_in, fan_out), jnp.float32) * (1.0 / np.sqrt(fan_in))
    b = jnp.zeros((fan_out,), jnp.float32)
    return W, b


def setup_inputs(seed: int = 0) -> dict:
    key = jax.random.key(seed)
    ks = jax.random.split(key, 10)
    x = jax.random.normal(ks[0], (N, D_NODE), jnp.float32)
    edge_index = jax.random.randint(ks[1], (2, E), 0, N, dtype=jnp.int32)
    edge_attr = jax.random.normal(ks[2], (E, D_EDGE), jnp.float32)
    u = jax.random.normal(ks[3], (1, H_G), jnp.float32)
    # GN1 edge block: in = d_edge + 2*d_node + h_g = 16 + 256 + 64 = 336
    eb_W, eb_b = _mlp_params(ks[4], D_EDGE + 2 * D_NODE + H_G, H_E)
    # GN1 node block: in = d_node + h_e + h_g = 128 + 64 + 64 = 256
    nb_W, nb_b = _mlp_params(ks[5], D_NODE + H_E + H_G, H_N)
    # GN1 global block: in = h_n + h_e + h_g = 192
    gb_W, gb_b = _mlp_params(ks[6], H_N + H_E + H_G, H_G)
    # GN2 edge decoder: in = h_e + 2*h_n + h_g = 256 -> 64 -> out
    dec_W1, dec_b1 = _mlp_params(ks[7], H_E + 2 * H_N + H_G, H_E)
    dec_W2, dec_b2 = _mlp_params(ks[8], H_E, OUT)
    return {
        "x": x, "edge_index": edge_index, "edge_attr": edge_attr, "u": u,
        "eb_W": eb_W, "eb_b": eb_b, "nb_W": nb_W, "nb_b": nb_b,
        "gb_W": gb_W, "gb_b": gb_b,
        "dec_W1": dec_W1, "dec_b1": dec_b1, "dec_W2": dec_W2, "dec_b2": dec_b2,
    }


def reference(x, edge_index, edge_attr, u, eb_W, eb_b, nb_W, nb_b, gb_W, gb_b,
              dec_W1, dec_b1, dec_W2, dec_b2):
    senders = edge_index[0]
    receivers = edge_index[1]
    u_e = jnp.broadcast_to(u, (E, H_G))
    u_n = jnp.broadcast_to(u, (N, H_G))

    # --- GN1 ---
    # EdgeBlock: [edges, sender nodes, receiver nodes, globals] -> Linear+ReLU
    eb_in = jnp.concatenate([edge_attr, x[senders], x[receivers], u_e], axis=1)
    e1 = jax.nn.relu(eb_in @ eb_W + eb_b)

    # NodeBlock: received-edge scatter_add aggregation, then [agg_edges, nodes, globals]
    agg_e = jax.ops.segment_sum(e1, receivers, num_segments=N)
    nb_in = jnp.concatenate([agg_e, x, u_n], axis=1)
    n1 = jax.nn.relu(nb_in @ nb_W + nb_b)

    # GlobalBlock: scatter_mean over edges and nodes (single graph -> plain mean)
    e_mean = jnp.mean(e1, axis=0, keepdims=True)
    n_mean = jnp.mean(n1, axis=0, keepdims=True)
    gb_in = jnp.concatenate([e_mean, n_mean, u], axis=1)
    g1 = jax.nn.relu(gb_in @ gb_W + gb_b)

    # --- GN2: edge decoder block only ---
    g1_e = jnp.broadcast_to(g1, (E, H_G))
    dec_in = jnp.concatenate([e1, n1[senders], n1[receivers], g1_e], axis=1)
    h = jax.nn.relu(dec_in @ dec_W1 + dec_b1)
    edge_out = h @ dec_W2 + dec_b2
    return edge_out

if __name__ == "__main__":
    import jax
    _d = setup_inputs()
    print(jax.jit(kernel)(*tuple(_d.values())))

</pallas_src>

<mosaic_0001>
#map = affine_map<(d0, d1) -> (0, 0)>
#map1 = affine_map<(d0, d1) -> (0, 0, 0)>
module attributes {stable_mosaic.version = 14 : i64} {
  func.func @k(%arg0: i32, %arg1: i32, %arg2: memref<10000x64xf32, #tpu.memory_space<hbm>>, %arg3: memref<10000x64xf32, #tpu.memory_space<hbm>>, %arg4: memref<32x125x80xi32, #tpu.memory_space<hbm>>, %arg5: memref<32x125x80xi32, #tpu.memory_space<hbm>>, %arg6: memref<160000x128xf32, #tpu.memory_space<hbm>>, %arg7: memref<125x80xi32, #tpu.memory_space<vmem>>, %arg8: memref<125x80xi32, #tpu.memory_space<vmem>>, %arg9: memref<80x64xf32, #tpu.memory_space<vmem>>, %arg10: memref<80x64xf32, #tpu.memory_space<vmem>>, %arg11: memref<80x64xf32, #tpu.memory_space<vmem>>, %arg12: memref<80x64xf32, #tpu.memory_space<vmem>>, %arg13: memref<40x128xf32, #tpu.memory_space<vmem>>, %arg14: memref<40x128xf32, #tpu.memory_space<vmem>>, %arg15: memref<!tpu.dma_semaphore, #tpu.memory_space<semaphore_mem>>, %arg16: memref<!tpu.dma_semaphore, #tpu.memory_space<semaphore_mem>>, %arg17: memref<!tpu.dma_semaphore, #tpu.memory_space<semaphore_mem>>, %arg18: memref<!tpu.dma_semaphore, #tpu.memory_space<semaphore_mem>>, %arg19: memref<!tpu.dma_semaphore, #tpu.memory_space<semaphore_mem>>, %arg20: memref<!tpu.dma_semaphore, #tpu.memory_space<semaphore_mem>>) attributes {dimension_semantics = [#tpu.dimension_semantics<core_parallel>, #tpu.dimension_semantics<subcore_parallel>], iteration_bounds = array<i64: 2, 16>, scalar_prefetch = 0 : i64, scratch_operands = 14 : i64, tpu.core_type = #tpu.core_type<sc_vector_subcore>, window_params = [{transform_indices = #map}, {transform_indices = #map}, {transform_indices = #map1}, {transform_indices = #map1}, {transform_indices = #map}]} {
    %mul3A = arith.constant 2 : i32
    %mul3A_0 = arith.muli %arg1, %mul3A : i32
    %add3A = arith.addi %mul3A_0, %arg0 : i32
    "tpu.region"() ({
      %run_scoped3A = tpu.sem_alloc : memref<!tpu.dma_semaphore, #tpu.memory_space<semaphore_mem>>
      %dma_start3A_32 = arith.constant 0 : i32
      %dma_start3A_33 = arith.constant 0 : i32
      %dma_start3A_34 = tpu.memref_slice %arg4[%add3A, %dma_start3A_32, %dma_start3A_33] : memref<32x125x80xi32, #tpu.memory_space<hbm>> -> memref<1x125x80xi32, #tpu.memory_space<hbm>>
      %dma_start3A_35 = tpu.memref_squeeze %dma_start3A_34 : memref<1x125x80xi32, #tpu.memory_space<hbm>> -> memref<125x80xi32, #tpu.memory_space<hbm>>
      %dma_start3A_36 = arith.constant 0 : i32
      %dma_start3A_37 = arith.constant 0 : i32
      %dma_start3A_38 = tpu.memref_slice %arg4[%add3A, %dma_start3A_36, %dma_start3A_37] : memref<32x125x80xi32, #tpu.memory_space<hbm>> -> memref<1x125x80xi32, #tpu.memory_space<hbm>>
      %dma_start3A_39 = tpu.memref_squeeze %dma_start3A_38 : memref<1x125x80xi32, #tpu.memory_space<hbm>> -> memref<125x80xi32, #tpu.memory_space<hbm>>
      tpu.enqueue_dma source(%dma_start3A_39 : memref<125x80xi32, #tpu.memory_space<hbm>>) target(%arg7 : memref<125x80xi32, #tpu.memory_space<vmem>>) target_semaphore(%run_scoped3A : memref<!tpu.dma_semaphore, #tpu.memory_space<semaphore_mem>>)
      %dma_wait3A_40 = arith.constant 0 : i32
      %dma_wait3A_41 = arith.constant 0 : i32
      %dma_wait3A_42 = tpu.memref_slice %arg4[%add3A, %dma_wait3A_40, %dma_wait3A_41] : memref<32x125x80xi32, #tpu.memory_space<hbm>> -> memref<1x125x80xi32, #tpu.memory_space<hbm>>
      %dma_wait3A_43 = tpu.memref_squeeze %dma_wait3A_42 : memref<1x125x80xi32, #tpu.memory_space<hbm>> -> memref<125x80xi32, #tpu.memory_space<hbm>>
      %dma_wait3A_44 = arith.constant 0 : i32
      %dma_wait3A_45 = arith.constant 0 : i32
      %dma_wait3A_46 = tpu.memref_slice %arg4[%add3A, %dma_wait3A_44, %dma_wait3A_45] : memref<32x125x80xi32, #tpu.memory_space<hbm>> -> memref<1x125x80xi32, #tpu.memory_space<hbm>>
      %dma_wait3A_47 = tpu.memref_squeeze %dma_wait3A_46 : memref<1x125x80xi32, #tpu.memory_space<hbm>> -> memref<125x80xi32, #tpu.memory_space<hbm>>
      tpu.wait_dma2 semaphore(%run_scoped3A : memref<!tpu.dma_semaphore, #tpu.memory_space<semaphore_mem>>) src(%dma_wait3A_47 : memref<125x80xi32, #tpu.memory_space<hbm>>) dst(%arg7 : memref<125x80xi32, #tpu.memory_space<vmem>>)
      tpu.yield
    }) : () -> ()
    "tpu.region"() ({
      %run_scoped3A = tpu.sem_alloc : memref<!tpu.dma_semaphore, #tpu.memory_space<semaphore_mem>>
      %dma_start3A_32 = arith.constant 0 : i32
      %dma_start3A_33 = arith.constant 0 : i32
      %dma_start3A_34 = tpu.memref_slice %arg5[%add3A, %dma_start3A_32, %dma_start3A_33] : memref<32x125x80xi32, #tpu.memory_space<hbm>> -> memref<1x125x80xi32, #tpu.memory_space<hbm>>
      %dma_start3A_35 = tpu.memref_squeeze %dma_start3A_34 : memref<1x125x80xi32, #tpu.memory_space<hbm>> -> memref<125x80xi32, #tpu.memory_space<hbm>>
      %dma_start3A_36 = arith.constant 0 : i32
      %dma_start3A_37 = arith.constant 0 : i32
      %dma_start3A_38 = tpu.memref_slice %arg5[%add3A, %dma_start3A_36, %dma_start3A_37] : memref<32x125x80xi32, #tpu.memory_space<hbm>> -> memref<1x125x80xi32, #tpu.memory_space<hbm>>
      %dma_start3A_39 = tpu.memref_squeeze %dma_start3A_38 : memref<1x125x80xi32, #tpu.memory_space<hbm>> -> memref<125x80xi32, #tpu.memory_space<hbm>>
      tpu.enqueue_dma source(%dma_start3A_39 : memref<125x80xi32, #tpu.memory_space<hbm>>) target(%arg8 : memref<125x80xi32, #tpu.memory_space<vmem>>) target_semaphore(%run_scoped3A : memref<!tpu.dma_semaphore, #tpu.memory_space<semaphore_mem>>)
      %dma_wait3A_40 = arith.constant 0 : i32
      %dma_wait3A_41 = arith.constant 0 : i32
      %dma_wait3A_42 = tpu.memref_slice %arg5[%add3A, %dma_wait3A_40, %dma_wait3A_41] : memref<32x125x80xi32, #tpu.memory_space<hbm>> -> memref<1x125x80xi32, #tpu.memory_space<hbm>>
      %dma_wait3A_43 = tpu.memref_squeeze %dma_wait3A_42 : memref<1x125x80xi32, #tpu.memory_space<hbm>> -> memref<125x80xi32, #tpu.memory_space<hbm>>
      %dma_wait3A_44 = arith.constant 0 : i32
      %dma_wait3A_45 = arith.constant 0 : i32
      %dma_wait3A_46 = tpu.memref_slice %arg5[%add3A, %dma_wait3A_44, %dma_wait3A_45] : memref<32x125x80xi32, #tpu.memory_space<hbm>> -> memref<1x125x80xi32, #tpu.memory_space<hbm>>
      %dma_wait3A_47 = tpu.memref_squeeze %dma_wait3A_46 : memref<1x125x80xi32, #tpu.memory_space<hbm>> -> memref<125x80xi32, #tpu.memory_space<hbm>>
      tpu.wait_dma2 semaphore(%run_scoped3A : memref<!tpu.dma_semaphore, #tpu.memory_space<semaphore_mem>>) src(%dma_wait3A_47 : memref<125x80xi32, #tpu.memory_space<hbm>>) dst(%arg8 : memref<125x80xi32, #tpu.memory_space<vmem>>)
      tpu.yield
    }) : () -> ()
    %mul3A_1 = arith.constant 10000 : i32
    %mul3A_2 = arith.muli %add3A, %mul3A_1 : i32
    %dma_start3A = arith.constant 0 : i32
    %dma_start3A_3 = arith.constant 0 : i32
    %dma_start3A_4 = tpu.memref_slice %arg7[%dma_start3A, %dma_start3A_3] : memref<125x80xi32, #tpu.memory_space<vmem>> -> memref<1x80xi32, #tpu.memory_space<vmem>>
    %dma_start3A_5 = tpu.memref_squeeze %dma_start3A_4 : memref<1x80xi32, #tpu.memory_space<vmem>> -> memref<80xi32, #tpu.memory_space<vmem>>
    %dma_start3A_6 = arith.constant 0 : i32
    %dma_start3A_7 = arith.constant 0 : i32
    %dma_start3A_8 = tpu.memref_slice %arg2[%dma_start3A_6, %dma_start3A_7] : memref<10000x64xf32, #tpu.memory_space<hbm>> -> memref<10000x64xf32, #tpu.memory_space<hbm>>
    tpu.enqueue_indirect_dma source(%dma_start3A_8 : memref<10000x64xf32, #tpu.memory_space<hbm>>) target(%arg9 : memref<80x64xf32, #tpu.memory_space<vmem>>) offsets(%dma_start3A_5 : memref<80xi32, #tpu.memory_space<vmem>>) semaphore(%arg15 : memref<!tpu.dma_semaphore, #tpu.memory_space<semaphore_mem>>)
    %dma_start3A_9 = arith.constant 0 : i32
    %dma_start3A_10 = arith.constant 0 : i32
    %dma_start3A_11 = tpu.memref_slice %arg8[%dma_start3A_9, %dma_start3A_10] : memref<125x80xi32, #tpu.memory_space<vmem>> -> memref<1x80xi32, #tpu.memory_space<vmem>>
    %dma_start3A_12 = tpu.memref_squeeze %dma_start3A_11 : memref<1x80xi32, #tpu.memory_space<vmem>> -> memref<80xi32, #tpu.memory_space<vmem>>
    %dma_start3A_13 = arith.constant 0 : i32
    %dma_start3A_14 = arith.constant 0 : i32
    %dma_start3A_15 = tpu.memref_slice %arg3[%dma_start3A_13, %dma_start3A_14] : memref<10000x64xf32, #tpu.memory_space<hbm>> -> memref<10000x64xf32, #tpu.memory_space<hbm>>
    tpu.enqueue_indirect_dma source(%dma_start3A_15 : memref<10000x64xf32, #tpu.memory_space<hbm>>) target(%arg11 : memref<80x64xf32, #tpu.memory_space<vmem>>) offsets(%dma_start3A_12 : memref<80xi32, #tpu.memory_space<vmem>>) semaphore(%arg17 : memref<!tpu.dma_semaphore, #tpu.memory_space<semaphore_mem>>)
    %scan3A = arith.constant 0 : i32
    %scan3A_16 = arith.constant 0 : i32
    %scan3A_17 = arith.constant 63 : i32
    %scan3A_18 = arith.addi %scan3A_16, %scan3A_17 : i32
    %scan3A_19 = arith.constant 1 : i32
    scf.for %scan3A_32 = %scan3A_16 to %scan3A_18 step %scan3A_19  : i32 {
      %mul3A_33 = arith.constant 2 : i32
      %mul3A_34 = arith.muli %mul3A_33, %scan3A_32 : i32
      %add3A_35 = arith.constant 1 : i32
      %add3A_36 = arith.addi %mul3A_34, %add3A_35 : i32
      %lt3A = arith.constant 125 : i32
      %lt3A_37 = arith.cmpi slt, %add3A_36, %lt3A : i32
      %convert_element_type3A = arith.extui %lt3A_37 : i1 to i32
      %cond3A = arith.constant 0 : i32
      %cond3A_38 = arith.cmpi ne, %convert_element_type3A, %cond3A : i32
      scf.if %cond3A_38 {
        %add3A_100 = arith.constant 1 : i32
        %add3A_101 = arith.addi %mul3A_34, %add3A_100 : i32
        %dma_start3A_102 = arith.constant 0 : i32
        %dma_start3A_103 = tpu.memref_slice %arg7[%add3A_101, %dma_start3A_102] : memref<125x80xi32, #tpu.memory_space<vmem>> -> memref<1x80xi32, #tpu.memory_space<vmem>>
        %dma_start3A_104 = tpu.memref_squeeze %dma_start3A_103 : memref<1x80xi32, #tpu.memory_space<vmem>> -> memref<80xi32, #tpu.memory_space<vmem>>
        %dma_start3A_105 = arith.constant 0 : i32
        %dma_start3A_106 = arith.constant 0 : i32
        %dma_start3A_107 = tpu.memref_slice %arg2[%dma_start3A_105, %dma_start3A_106] : memref<10000x64xf32, #tpu.memory_space<hbm>> -> memref<10000x64xf32, #tpu.memory_space<hbm>>
        tpu.enqueue_indirect_dma source(%dma_start3A_107 : memref<10000x64xf32, #tpu.memory_space<hbm>>) target(%arg10 : memref<80x64xf32, #tpu.memory_space<vmem>>) offsets(%dma_start3A_104 : memref<80xi32, #tpu.memory_space<vmem>>) semaphore(%arg16 : memref<!tpu.dma_semaphore, #tpu.memory_space<semaphore_mem>>)
        %dma_start3A_108 = arith.constant 0 : i32
        %dma_start3A_109 = tpu.memref_slice %arg8[%add3A_101, %dma_start3A_108] : memref<125x80xi32, #tpu.memory_space<vmem>> -> memref<1x80xi32, #tpu.memory_space<vmem>>
        %dma_start3A_110 = tpu.memref_squeeze %dma_start3A_109 : memref<1x80xi32, #tpu.memory_space<vmem>> -> memref<80xi32, #tpu.memory_space<vmem>>
        %dma_start3A_111 = arith.constant 0 : i32
        %dma_start3A_112 = arith.constant 0 : i32
        %dma_start3A_113 = tpu.memref_slice %arg3[%dma_start3A_111, %dma_start3A_112] : memref<10000x64xf32, #tpu.memory_space<hbm>> -> memref<10000x64xf32, #tpu.memory_space<hbm>>
        tpu.enqueue_indirect_dma source(%dma_start3A_113 : memref<10000x64xf32, #tpu.memory_space<hbm>>) target(%arg12 : memref<80x64xf32, #tpu.memory_space<vmem>>) offsets(%dma_start3A_110 : memref<80xi32, #tpu.memory_space<vmem>>) semaphore(%arg18 : memref<!tpu.dma_semaphore, #tpu.memory_space<semaphore_mem>>)
      } else {
      }
      %dma_wait3A_39 = arith.constant 0 : i32
      %dma_wait3A_40 = arith.constant 0 : i32
      %dma_wait3A_41 = tpu.memref_slice %arg7[%dma_wait3A_39, %dma_wait3A_40] : memref<125x80xi32, #tpu.memory_space<vmem>> -> memref<1x80xi32, #tpu.memory_space<vmem>>
      %dma_wait3A_42 = tpu.memref_squeeze %dma_wait3A_41 : memref<1x80xi32, #tpu.memory_space<vmem>> -> memref<80xi32, #tpu.memory_space<vmem>>
      %dma_wait3A_43 = arith.constant 0 : i32
      %dma_wait3A_44 = arith.constant 0 : i32
      %dma_wait3A_45 = tpu.memref_slice %arg2[%dma_wait3A_43, %dma_wait3A_44] : memref<10000x64xf32, #tpu.memory_space<hbm>> -> memref<10000x64xf32, #tpu.memory_space<hbm>>
      tpu.wait_indirect_dma semaphore(%arg15 : memref<!tpu.dma_semaphore, #tpu.memory_space<semaphore_mem>>) src(%dma_wait3A_45 : memref<10000x64xf32, #tpu.memory_space<hbm>>) dst(%arg9 : memref<80x64xf32, #tpu.memory_space<vmem>>)
      %dma_wait3A_46 = arith.constant 0 : i32
      %dma_wait3A_47 = arith.constant 0 : i32
      %dma_wait3A_48 = tpu.memref_slice %arg8[%dma_wait3A_46, %dma_wait3A_47] : memref<125x80xi32, #tpu.memory_space<vmem>> -> memref<1x80xi32, #tpu.memory_space<vmem>>
      %dma_wait3A_49 = tpu.memref_squeeze %dma_wait3A_48 : memref<1x80xi32, #tpu.memory_space<vmem>> -> memref<80xi32, #tpu.memory_space<vmem>>
      %dma_wait3A_50 = arith.constant 0 : i32
      %dma_wait3A_51 = arith.constant 0 : i32
      %dma_wait3A_52 = tpu.memref_slice %arg3[%dma_wait3A_50, %dma_wait3A_51] : memref<10000x64xf32, #tpu.memory_space<hbm>> -> memref<10000x64xf32, #tpu.memory_space<hbm>>
      tpu.wait_indirect_dma semaphore(%arg17 : memref<!tpu.dma_semaphore, #tpu.memory_space<semaphore_mem>>) src(%dma_wait3A_52 : memref<10000x64xf32, #tpu.memory_space<hbm>>) dst(%arg11 : memref<80x64xf32, #tpu.memory_space<vmem>>)
      %gt3A = arith.constant 0 : i32
      %gt3A_53 = arith.cmpi sgt, %scan3A_32, %gt3A : i32
      %convert_element_type3A_54 = arith.extui %gt3A_53 : i1 to i32
      %cond3A_55 = arith.constant 0 : i32
      %cond3A_56 = arith.cmpi ne, %convert_element_type3A_54, %cond3A_55 : i32
      scf.if %cond3A_56 {
        %dma_wait3A_100 = arith.constant 0 : i32
        %dma_wait3A_101 = arith.constant 0 : i32
        %dma_wait3A_102 = tpu.memref_slice %arg6[%dma_wait3A_100, %dma_wait3A_101] : memref<160000x128xf32, #tpu.memory_space<hbm>> -> memref<40x128xf32, #tpu.memory_space<hbm>>
        %dma_wait3A_103 = arith.constant 0 : i32
        %dma_wait3A_104 = arith.constant 0 : i32
        %dma_wait3A_105 = tpu.memref_slice %arg6[%dma_wait3A_103, %dma_wait3A_104] : memref<160000x128xf32, #tpu.memory_space<hbm>> -> memref<40x128xf32, #tpu.memory_space<hbm>>
        tpu.wait_dma2 semaphore(%arg19 : memref<!tpu.dma_semaphore, #tpu.memory_space<semaphore_mem>>) src(%arg13 : memref<40x128xf32, #tpu.memory_space<vmem>>) dst(%dma_wait3A_105 : memref<40x128xf32, #tpu.memory_space<hbm>>)
      } else {
      }
      %scan3A_57 = arith.constant 0 : i32
      %scan3A_58 = arith.constant 0 : i32
      %scan3A_59 = arith.constant 40 : i32
      %scan3A_60 = arith.addi %scan3A_58, %scan3A_59 : i32
      %scan3A_61 = arith.constant 1 : i32
      scf.for %scan3A_100 = %scan3A_58 to %scan3A_60 step %scan3A_61  : i32 {
        %mul3A_101 = arith.constant 2 : i32
        %mul3A_102 = arith.muli %mul3A_101, %scan3A_100 : i32
        %add3A_103 = arith.constant 0 : i32
        %add3A_104 = arith.addi %mul3A_102, %add3A_103 : i32
        %get3A = arith.index_cast %add3A_104 : i32 to index
        %get3A_105 = arith.constant 0 : index
        %get3A_106 = tpu.vector_load %arg9[%get3A, %get3A_105] {strides = array<i32>} : memref<80x64xf32, #tpu.memory_space<vmem>>, vector<1x16xf32>,
        %get3A_107 = vector.shape_cast %get3A_106 : vector<1x16xf32> to vector<16xf32>
        %get3A_108 = arith.index_cast %add3A_104 : i32 to index
        %get3A_109 = arith.constant 0 : index
        %get3A_110 = tpu.vector_load %arg11[%get3A_108, %get3A_109] {strides = array<i32>} : memref<80x64xf32, #tpu.memory_space<vmem>>, vector<1x16xf32>,
        %get3A_111 = vector.shape_cast %get3A_110 : vector<1x16xf32> to vector<16xf32>
        %add3A_112 = arith.addf %get3A_107, %get3A_111 : vector<16xf32>
        %swap3A = arith.index_cast %scan3A_100 : i32 to index
        %swap3A_113 = arith.constant 0 : index
        %swap3A_114 = tpu.vector_load %arg13[%swap3A, %swap3A_113] {strides = array<i32>} : memref<40x128xf32, #tpu.memory_space<vmem>>, vector<1x16xf32>,
        %swap3A_115 = vector.shape_cast %swap3A_114 : vector<1x16xf32> to vector<16xf32>
        %swap3A_116 = vector.shape_cast %add3A_112 : vector<16xf32> to vector<1x16xf32>
        tpu.vector_store %arg13[%swap3A, %swap3A_113], %swap3A_116 {strides = array<i32>} : memref<40x128xf32, #tpu.memory_space<vmem>>, vector<1x16xf32>,
        %mul3A_117 = arith.constant 2 : i32
        %mul3A_118 = arith.muli %mul3A_117, %scan3A_100 : i32
        %add3A_119 = arith.constant 0 : i32
        %add3A_120 = arith.addi %mul3A_118, %add3A_119 : i32
        %get3A_121 = arith.index_cast %add3A_120 : i32 to index
        %get3A_122 = arith.constant 16 : index
        %get3A_123 = tpu.vector_load %arg9[%get3A_121, %get3A_122] {strides = array<i32>} : memref<80x64xf32, #tpu.memory_space<vmem>>, vector<1x16xf32>,
        %get3A_124 = vector.shape_cast %get3A_123 : vector<1x16xf32> to vector<16xf32>
        %get3A_125 = arith.index_cast %add3A_120 : i32 to index
        %get3A_126 = arith.constant 16 : index
        %get3A_127 = tpu.vector_load %arg11[%get3A_125, %get3A_126] {strides = array<i32>} : memref<80x64xf32, #tpu.memory_space<vmem>>, vector<1x16xf32>,
        %get3A_128 = vector.shape_cast %get3A_127 : vector<1x16xf32> to vector<16xf32>
        %add3A_129 = arith.addf %get3A_124, %get3A_128 : vector<16xf32>
        %swap3A_130 = arith.index_cast %scan3A_100 : i32 to index
        %swap3A_131 = arith.constant 16 : index
        %swap3A_132 = tpu.vector_load %arg13[%swap3A_130, %swap3A_131] {strides = array<i32>} : memref<40x128xf32, #tpu.memory_space<vmem>>, vector<1x16xf32>,
        %swap3A_133 = vector.shape_cast %swap3A_132 : vector<1x16xf32> to vector<16xf32>
        %swap3A_134 = vector.shape_cast %add3A_129 : vector<16xf32> to vector<1x16xf32>
        tpu.vector_store %arg13[%swap3A_130, %swap3A_131], %swap3A_134 {strides = array<i32>} : memref<40x128xf32, #tpu.memory_space<vmem>>, vector<1x16xf32>,
        %mul3A_135 = arith.constant 2 : i32
        %mul3A_136 = arith.muli %mul3A_135, %scan3A_100 : i32
        %add3A_137 = arith.constant 0 : i32
        %add3A_138 = arith.addi %mul3A_136, %add3A_137 : i32
        %get3A_139 = arith.index_cast %add3A_138 : i32 to index
        %get3A_140 = arith.constant 32 : index
        %get3A_141 = tpu.vector_load %arg9[%get3A_139, %get3A_140] {strides = array<i32>} : memref<80x64xf32, #tpu.memory_space<vmem>>, vector<1x16xf32>,
        %get3A_142 = vector.shape_cast %get3A_141 : vector<1x16xf32> to vector<16xf32>
        %get3A_143 = arith.index_cast %add3A_138 : i32 to index
        %get3A_144 = arith.constant 32 : index
        %get3A_145 = tpu.vector_load %arg11[%get3A_143, %get3A_144] {strides = array<i32>} : memref<80x64xf32, #tpu.memory_space<vmem>>, vector<1x16xf32>,
        %get3A_146 = vector.shape_cast %get3A_145 : vector<1x16xf32> to vector<16xf32>
        %add3A_147 = arith.addf %get3A_142, %get3A_146 : vector<16xf32>
        %swap3A_148 = arith.index_cast %scan3A_100 : i32 to index
        %swap3A_149 = arith.constant 32 : index
        %swap3A_150 = tpu.vector_load %arg13[%swap3A_148, %swap3A_149] {strides = array<i32>} : memref<40x128xf32, #tpu.memory_space<vmem>>, vector<1x16xf32>,
        %swap3A_151 = vector.shape_cast %swap3A_150 : vector<1x16xf32> to vector<16xf32>
        %swap3A_152 = vector.shape_cast %add3A_147 : vector<16xf32> to vector<1x16xf32>
        tpu.vector_store %arg13[%swap3A_148, %swap3A_149], %swap3A_152 {strides = array<i32>} : memref<40x128xf32, #tpu.memory_space<vmem>>, vector<1x16xf32>,
        %mul3A_153 = arith.constant 2 : i32
        %mul3A_154 = arith.muli %mul3A_153, %scan3A_100 : i32
        %add3A_155 = arith.constant 0 : i32
        %add3A_156 = arith.addi %mul3A_154, %add3A_155 : i32
        %get3A_157 = arith.index_cast %add3A_156 : i32 to index
        %get3A_158 = arith.constant 48 : index
        %get3A_159 = tpu.vector_load %arg9[%get3A_157, %get3A_158] {strides = array<i32>} : memref<80x64xf32, #tpu.memory_space<vmem>>, vector<1x16xf32>,
        %get3A_160 = vector.shape_cast %get3A_159 : vector<1x16xf32> to vector<16xf32>
        %get3A_161 = arith.index_cast %add3A_156 : i32 to index
        %get3A_162 = arith.constant 48 : index
        %get3A_163 = tpu.vector_load %arg11[%get3A_161, %get3A_162] {strides = array<i32>} : memref<80x64xf32, #tpu.memory_space<vmem>>, vector<1x16xf32>,
        %get3A_164 = vector.shape_cast %get3A_163 : vector<1x16xf32> to vector<16xf32>
        %add3A_165 = arith.addf %get3A_160, %get3A_164 : vector<16xf32>
        %swap3A_166 = arith.index_cast %scan3A_100 : i32 to index
        %swap3A_167 = arith.constant 48 : index
        %swap3A_168 = tpu.vector_load %arg13[%swap3A_166, %swap3A_167] {strides = array<i32>} : memref<40x128xf32, #tpu.memory_space<vmem>>, vector<1x16xf32>,
        %swap3A_169 = vector.shape_cast %swap3A_168 : vector<1x16xf32> to vector<16xf32>
        %swap3A_170 = vector.shape_cast %add3A_165 : vector<16xf32> to vector<1x16xf32>
        tpu.vector_store %arg13[%swap3A_166, %swap3A_167], %swap3A_170 {strides = array<i32>} : memref<40x128xf32, #tpu.memory_space<vmem>>, vector<1x16xf32>,
        %mul3A_171 = arith.constant 2 : i32
        %mul3A_172 = arith.muli %mul3A_171, %scan3A_100 : i32
        %add3A_173 = arith.constant 1 : i32
        %add3A_174 = arith.addi %mul3A_172, %add3A_173 : i32
        %get3A_175 = arith.index_cast %add3A_174 : i32 to index
        %get3A_176 = arith.constant 0 : index
        %get3A_177 = tpu.vector_load %arg9[%get3A_175, %get3A_176] {strides = array<i32>} : memref<80x64xf32, #tpu.memory_space<vmem>>, vector<1x16xf32>,
        %get3A_178 = vector.shape_cast %get3A_177 : vector<1x16xf32> to vector<16xf32>
        %get3A_179 = arith.index_cast %add3A_174 : i32 to index
        %get3A_180 = arith.constant 0 : index
        %get3A_181 = tpu.vector_load %arg11[%get3A_179, %get3A_180] {strides = array<i32>} : memref<80x64xf32, #tpu.memory_space<vmem>>, vector<1x16xf32>,
        %get3A_182 = vector.shape_cast %get3A_181 : vector<1x16xf32> to vector<16xf32>
        %add3A_183 = arith.addf %get3A_178, %get3A_182 : vector<16xf32>
        %swap3A_184 = arith.index_cast %scan3A_100 : i32 to index
        %swap3A_185 = arith.constant 64 : index
        %swap3A_186 = tpu.vector_load %arg13[%swap3A_184, %swap3A_185] {strides = array<i32>} : memref<40x128xf32, #tpu.memory_space<vmem>>, vector<1x16xf32>,
        %swap3A_187 = vector.shape_cast %swap3A_186 : vector<1x16xf32> to vector<16xf32>
        %swap3A_188 = vector.shape_cast %add3A_183 : vector<16xf32> to vector<1x16xf32>
        tpu.vector_store %arg13[%swap3A_184, %swap3A_185], %swap3A_188 {strides = array<i32>} : memref<40x128xf32, #tpu.memory_space<vmem>>, vector<1x16xf32>,
        %mul3A_189 = arith.constant 2 : i32
        %mul3A_190 = arith.muli %mul3A_189, %scan3A_100 : i32
        %add3A_191 = arith.constant 1 : i32
        %add3A_192 = arith.addi %mul3A_190, %add3A_191 : i32
        %get3A_193 = arith.index_cast %add3A_192 : i32 to index
        %get3A_194 = arith.constant 16 : index
        %get3A_195 = tpu.vector_load %arg9[%get3A_193, %get3A_194] {strides = array<i32>} : memref<80x64xf32, #tpu.memory_space<vmem>>, vector<1x16xf32>,
        %get3A_196 = vector.shape_cast %get3A_195 : vector<1x16xf32> to vector<16xf32>
        %get3A_197 = arith.index_cast %add3A_192 : i32 to index
        %get3A_198 = arith.constant 16 : index
        %get3A_199 = tpu.vector_load %arg11[%get3A_197, %get3A_198] {strides = array<i32>} : memref<80x64xf32, #tpu.memory_space<vmem>>, vector<1x16xf32>,
        %get3A_200 = vector.shape_cast %get3A_199 : vector<1x16xf32> to vector<16xf32>
        %add3A_201 = arith.addf %get3A_196, %get3A_200 : vector<16xf32>
        %swap3A_202 = arith.index_cast %scan3A_100 : i32 to index
        %swap3A_203 = arith.constant 80 : index
        %swap3A_204 = tpu.vector_load %arg13[%swap3A_202, %swap3A_203] {strides = array<i32>} : memref<40x128xf32, #tpu.memory_space<vmem>>, vector<1x16xf32>,
        %swap3A_205 = vector.shape_cast %swap3A_204 : vector<1x16xf32> to vector<16xf32>
        %swap3A_206 = vector.shape_cast %add3A_201 : vector<16xf32> to vector<1x16xf32>
        tpu.vector_store %arg13[%swap3A_202, %swap3A_203], %swap3A_206 {strides = array<i32>} : memref<40x128xf32, #tpu.memory_space<vmem>>, vector<1x16xf32>,
        %mul3A_207 = arith.constant 2 : i32
        %mul3A_208 = arith.muli %mul3A_207, %scan3A_100 : i32
        %add3A_209 = arith.constant 1 : i32
        %add3A_210 = arith.addi %mul3A_208, %add3A_209 : i32
        %get3A_211 = arith.index_cast %add3A_210 : i32 to index
        %get3A_212 = arith.constant 32 : index
        %get3A_213 = tpu.vector_load %arg9[%get3A_211, %get3A_212] {strides = array<i32>} : memref<80x64xf32, #tpu.memory_space<vmem>>, vector<1x16xf32>,
        %get3A_214 = vector.shape_cast %get3A_213 : vector<1x16xf32> to vector<16xf32>
        %get3A_215 = arith.index_cast %add3A_210 : i32 to index
        %get3A_216 = arith.constant 32 : index
        %get3A_217 = tpu.vector_load %arg11[%get3A_215, %get3A_216] {strides = array<i32>} : memref<80x64xf32, #tpu.memory_space<vmem>>, vector<1x16xf32>,
        %get3A_218 = vector.shape_cast %get3A_217 : vector<1x16xf32> to vector<16xf32>
        %add3A_219 = arith.addf %get3A_214, %get3A_218 : vector<16xf32>
        %swap3A_220 = arith.index_cast %scan3A_100 : i32 to index
        %swap3A_221 = arith.constant 96 : index
        %swap3A_222 = tpu.vector_load %arg13[%swap3A_220, %swap3A_221] {strides = array<i32>} : memref<40x128xf32, #tpu.memory_space<vmem>>, vector<1x16xf32>,
        %swap3A_223 = vector.shape_cast %swap3A_222 : vector<1x16xf32> to vector<16xf32>
        %swap3A_224 = vector.shape_cast %add3A_219 : vector<16xf32> to vector<1x16xf32>
        tpu.vector_store %arg13[%swap3A_220, %swap3A_221], %swap3A_224 {strides = array<i32>} : memref<40x128xf32, #tpu.memory_space<vmem>>, vector<1x16xf32>,
        %mul3A_225 = arith.constant 2 : i32
        %mul3A_226 = arith.muli %mul3A_225, %scan3A_100 : i32
        %add3A_227 = arith.constant 1 : i32
        %add3A_228 = arith.addi %mul3A_226, %add3A_227 : i32
        %get3A_229 = arith.index_cast %add3A_228 : i32 to index
        %get3A_230 = arith.constant 48 : index
        %get3A_231 = tpu.vector_load %arg9[%get3A_229, %get3A_230] {strides = array<i32>} : memref<80x64xf32, #tpu.memory_space<vmem>>, vector<1x16xf32>,
        %get3A_232 = vector.shape_cast %get3A_231 : vector<1x16xf32> to vector<16xf32>
        %get3A_233 = arith.index_cast %add3A_228 : i32 to index
        %get3A_234 = arith.constant 48 : index
        %get3A_235 = tpu.vector_load %arg11[%get3A_233, %get3A_234] {strides = array<i32>} : memref<80x64xf32, #tpu.memory_space<vmem>>, vector<1x16xf32>,
        %get3A_236 = vector.shape_cast %get3A_235 : vector<1x16xf32> to vector<16xf32>
        %add3A_237 = arith.addf %get3A_232, %get3A_236 : vector<16xf32>
        %swap3A_238 = arith.index_cast %scan3A_100 : i32 to index
        %swap3A_239 = arith.constant 112 : index
        %swap3A_240 = tpu.vector_load %arg13[%swap3A_238, %swap3A_239] {strides = array<i32>} : memref<40x128xf32, #tpu.memory_space<vmem>>, vector<1x16xf32>,
        %swap3A_241 = vector.shape_cast %swap3A_240 : vector<1x16xf32> to vector<16xf32>
        %swap3A_242 = vector.shape_cast %add3A_237 : vector<16xf32> to vector<1x16xf32>
        tpu.vector_store %arg13[%swap3A_238, %swap3A_239], %swap3A_242 {strides = array<i32>} : memref<40x128xf32, #tpu.memory_space<vmem>>, vector<1x16xf32>,
      }
      %scan3A_62 = arith.constant 40 : i32
      %mul3A_63 = arith.constant 80 : i32
      %mul3A_64 = arith.muli %mul3A_34, %mul3A_63 : i32
      %add3A_65 = arith.addi %mul3A_2, %mul3A_64 : i32
      %jit3A = arith.constant 2 : i32
      %div3A = arith.divsi %add3A_65, %jit3A : i32
      %sign3A = arith.constant 0 : i32
      %sign3A_66 = arith.cmpi sgt, %add3A_65, %sign3A : i32
      %sign3A_67 = arith.extui %sign3A_66 : i1 to i32
      %sign3A_68 = arith.constant 0 : i32
      %sign3A_69 = arith.cmpi slt, %add3A_65, %sign3A_68 : i32
      %sign3A_70 = arith.extui %sign3A_69 : i1 to i32
      %sign3A_71 = arith.subi %sign3A_67, %sign3A_70 : i32
      %sign3A_72 = arith.constant 0 : i32
      %sign3A_73 = arith.cmpi sgt, %jit3A, %sign3A_72 : i32
      %sign3A_74 = arith.extui %sign3A_73 : i1 to i32
      %sign3A_75 = arith.constant 0 : i32
      %sign3A_76 = arith.cmpi slt, %jit3A, %sign3A_75 : i32
      %sign3A_77 = arith.extui %sign3A_76 : i1 to i32
      %sign3A_78 = arith.subi %sign3A_74, %sign3A_77 : i32
      %ne3A = arith.cmpi ne, %sign3A_71, %sign3A_78 : i32
      %rem3A = arith.remsi %add3A_65, %jit3A : i32
      %ne3A_79 = arith.constant 0 : i32
      %ne3A_80 = arith.cmpi ne, %rem3A, %ne3A_79 : i32
      %and3A = arith.andi %ne3A, %ne3A_80 : i1
      %sub3A = arith.constant 1 : i32
      %sub3A_81 = arith.subi %div3A, %sub3A : i32
      %select_n3A = arith.select %and3A, %sub3A_81, %div3A : i32
      %multiple_of3A = tpu.assume_multiple %select_n3A, 8 : i32
      %dma_start3A_82 = arith.constant 0 : i32
      %dma_start3A_83 = tpu.memref_slice %arg6[%multiple_of3A, %dma_start3A_82] : memref<160000x128xf32, #tpu.memory_space<hbm>> -> memref<40x128xf32, #tpu.memory_space<hbm>>
      %dma_start3A_84 = arith.constant 0 : i32
      %dma_start3A_85 = tpu.memref_slice %arg6[%multiple_of3A, %dma_start3A_84] : memref<160000x128xf32, #tpu.memory_space<hbm>> -> memref<40x128xf32, #tpu.memory_space<hbm>>
      tpu.enqueue_dma source(%arg13 : memref<40x128xf32, #tpu.memory_space<vmem>>) target(%dma_start3A_85 : memref<40x128xf32, #tpu.memory_space<hbm>>) target_semaphore(%arg19 : memref<!tpu.dma_semaphore, #tpu.memory_space<semaphore_mem>>)
      %add3A_86 = arith.constant 2 : i32
      %add3A_87 = arith.addi %mul3A_34, %add3A_86 : i32
      %lt3A_88 = arith.constant 125 : i32
      %lt3A_89 = arith.cmpi slt, %add3A_87, %lt3A_88 : i32
      %convert_element_type3A_90 = arith.extui %lt3A_89 : i1 to i32
      %cond3A_91 = arith.constant 0 : i32
      %cond3A_92 = arith.cmpi ne, %convert_element_type3A_90, %cond3A_91 : i32
      scf.if %cond3A_92 {
        %add3A_100 = arith.constant 2 : i32
        %add3A_101 = arith.addi %mul3A_34, %add3A_100 : i32
        %dma_start3A_102 = arith.constant 0 : i32
        %dma_start3A_103 = tpu.memref_slice %arg7[%add3A_101, %dma_start3A_102] : memref<125x80xi32, #tpu.memory_space<vmem>> -> memref<1x80xi32, #tpu.memory_space<vmem>>
        %dma_start3A_104 = tpu.memref_squeeze %dma_start3A_103 : memref<1x80xi32, #tpu.memory_space<vmem>> -> memref<80xi32, #tpu.memory_space<vmem>>
        %dma_start3A_105 = arith.constant 0 : i32
        %dma_start3A_106 = arith.constant 0 : i32
        %dma_start3A_107 = tpu.memref_slice %arg2[%dma_start3A_105, %dma_start3A_106] : memref<10000x64xf32, #tpu.memory_space<hbm>> -> memref<10000x64xf32, #tpu.memory_space<hbm>>
        tpu.enqueue_indirect_dma source(%dma_start3A_107 : memref<10000x64xf32, #tpu.memory_space<hbm>>) target(%arg9 : memref<80x64xf32, #tpu.memory_space<vmem>>) offsets(%dma_start3A_104 : memref<80xi32, #tpu.memory_space<vmem>>) semaphore(%arg15 : memref<!tpu.dma_semaphore, #tpu.memory_space<semaphore_mem>>)
        %dma_start3A_108 = arith.constant 0 : i32
        %dma_start3A_109 = tpu.memref_slice %arg8[%add3A_101, %dma_start3A_108] : memref<125x80xi32, #tpu.memory_space<vmem>> -> memref<1x80xi32, #tpu.memory_space<vmem>>
        %dma_start3A_110 = tpu.memref_squeeze %dma_start3A_109 : memref<1x80xi32, #tpu.memory_space<vmem>> -> memref<80xi32, #tpu.memory_space<vmem>>
        %dma_start3A_111 = arith.constant 0 : i32
        %dma_start3A_112 = arith.constant 0 : i32
        %dma_start3A_113 = tpu.memref_slice %arg3[%dma_start3A_111, %dma_start3A_112] : memref<10000x64xf32, #tpu.memory_space<hbm>> -> memref<10000x64xf32, #tpu.memory_space<hbm>>
        tpu.enqueue_indirect_dma source(%dma_start3A_113 : memref<10000x64xf32, #tpu.memory_space<hbm>>) target(%arg11 : memref<80x64xf32, #tpu.memory_space<vmem>>) offsets(%dma_start3A_110 : memref<80xi32, #tpu.memory_space<vmem>>) semaphore(%arg17 : memref<!tpu.dma_semaphore, #tpu.memory_space<semaphore_mem>>)
      } else {
      }
      %add3A_93 = arith.constant 1 : i32
      %add3A_94 = arith.addi %mul3A_34, %add3A_93 : i32
      %lt3A_95 = arith.constant 125 : i32
      %lt3A_96 = arith.cmpi slt, %add3A_94, %lt3A_95 : i32
      %convert_element_type3A_97 = arith.extui %lt3A_96 : i1 to i32
      %cond3A_98 = arith.constant 0 : i32
      %cond3A_99 = arith.cmpi ne, %convert_element_type3A_97, %cond3A_98 : i32
      scf.if %cond3A_99 {
        %dma_wait3A_100 = arith.constant 0 : i32
        %dma_wait3A_101 = arith.constant 0 : i32
        %dma_wait3A_102 = tpu.memref_slice %arg7[%dma_wait3A_100, %dma_wait3A_101] : memref<125x80xi32, #tpu.memory_space<vmem>> -> memref<1x80xi32, #tpu.memory_space<vmem>>
        %dma_wait3A_103 = tpu.memref_squeeze %dma_wait3A_102 : memref<1x80xi32, #tpu.memory_space<vmem>> -> memref<80xi32, #tpu.memory_space<vmem>>
        %dma_wait3A_104 = arith.constant 0 : i32
        %dma_wait3A_105 = arith.constant 0 : i32
        %dma_wait3A_106 = tpu.memref_slice %arg2[%dma_wait3A_104, %dma_wait3A_105] : memref<10000x64xf32, #tpu.memory_space<hbm>> -> memref<10000x64xf32, #tpu.memory_space<hbm>>
        tpu.wait_indirect_dma semaphore(%arg16 : memref<!tpu.dma_semaphore, #tpu.memory_space<semaphore_mem>>) src(%dma_wait3A_106 : memref<10000x64xf32, #tpu.memory_space<hbm>>) dst(%arg10 : memref<80x64xf32, #tpu.memory_space<vmem>>)
        %dma_wait3A_107 = arith.constant 0 : i32
        %dma_wait3A_108 = arith.constant 0 : i32
        %dma_wait3A_109 = tpu.memref_slice %arg8[%dma_wait3A_107, %dma_wait3A_108] : memref<125x80xi32, #tpu.memory_space<vmem>> -> memref<1x80xi32, #tpu.memory_space<vmem>>
        %dma_wait3A_110 = tpu.memref_squeeze %dma_wait3A_109 : memref<1x80xi32, #tpu.memory_space<vmem>> -> memref<80xi32, #tpu.memory_space<vmem>>
        %dma_wait3A_111 = arith.constant 0 : i32
        %dma_wait3A_112 = arith.constant 0 : i32
        %dma_wait3A_113 = tpu.memref_slice %arg3[%dma_wait3A_111, %dma_wait3A_112] : memref<10000x64xf32, #tpu.memory_space<hbm>> -> memref<10000x64xf32, #tpu.memory_space<hbm>>
        tpu.wait_indirect_dma semaphore(%arg18 : memref<!tpu.dma_semaphore, #tpu.memory_space<semaphore_mem>>) src(%dma_wait3A_113 : memref<10000x64xf32, #tpu.memory_space<hbm>>) dst(%arg12 : memref<80x64xf32, #tpu.memory_space<vmem>>)
        %gt3A_114 = arith.constant 0 : i32
        %gt3A_115 = arith.cmpi sgt, %scan3A_32, %gt3A_114 : i32
        %convert_element_type3A_116 = arith.extui %gt3A_115 : i1 to i32
        %cond3A_117 = arith.constant 0 : i32
        %cond3A_118 = arith.cmpi ne, %convert_element_type3A_116, %cond3A_117 : i32
        scf.if %cond3A_118 {
          %dma_wait3A_159 = arith.constant 0 : i32
          %dma_wait3A_160 = arith.constant 0 : i32
          %dma_wait3A_161 = tpu.memref_slice %arg6[%dma_wait3A_159, %dma_wait3A_160] : memref<160000x128xf32, #tpu.memory_space<hbm>> -> memref<40x128xf32, #tpu.memory_space<hbm>>
          %dma_wait3A_162 = arith.constant 0 : i32
          %dma_wait3A_163 = arith.constant 0 : i32
          %dma_wait3A_164 = tpu.memref_slice %arg6[%dma_wait3A_162, %dma_wait3A_163] : memref<160000x128xf32, #tpu.memory_space<hbm>> -> memref<40x128xf32, #tpu.memory_space<hbm>>
          tpu.wait_dma2 semaphore(%arg20 : memref<!tpu.dma_semaphore, #tpu.memory_space<semaphore_mem>>) src(%arg14 : memref<40x128xf32, #tpu.memory_space<vmem>>) dst(%dma_wait3A_164 : memref<40x128xf32, #tpu.memory_space<hbm>>)
        } else {
        }
        %scan3A_119 = arith.constant 0 : i32
        %scan3A_120 = arith.constant 0 : i32
        %scan3A_121 = arith.constant 40 : i32
        %scan3A_122 = arith.addi %scan3A_120, %scan3A_121 : i32
        %scan3A_123 = arith.constant 1 : i32
        scf.for %scan3A_159 = %scan3A_120 to %scan3A_122 step %scan3A_123  : i32 {
          %mul3A_160 = arith.constant 2 : i32
          %mul3A_161 = arith.muli %mul3A_160, %scan3A_159 : i32
          %add3A_162 = arith.constant 0 : i32
          %add3A_163 = arith.addi %mul3A_161, %add3A_162 : i32
          %get3A = arith.index_cast %add3A_163 : i32 to index
          %get3A_164 = arith.constant 0 : index
          %get3A_165 = tpu.vector_load %arg10[%get3A, %get3A_164] {strides = array<i32>} : memref<80x64xf32, #tpu.memory_space<vmem>>, vector<1x16xf32>,
          %get3A_166 = vector.shape_cast %get3A_165 : vector<1x16xf32> to vector<16xf32>
          %get3A_167 = arith.index_cast %add3A_163 : i32 to index
          %get3A_168 = arith.constant 0 : index
          %get3A_169 = tpu.vector_load %arg12[%get3A_167, %get3A_168] {strides = array<i32>} : memref<80x64xf32, #tpu.memory_space<vmem>>, vector<1x16xf32>,
          %get3A_170 = vector.shape_cast %get3A_169 : vector<1x16xf32> to vector<16xf32>
          %add3A_171 = arith.addf %get3A_166, %get3A_170 : vector<16xf32>
          %swap3A = arith.index_cast %scan3A_159 : i32 to index
          %swap3A_172 = arith.constant 0 : index
          %swap3A_173 = tpu.vector_load %arg14[%swap3A, %swap3A_172] {strides = array<i32>} : memref<40x128xf32, #tpu.memory_space<vmem>>, vector<1x16xf32>,
          %swap3A_174 = vector.shape_cast %swap3A_173 : vector<1x16xf32> to vector<16xf32>
          %swap3A_175 = vector.shape_cast %add3A_171 : vector<16xf32> to vector<1x16xf32>
          tpu.vector_store %arg14[%swap3A, %swap3A_172], %swap3A_175 {strides = array<i32>} : memref<40x128xf32, #tpu.memory_space<vmem>>, vector<1x16xf32>,
          %mul3A_176 = arith.constant 2 : i32
          %mul3A_177 = arith.muli %mul3A_176, %scan3A_159 : i32
          %add3A_178 = arith.constant 0 : i32
          %add3A_179 = arith.addi %mul3A_177, %add3A_178 : i32
          %get3A_180 = arith.index_cast %add3A_179 : i32 to index
          %get3A_181 = arith.constant 16 : index
          %get3A_182 = tpu.vector_load %arg10[%get3A_180, %get3A_181] {strides = array<i32>} : memref<80x64xf32, #tpu.memory_space<vmem>>, vector<1x16xf32>,
          %get3A_183 = vector.shape_cast %get3A_182 : vector<1x16xf32> to vector<16xf32>
          %get3A_184 = arith.index_cast %add3A_179 : i32 to index
          %get3A_185 = arith.constant 16 : index
          %get3A_186 = tpu.vector_load %arg12[%get3A_184, %get3A_185] {strides = array<i32>} : memref<80x64xf32, #tpu.memory_space<vmem>>, vector<1x16xf32>,
          %get3A_187 = vector.shape_cast %get3A_186 : vector<1x16xf32> to vector<16xf32>
          %add3A_188 = arith.addf %get3A_183, %get3A_187 : vector<16xf32>
          %swap3A_189 = arith.index_cast %scan3A_159 : i32 to index
          %swap3A_190 = arith.constant 16 : index
          %swap3A_191 = tpu.vector_load %arg14[%swap3A_189, %swap3A_190] {strides = array<i32>} : memref<40x128xf32, #tpu.memory_space<vmem>>, vector<1x16xf32>,
          %swap3A_192 = vector.shape_cast %swap3A_191 : vector<1x16xf32> to vector<16xf32>
          %swap3A_193 = vector.shape_cast %add3A_188 : vector<16xf32> to vector<1x16xf32>
          tpu.vector_store %arg14[%swap3A_189, %swap3A_190], %swap3A_193 {strides = array<i32>} : memref<40x128xf32, #tpu.memory_space<vmem>>, vector<1x16xf32>,
          %mul3A_194 = arith.constant 2 : i32
          %mul3A_195 = arith.muli %mul3A_194, %scan3A_159 : i32
          %add3A_196 = arith.constant 0 : i32
          %add3A_197 = arith.addi %mul3A_195, %add3A_196 : i32
          %get3A_198 = arith.index_cast %add3A_197 : i32 to index
          %get3A_199 = arith.constant 32 : index
          %get3A_200 = tpu.vector_load %arg10[%get3A_198, %get3A_199] {strides = array<i32>} : memref<80x64xf32, #tpu.memory_space<vmem>>, vector<1x16xf32>,
          %get3A_201 = vector.shape_cast %get3A_200 : vector<1x16xf32> to vector<16xf32>
          %get3A_202 = arith.index_cast %add3A_197 : i32 to index
          %get3A_203 = arith.constant 32 : index
          %get3A_204 = tpu.vector_load %arg12[%get3A_202, %get3A_203] {strides = array<i32>} : memref<80x64xf32, #tpu.memory_space<vmem>>, vector<1x16xf32>,
          %get3A_205 = vector.shape_cast %get3A_204 : vector<1x16xf32> to vector<16xf32>
          %add3A_206 = arith.addf %get3A_201, %get3A_205 : vector<16xf32>
          %swap3A_207 = arith.index_cast %scan3A_159 : i32 to index
          %swap3A_208 = arith.constant 32 : index
          %swap3A_209 = tpu.vector_load %arg14[%swap3A_207, %swap3A_208] {strides = array<i32>} : memref<40x128xf32, #tpu.memory_space<vmem>>, vector<1x16xf32>,
          %swap3A_210 = vector.shape_cast %swap3A_209 : vector<1x16xf32> to vector<16xf32>
          %swap3A_211 = vector.shape_cast %add3A_206 : vector<16xf32> to vector<1x16xf32>
          tpu.vector_store %arg14[%swap3A_207, %swap3A_208], %swap3A_211 {strides = array<i32>} : memref<40x128xf32, #tpu.memory_space<vmem>>, vector<1x16xf32>,
          %mul3A_212 = arith.constant 2 : i32
          %mul3A_213 = arith.muli %mul3A_212, %scan3A_159 : i32
          %add3A_214 = arith.constant 0 : i32
          %add3A_215 = arith.addi %mul3A_213, %add3A_214 : i32
          %get3A_216 = arith.index_cast %add3A_215 : i32 to index
          %get3A_217 = arith.constant 48 : index
          %get3A_218 = tpu.vector_load %arg10[%get3A_216, %get3A_217] {strides = array<i32>} : memref<80x64xf32, #tpu.memory_space<vmem>>, vector<1x16xf32>,
          %get3A_219 = vector.shape_cast %get3A_218 : vector<1x16xf32> to vector<16xf32>
          %get3A_220 = arith.index_cast %add3A_215 : i32 to index
          %get3A_221 = arith.constant 48 : index
          %get3A_222 = tpu.vector_load %arg12[%get3A_220, %get3A_221] {strides = array<i32>} : memref<80x64xf32, #tpu.memory_space<vmem>>, vector<1x16xf32>,
          %get3A_223 = vector.shape_cast %get3A_222 : vector<1x16xf32> to vector<16xf32>
          %add3A_224 = arith.addf %get3A_219, %get3A_223 : vector<16xf32>
          %swap3A_225 = arith.index_cast %scan3A_159 : i32 to index
          %swap3A_226 = arith.constant 48 : index
          %swap3A_227 = tpu.vector_load %arg14[%swap3A_225, %swap3A_226] {strides = array<i32>} : memref<40x128xf32, #tpu.memory_space<vmem>>, vector<1x16xf32>,
          %swap3A_228 = vector.shape_cast %swap3A_227 : vector<1x16xf32> to vector<16xf32>
          %swap3A_229 = vector.shape_cast %add3A_224 : vector<16xf32> to vector<1x16xf32>
          tpu.vector_store %arg14[%swap3A_225, %swap3A_226], %swap3A_229 {strides = array<i32>} : memref<40x128xf32, #tpu.memory_space<vmem>>, vector<1x16xf32>,
          %mul3A_230 = arith.constant 2 : i32
          %mul3A_231 = arith.muli %mul3A_230, %scan3A_159 : i32
          %add3A_232 = arith.constant 1 : i32
          %add3A_233 = arith.addi %mul3A_231, %add3A_232 : i32
          %get3A_234 = arith.index_cast %add3A_233 : i32 to index
          %get3A_235 = arith.constant 0 : index
          %get3A_236 = tpu.vector_load %arg10[%get3A_234, %get3A_235] {strides = array<i32>} : memref<80x64xf32, #tpu.memory_space<vmem>>, vector<1x16xf32>,
          %get3A_237 = vector.shape_cast %get3A_236 : vector<1x16xf32> to vector<16xf32>
          %get3A_238 = arith.index_cast %add3A_233 : i32 to index
          %get3A_239 = arith.constant 0 : index
          %get3A_240 = tpu.vector_load %arg12[%get3A_238, %get3A_239] {strides = array<i32>} : memref<80x64xf32, #tpu.memory_space<vmem>>, vector<1x16xf32>,
          %get3A_241 = vector.shape_cast %get3A_240 : vector<1x16xf32> to vector<16xf32>
          %add3A_242 = arith.addf %get3A_237, %get3A_241 : vector<16xf32>
          %swap3A_243 = arith.index_cast %scan3A_159 : i32 to index
          %swap3A_244 = arith.constant 64 : index
          %swap3A_245 = tpu.vector_load %arg14[%swap3A_243, %swap3A_244] {strides = array<i32>} : memref<40x128xf32, #tpu.memory_space<vmem>>, vector<1x16xf32>,
          %swap3A_246 = vector.shape_cast %swap3A_245 : vector<1x16xf32> to vector<16xf32>
          %swap3A_247 = vector.shape_cast %add3A_242 : vector<16xf32> to vector<1x16xf32>
          tpu.vector_store %arg14[%swap3A_243, %swap3A_244], %swap3A_247 {strides = array<i32>} : memref<40x128xf32, #tpu.memory_space<vmem>>, vector<1x16xf32>,
          %mul3A_248 = arith.constant 2 : i32
          %mul3A_249 = arith.muli %mul3A_248, %scan3A_159 : i32
          %add3A_250 = arith.constant 1 : i32
          %add3A_251 = arith.addi %mul3A_249, %add3A_250 : i32
          %get3A_252 = arith.index_cast %add3A_251 : i32 to index
          %get3A_253 = arith.constant 16 : index
          %get3A_254 = tpu.vector_load %arg10[%get3A_252, %get3A_253] {strides = array<i32>} : memref<80x64xf32, #tpu.memory_space<vmem>>, vector<1x16xf32>,
          %get3A_255 = vector.shape_cast %get3A_254 : vector<1x16xf32> to vector<16xf32>
          %get3A_256 = arith.index_cast %add3A_251 : i32 to index
          %get3A_257 = arith.constant 16 : index
          %get3A_258 = tpu.vector_load %arg12[%get3A_256, %get3A_257] {strides = array<i32>} : memref<80x64xf32, #tpu.memory_space<vmem>>, vector<1x16xf32>,
          %get3A_259 = vector.shape_cast %get3A_258 : vector<1x16xf32> to vector<16xf32>
          %add3A_260 = arith.addf %get3A_255, %get3A_259 : vector<16xf32>
          %swap3A_261 = arith.index_cast %scan3A_159 : i32 to index
          %swap3A_262 = arith.constant 80 : index
          %swap3A_263 = tpu.vector_load %arg14[%swap3A_261, %swap3A_262] {strides = array<i32>} : memref<40x128xf32, #tpu.memory_space<vmem>>, vector<1x16xf32>,
          %swap3A_264 = vector.shape_cast %swap3A_263 : vector<1x16xf32> to vector<16xf32>
          %swap3A_265 = vector.shape_cast %add3A_260 : vector<16xf32> to vector<1x16xf32>
          tpu.vector_store %arg14[%swap3A_261, %swap3A_262], %swap3A_265 {strides = array<i32>} : memref<40x128xf32, #tpu.memory_space<vmem>>, vector<1x16xf32>,
          %mul3A_266 = arith.constant 2 : i32
          %mul3A_267 = arith.muli %mul3A_266, %scan3A_159 : i32
          %add3A_268 = arith.constant 1 : i32
          %add3A_269 = arith.addi %mul3A_267, %add3A_268 : i32
          %get3A_270 = arith.index_cast %add3A_269 : i32 to index
          %get3A_271 = arith.constant 32 : index
          %get3A_272 = tpu.vector_load %arg10[%get3A_270, %get3A_271] {strides = array<i32>} : memref<80x64xf32, #tpu.memory_space<vmem>>, vector<1x16xf32>,
          %get3A_273 = vector.shape_cast %get3A_272 : vector<1x16xf32> to vector<16xf32>
          %get3A_274 = arith.index_cast %add3A_269 : i32 to index
          %get3A_275 = arith.constant 32 : index
          %get3A_276 = tpu.vector_load %arg12[%get3A_274, %get3A_275] {strides = array<i32>} : memref<80x64xf32, #tpu.memory_space<vmem>>, vector<1x16xf32>,
          %get3A_277 = vector.shape_cast %get3A_276 : vector<1x16xf32> to vector<16xf32>
          %add3A_278 = arith.addf %get3A_273, %get3A_277 : vector<16xf32>
          %swap3A_279 = arith.index_cast %scan3A_159 : i32 to index
          %swap3A_280 = arith.constant 96 : index
          %swap3A_281 = tpu.vector_load %arg14[%swap3A_279, %swap3A_280] {strides = array<i32>} : memref<40x128xf32, #tpu.memory_space<vmem>>, vector<1x16xf32>,
          %swap3A_282 = vector.shape_cast %swap3A_281 : vector<1x16xf32> to vector<16xf32>
          %swap3A_283 = vector.shape_cast %add3A_278 : vector<16xf32> to vector<1x16xf32>
          tpu.vector_store %arg14[%swap3A_279, %swap3A_280], %swap3A_283 {strides = array<i32>} : memref<40x128xf32, #tpu.memory_space<vmem>>, vector<1x16xf32>,
          %mul3A_284 = arith.constant 2 : i32
          %mul3A_285 = arith.muli %mul3A_284, %scan3A_159 : i32
          %add3A_286 = arith.constant 1 : i32
          %add3A_287 = arith.addi %mul3A_285, %add3A_286 : i32
          %get3A_288 = arith.index_cast %add3A_287 : i32 to index
          %get3A_289 = arith.constant 48 : index
          %get3A_290 = tpu.vector_load %arg10[%get3A_288, %get3A_289] {strides = array<i32>} : memref<80x64xf32, #tpu.memory_space<vmem>>, vector<1x16xf32>,
          %get3A_291 = vector.shape_cast %get3A_290 : vector<1x16xf32> to vector<16xf32>
          %get3A_292 = arith.index_cast %add3A_287 : i32 to index
          %get3A_293 = arith.constant 48 : index
          %get3A_294 = tpu.vector_load %arg12[%get3A_292, %get3A_293] {strides = array<i32>} : memref<80x64xf32, #tpu.memory_space<vmem>>, vector<1x16xf32>,
          %get3A_295 = vector.shape_cast %get3A_294 : vector<1x16xf32> to vector<16xf32>
          %add3A_296 = arith.addf %get3A_291, %get3A_295 : vector<16xf32>
          %swap3A_297 = arith.index_cast %scan3A_159 : i32 to index
          %swap3A_298 = arith.constant 112 : index
          %swap3A_299 = tpu.vector_load %arg14[%swap3A_297, %swap3A_298] {strides = array<i32>} : memref<40x128xf32, #tpu.memory_space<vmem>>, vector<1x16xf32>,
          %swap3A_300 = vector.shape_cast %swap3A_299 : vector<1x16xf32> to vector<16xf32>
          %swap3A_301 = vector.shape_cast %add3A_296 : vector<16xf32> to vector<1x16xf32>
          tpu.vector_store %arg14[%swap3A_297, %swap3A_298], %swap3A_301 {strides = array<i32>} : memref<40x128xf32, #tpu.memory_space<vmem>>, vector<1x16xf32>,
        }
        %scan3A_124 = arith.constant 40 : i32
        %add3A_125 = arith.constant 1 : i32
        %add3A_126 = arith.addi %mul3A_34, %add3A_125 : i32
        %mul3A_127 = arith.constant 80 : i32
        %mul3A_128 = arith.muli %add3A_126, %mul3A_127 : i32
        %add3A_129 = arith.addi %mul3A_2, %mul3A_128 : i32
        %jit3A_130 = arith.constant 2 : i32
        %div3A_131 = arith.divsi %add3A_129, %jit3A_130 : i32
        %sign3A_132 = arith.constant 0 : i32
        %sign3A_133 = arith.cmpi sgt, %add3A_129, %sign3A_132 : i32
        %sign3A_134 = arith.extui %sign3A_133 : i1 to i32
        %sign3A_135 = arith.constant 0 : i32
        %sign3A_136 = arith.cmpi slt, %add3A_129, %sign3A_135 : i32
        %sign3A_137 = arith.extui %sign3A_136 : i1 to i32
        %sign3A_138 = arith.subi %sign3A_134, %sign3A_137 : i32
        %sign3A_139 = arith.constant 0 : i32
        %sign3A_140 = arith.cmpi sgt, %jit3A_130, %sign3A_139 : i32
        %sign3A_141 = arith.extui %sign3A_140 : i1 to i32
        %sign3A_142 = arith.constant 0 : i32
        %sign3A_143 = arith.cmpi slt, %jit3A_130, %sign3A_142 : i32
        %sign3A_144 = arith.extui %sign3A_143 : i1 to i32
        %sign3A_145 = arith.subi %sign3A_141, %sign3A_144 : i32
        %ne3A_146 = arith.cmpi ne, %sign3A_138, %sign3A_145 : i32
        %rem3A_147 = arith.remsi %add3A_129, %jit3A_130 : i32
        %ne3A_148 = arith.constant 0 : i32
        %ne3A_149 = arith.cmpi ne, %rem3A_147, %ne3A_148 : i32
        %and3A_150 = arith.andi %ne3A_146, %ne3A_149 : i1
        %sub3A_151 = arith.constant 1 : i32
        %sub3A_152 = arith.subi %div3A_131, %sub3A_151 : i32
        %select_n3A_153 = arith.select %and3A_150, %sub3A_152, %div3A_131 : i32
        %multiple_of3A_154 = tpu.assume_multiple %select_n3A_153, 8 : i32
        %dma_start3A_155 = arith.constant 0 : i32
        %dma_start3A_156 = tpu.memref_slice %arg6[%multiple_of3A_154, %dma_start3A_155] : memref<160000x128xf32, #tpu.memory_space<hbm>> -> memref<40x128xf32, #tpu.memory_space<hbm>>
        %dma_start3A_157 = arith.constant 0 : i32
        %dma_start3A_158 = tpu.memref_slice %arg6[%multiple_of3A_154, %dma_start3A_157] : memref<160000x128xf32, #tpu.memory_space<hbm>> -> memref<40x128xf32, #tpu.memory_space<hbm>>
        tpu.enqueue_dma source(%arg14 : memref<40x128xf32, #tpu.memory_space<vmem>>) target(%dma_start3A_158 : memref<40x128xf32, #tpu.memory_space<hbm>>) target_semaphore(%arg20 : memref<!tpu.dma_semaphore, #tpu.memory_space<semaphore_mem>>)
      } else {
      }
    }
    %scan3A_20 = arith.constant 63 : i32
    %dma_wait3A = arith.constant 0 : i32
    %dma_wait3A_21 = arith.constant 0 : i32
    %dma_wait3A_22 = tpu.memref_slice %arg6[%dma_wait3A, %dma_wait3A_21] : memref<160000x128xf32, #tpu.memory_space<hbm>> -> memref<40x128xf32, #tpu.memory_space<hbm>>
    %dma_wait3A_23 = arith.constant 0 : i32
    %dma_wait3A_24 = arith.constant 0 : i32
    %dma_wait3A_25 = tpu.memref_slice %arg6[%dma_wait3A_23, %dma_wait3A_24] : memref<160000x128xf32, #tpu.memory_space<hbm>> -> memref<40x128xf32, #tpu.memory_space<hbm>>
    tpu.wait_dma2 semaphore(%arg19 : memref<!tpu.dma_semaphore, #tpu.memory_space<semaphore_mem>>) src(%arg13 : memref<40x128xf32, #tpu.memory_space<vmem>>) dst(%dma_wait3A_25 : memref<40x128xf32, #tpu.memory_space<hbm>>)
    %dma_wait3A_26 = arith.constant 0 : i32
    %dma_wait3A_27 = arith.constant 0 : i32
    %dma_wait3A_28 = tpu.memref_slice %arg6[%dma_wait3A_26, %dma_wait3A_27] : memref<160000x128xf32, #tpu.memory_space<hbm>> -> memref<40x128xf32, #tpu.memory_space<hbm>>
    %dma_wait3A_29 = arith.constant 0 : i32
    %dma_wait3A_30 = arith.constant 0 : i32
    %dma_wait3A_31 = tpu.memref_slice %arg6[%dma_wait3A_29, %dma_wait3A_30] : memref<160000x128xf32, #tpu.memory_space<hbm>> -> memref<40x128xf32, #tpu.memory_space<hbm>>
    tpu.wait_dma2 semaphore(%arg20 : memref<!tpu.dma_semaphore, #tpu.memory_space<semaphore_mem>>) src(%arg14 : memref<40x128xf32, #tpu.memory_space<vmem>>) dst(%dma_wait3A_31 : memref<40x128xf32, #tpu.memory_space<hbm>>)
    return
  }
}

#map = affine_map<(d0, d1) -> (0, 0)>
#map1 = affine_map<(d0, d1) -> (0, 0, 0)>
module attributes {stable_mosaic.version = 14 : i64} {
  func.func @k(%arg0: i32, %arg1: i32, %arg2: memref<160000x128xf32, #tpu.memory_space<hbm>>, %arg3: memref<10000x64xf32, #tpu.memory_space<hbm>>, %arg4: memref<10000x64xf32, #tpu.memory_space<hbm>>, %arg5: memref<32x125x80xi32, #tpu.memory_space<hbm>>, %arg6: memref<32x125x80xi32, #tpu.memory_space<hbm>>, %arg7: memref<160000x128xf32, #tpu.memory_space<hbm>>, %arg8: memref<2x10000x64xf32, #tpu.memory_space<hbm>>, %arg9: memref<125x80xi32, #tpu.memory_space<vmem>>, %arg10: memref<125x80xi32, #tpu.memory_space<vmem>>, %arg11: memref<40x128xf32, #tpu.memory_space<vmem>>, %arg12: memref<40x128xf32, #tpu.memory_space<vmem>>, %arg13: memref<80x64xf32, #tpu.memory_space<vmem>>, %arg14: memref<80x64xf32, #tpu.memory_space<vmem>>, %arg15: memref<80x64xf32, #tpu.memory_space<vmem>>, %arg16: memref<80x64xf32, #tpu.memory_space<vmem>>, %arg17: memref<40x128xf32, #tpu.memory_space<vmem>>, %arg18: memref<40x128xf32, #tpu.memory_space<vmem>>, %arg19: memref<80x64xf32, #tpu.memory_space<vmem>>, %arg20: memref<40x64xf32, #tpu.memory_space<vmem>>, %arg21: memref<10000x64xf32, #tpu.memory_space<vmem_shared>>, %arg22: memref<!tpu.dma_semaphore, #tpu.memory_space<semaphore_mem>>, %arg23: memref<!tpu.dma_semaphore, #tpu.memory_space<semaphore_mem>>, %arg24: memref<!tpu.dma_semaphore, #tpu.memory_space<semaphore_mem>>, %arg25: memref<!tpu.dma_semaphore, #tpu.memory_space<semaphore_mem>>, %arg26: memref<!tpu.dma_semaphore, #tpu.memory_space<semaphore_mem>>, %arg27: memref<!tpu.dma_semaphore, #tpu.memory_space<semaphore_mem>>, %arg28: memref<!tpu.dma_semaphore, #tpu.memory_space<semaphore_mem>>, %arg29: memref<!tpu.dma_semaphore, #tpu.memory_space<semaphore_mem>>) attributes {dimension_semantics = [#tpu.dimension_semantics<core_parallel>, #tpu.dimension_semantics<subcore_parallel>], iteration_bounds = array<i64: 2, 16>, scalar_prefetch = 0 : i64, scratch_operands = 21 : i64, tpu.core_type = #tpu.core_type<sc_vector_subcore>, window_params = [{transform_indices = #map}, {transform_indices = #map}, {transform_indices = #map}, {transform_indices = #map1}, {transform_indices = #map1}, {transform_indices = #map}, {transform_indices = #map1}]} {
    %mul3A = arith.constant 2 : i32
    %mul3A_0 = arith.muli %arg1, %mul3A : i32
    %add3A = arith.addi %mul3A_0, %arg0 : i32
    %scan3A = arith.constant 0 : i32
    %scan3A_1 = arith.constant 0 : i32
    %scan3A_2 = arith.constant 160 : i32
    %scan3A_3 = arith.addi %scan3A_1, %scan3A_2 : i32
    %scan3A_4 = arith.constant 1 : i32
    scf.for %scan3A_73 = %scan3A_1 to %scan3A_3 step %scan3A_4  : i32 {
      %jit3A_74 = arith.constant 4 : i32
      %div3A_75 = arith.divsi %scan3A_73, %jit3A_74 : i32
      %sign3A_76 = arith.constant 0 : i32
      %sign3A_77 = arith.cmpi sgt, %scan3A_73, %sign3A_76 : i32
      %sign3A_78 = arith.extui %sign3A_77 : i1 to i32
      %sign3A_79 = arith.constant 0 : i32
      %sign3A_80 = arith.cmpi slt, %scan3A_73, %sign3A_79 : i32
      %sign3A_81 = arith.extui %sign3A_80 : i1 to i32
      %sign3A_82 = arith.subi %sign3A_78, %sign3A_81 : i32
      %sign3A_83 = arith.constant 0 : i32
      %sign3A_84 = arith.cmpi sgt, %jit3A_74, %sign3A_83 : i32
      %sign3A_85 = arith.extui %sign3A_84 : i1 to i32
      %sign3A_86 = arith.constant 0 : i32
      %sign3A_87 = arith.cmpi slt, %jit3A_74, %sign3A_86 : i32
      %sign3A_88 = arith.extui %sign3A_87 : i1 to i32
      %sign3A_89 = arith.subi %sign3A_85, %sign3A_88 : i32
      %ne3A_90 = arith.cmpi ne, %sign3A_82, %sign3A_89 : i32
      %rem3A_91 = arith.remsi %scan3A_73, %jit3A_74 : i32
      %ne3A_92 = arith.constant 0 : i32
      %ne3A_93 = arith.cmpi ne, %rem3A_91, %ne3A_92 : i32
      %and3A_94 = arith.andi %ne3A_90, %ne3A_93 : i1
      %sub3A_95 = arith.constant 1 : i32
      %sub3A_96 = arith.subi %div3A_75, %sub3A_95 : i32
      %select_n3A_97 = arith.select %and3A_94, %sub3A_96, %div3A_75 : i32
      %jit3A_98 = arith.constant 4 : i32
      %eq3A = arith.constant 0 : i32
      %eq3A_99 = arith.cmpi eq, %jit3A_98, %eq3A : i32
      %jit3A_100 = arith.constant 1 : i32
      %select_n3A_101 = arith.select %eq3A_99, %jit3A_100, %jit3A_98 : i32
      %rem3A_102 = arith.remsi %scan3A_73, %select_n3A_101 : i32
      %ne3A_103 = arith.constant 0 : i32
      %ne3A_104 = arith.cmpi ne, %rem3A_102, %ne3A_103 : i32
      %lt3A = arith.constant 0 : i32
      %lt3A_105 = arith.cmpi slt, %rem3A_102, %lt3A : i32
      %lt3A_106 = arith.constant 0 : i32
      %lt3A_107 = arith.cmpi slt, %select_n3A_101, %lt3A_106 : i32
      %ne3A_108 = arith.xori %lt3A_105, %lt3A_107 : i1
      %and3A_109 = arith.andi %ne3A_108, %ne3A_104 : i1
      %add3A_110 = arith.addi %rem3A_102, %select_n3A_101 : i32
      %select_n3A_111 = arith.select %and3A_109, %add3A_110, %rem3A_102 : i32
      %broadcast_in_dim3A = arith.constant 0.000000e+00 : f32
      %broadcast_in_dim3A_112 = vector.broadcast %broadcast_in_dim3A : f32 to vector<16xf32>
      %mul3A_113 = arith.constant 16 : i32
      %mul3A_114 = arith.muli %select_n3A_111, %mul3A_113 : i32
      %swap3A = arith.index_cast %select_n3A_97 : i32 to index
      %swap3A_115 = arith.index_cast %mul3A_114 : i32 to index
      %swap3A_116 = tpu.vector_load %arg20[%swap3A, %swap3A_115] {strides = array<i32>} : memref<40x64xf32, #tpu.memory_space<vmem>>, vector<1x16xf32>,
      %swap3A_117 = vector.shape_cast %swap3A_116 : vector<1x16xf32> to vector<16xf32>
      %swap3A_118 = vector.shape_cast %broadcast_in_dim3A_112 : vector<16xf32> to vector<1x16xf32>
      tpu.vector_store %arg20[%swap3A, %swap3A_115], %swap3A_118 {strides = array<i32>} : memref<40x64xf32, #tpu.memory_space<vmem>>, vector<1x16xf32>,
    }
    %scan3A_5 = arith.constant 160 : i32
    %scan3A_6 = arith.constant 0 : i32
    %scan3A_7 = arith.constant 0 : i32
    %scan3A_8 = arith.constant 16 : i32
    %scan3A_9 = arith.addi %scan3A_7, %scan3A_8 : i32
    %scan3A_10 = arith.constant 1 : i32
    scf.for %scan3A_73 = %scan3A_7 to %scan3A_9 step %scan3A_10  : i32 {
      %mul3A_74 = arith.constant 16 : i32
      %mul3A_75 = arith.muli %arg1, %mul3A_74 : i32
      %add3A_76 = arith.addi %mul3A_75, %scan3A_73 : i32
      %lt3A = arith.constant 250 : i32
      %lt3A_77 = arith.cmpi slt, %add3A_76, %lt3A : i32
      %convert_element_type3A = arith.extui %lt3A_77 : i1 to i32
      %cond3A = arith.constant 0 : i32
      %cond3A_78 = arith.cmpi ne, %convert_element_type3A, %cond3A : i32
      scf.if %cond3A_78 {
        %mul3A_79 = arith.constant 40 : i32
        %mul3A_80 = arith.muli %add3A_76, %mul3A_79 : i32
        %multiple_of3A_81 = tpu.assume_multiple %mul3A_80, 8 : i32
        "tpu.region"() ({
          %run_scoped3A = tpu.sem_alloc : memref<!tpu.dma_semaphore, #tpu.memory_space<semaphore_mem>>
          %dma_start3A_82 = arith.constant 0 : i32
          %dma_start3A_83 = tpu.memref_slice %arg21[%multiple_of3A_81, %dma_start3A_82] : memref<10000x64xf32, #tpu.memory_space<vmem_shared>> -> memref<40x64xf32, #tpu.memory_space<vmem_shared>>
          %dma_start3A_84 = arith.constant 0 : i32
          %dma_start3A_85 = tpu.memref_slice %arg21[%multiple_of3A_81, %dma_start3A_84] : memref<10000x64xf32, #tpu.memory_space<vmem_shared>> -> memref<40x64xf32, #tpu.memory_space<vmem_shared>>
          tpu.enqueue_dma source(%arg20 : memref<40x64xf32, #tpu.memory_space<vmem>>) target(%dma_start3A_85 : memref<40x64xf32, #tpu.memory_space<vmem_shared>>) target_semaphore(%run_scoped3A : memref<!tpu.dma_semaphore, #tpu.memory_space<semaphore_mem>>)
          %dma_wait3A_86 = arith.constant 0 : i32
          %dma_wait3A_87 = tpu.memref_slice %arg21[%multiple_of3A_81, %dma_wait3A_86] : memref<10000x64xf32, #tpu.memory_space<vmem_shared>> -> memref<40x64xf32, #tpu.memory_space<vmem_shared>>
          %dma_wait3A_88 = arith.constant 0 : i32
          %dma_wait3A_89 = tpu.memref_slice %arg21[%multiple_of3A_81, %dma_wait3A_88] : memref<10000x64xf32, #tpu.memory_space<vmem_shared>> -> memref<40x64xf32, #tpu.memory_space<vmem_shared>>
          tpu.wait_dma2 semaphore(%run_scoped3A : memref<!tpu.dma_semaphore, #tpu.memory_space<semaphore_mem>>) src(%arg20 : memref<40x64xf32, #tpu.memory_space<vmem>>) dst(%dma_wait3A_89 : memref<40x64xf32, #tpu.memory_space<vmem_shared>>)
          tpu.yield
        }) : () -> ()
      } else {
      }
    }
    %scan3A_11 = arith.constant 16 : i32
    "tpu.region"() ({
      %run_scoped3A = tpu.sem_alloc : memref<!tpu.dma_semaphore, #tpu.memory_space<semaphore_mem>>
      %dma_start3A_73 = arith.constant 0 : i32
      %dma_start3A_74 = arith.constant 0 : i32
      %dma_start3A_75 = tpu.memref_slice %arg5[%add3A, %dma_start3A_73, %dma_start3A_74] : memref<32x125x80xi32, #tpu.memory_space<hbm>> -> memref<1x125x80xi32, #tpu.memory_space<hbm>>
      %dma_start3A_76 = tpu.memref_squeeze %dma_start3A_75 : memref<1x125x80xi32, #tpu.memory_space<hbm>> -> memref<125x80xi32, #tpu.memory_space<hbm>>
      %dma_start3A_77 = arith.constant 0 : i32
      %dma_start3A_78 = arith.constant 0 : i32
      %dma_start3A_79 = tpu.memref_slice %arg5[%add3A, %dma_start3A_77, %dma_start3A_78] : memref<32x125x80xi32, #tpu.memory_space<hbm>> -> memref<1x125x80xi32, #tpu.memory_space<hbm>>
      %dma_start3A_80 = tpu.memref_squeeze %dma_start3A_79 : memref<1x125x80xi32, #tpu.memory_space<hbm>> -> memref<125x80xi32, #tpu.memory_space<hbm>>
      tpu.enqueue_dma source(%dma_start3A_80 : memref<125x80xi32, #tpu.memory_space<hbm>>) target(%arg9 : memref<125x80xi32, #tpu.memory_space<vmem>>) target_semaphore(%run_scoped3A : memref<!tpu.dma_semaphore, #tpu.memory_space<semaphore_mem>>)
      %dma_wait3A_81 = arith.constant 0 : i32
      %dma_wait3A_82 = arith.constant 0 : i32
      %dma_wait3A_83 = tpu.memref_slice %arg5[%add3A, %dma_wait3A_81, %dma_wait3A_82] : memref<32x125x80xi32, #tpu.memory_space<hbm>> -> memref<1x125x80xi32, #tpu.memory_space<hbm>>
      %dma_wait3A_84 = tpu.memref_squeeze %dma_wait3A_83 : memref<1x125x80xi32, #tpu.memory_space<hbm>> -> memref<125x80xi32, #tpu.memory_space<hbm>>
      %dma_wait3A_85 = arith.constant 0 : i32
      %dma_wait3A_86 = arith.constant 0 : i32
      %dma_wait3A_87 = tpu.memref_slice %arg5[%add3A, %dma_wait3A_85, %dma_wait3A_86] : memref<32x125x80xi32, #tpu.memory_space<hbm>> -> memref<1x125x80xi32, #tpu.memory_space<hbm>>
      %dma_wait3A_88 = tpu.memref_squeeze %dma_wait3A_87 : memref<1x125x80xi32, #tpu.memory_space<hbm>> -> memref<125x80xi32, #tpu.memory_space<hbm>>
      tpu.wait_dma2 semaphore(%run_scoped3A : memref<!tpu.dma_semaphore, #tpu.memory_space<semaphore_mem>>) src(%dma_wait3A_88 : memref<125x80xi32, #tpu.memory_space<hbm>>) dst(%arg9 : memref<125x80xi32, #tpu.memory_space<vmem>>)
      tpu.yield
    }) : () -> ()
    "tpu.region"() ({
      %run_scoped3A = tpu.sem_alloc : memref<!tpu.dma_semaphore, #tpu.memory_space<semaphore_mem>>
      %dma_start3A_73 = arith.constant 0 : i32
      %dma_start3A_74 = arith.constant 0 : i32
      %dma_start3A_75 = tpu.memref_slice %arg6[%add3A, %dma_start3A_73, %dma_start3A_74] : memref<32x125x80xi32, #tpu.memory_space<hbm>> -> memref<1x125x80xi32, #tpu.memory_space<hbm>>
      %dma_start3A_76 = tpu.memref_squeeze %dma_start3A_75 : memref<1x125x80xi32, #tpu.memory_space<hbm>> -> memref<125x80xi32, #tpu.memory_space<hbm>>
      %dma_start3A_77 = arith.constant 0 : i32
      %dma_start3A_78 = arith.constant 0 : i32
      %dma_start3A_79 = tpu.memref_slice %arg6[%add3A, %dma_start3A_77, %dma_start3A_78] : memref<32x125x80xi32, #tpu.memory_space<hbm>> -> memref<1x125x80xi32, #tpu.memory_space<hbm>>
      %dma_start3A_80 = tpu.memref_squeeze %dma_start3A_79 : memref<1x125x80xi32, #tpu.memory_space<hbm>> -> memref<125x80xi32, #tpu.memory_space<hbm>>
      tpu.enqueue_dma source(%dma_start3A_80 : memref<125x80xi32, #tpu.memory_space<hbm>>) target(%arg10 : memref<125x80xi32, #tpu.memory_space<vmem>>) target_semaphore(%run_scoped3A : memref<!tpu.dma_semaphore, #tpu.memory_space<semaphore_mem>>)
      %dma_wait3A_81 = arith.constant 0 : i32
      %dma_wait3A_82 = arith.constant 0 : i32
      %dma_wait3A_83 = tpu.memref_slice %arg6[%add3A, %dma_wait3A_81, %dma_wait3A_82] : memref<32x125x80xi32, #tpu.memory_space<hbm>> -> memref<1x125x80xi32, #tpu.memory_space<hbm>>
      %dma_wait3A_84 = tpu.memref_squeeze %dma_wait3A_83 : memref<1x125x80xi32, #tpu.memory_space<hbm>> -> memref<125x80xi32, #tpu.memory_space<hbm>>
      %dma_wait3A_85 = arith.constant 0 : i32
      %dma_wait3A_86 = arith.constant 0 : i32
      %dma_wait3A_87 = tpu.memref_slice %arg6[%add3A, %dma_wait3A_85, %dma_wait3A_86] : memref<32x125x80xi32, #tpu.memory_space<hbm>> -> memref<1x125x80xi32, #tpu.memory_space<hbm>>
      %dma_wait3A_88 = tpu.memref_squeeze %dma_wait3A_87 : memref<1x125x80xi32, #tpu.memory_space<hbm>> -> memref<125x80xi32, #tpu.memory_space<hbm>>
      tpu.wait_dma2 semaphore(%run_scoped3A : memref<!tpu.dma_semaphore, #tpu.memory_space<semaphore_mem>>) src(%dma_wait3A_88 : memref<125x80xi32, #tpu.memory_space<hbm>>) dst(%arg10 : memref<125x80xi32, #tpu.memory_space<vmem>>)
      tpu.yield
    }) : () -> ()
    %barrier3A = arith.constant 0 : index
    tpu.barrier barrier_id(%barrier3A)
    %mul3A_12 = arith.constant 10000 : i32
    %mul3A_13 = arith.muli %add3A, %mul3A_12 : i32
    %add3A_14 = arith.constant 0 : i32
    %add3A_15 = arith.addi %mul3A_13, %add3A_14 : i32
    %jit3A = arith.constant 2 : i32
    %div3A = arith.divsi %add3A_15, %jit3A : i32
    %sign3A = arith.constant 0 : i32
    %sign3A_16 = arith.cmpi sgt, %add3A_15, %sign3A : i32
    %sign3A_17 = arith.extui %sign3A_16 : i1 to i32
    %sign3A_18 = arith.constant 0 : i32
    %sign3A_19 = arith.cmpi slt, %add3A_15, %sign3A_18 : i32
    %sign3A_20 = arith.extui %sign3A_19 : i1 to i32
    %sign3A_21 = arith.subi %sign3A_17, %sign3A_20 : i32
    %sign3A_22 = arith.constant 0 : i32
    %sign3A_23 = arith.cmpi sgt, %jit3A, %sign3A_22 : i32
    %sign3A_24 = arith.extui %sign3A_23 : i1 to i32
    %sign3A_25 = arith.constant 0 : i32
    %sign3A_26 = arith.cmpi slt, %jit3A, %sign3A_25 : i32
    %sign3A_27 = arith.extui %sign3A_26 : i1 to i32
    %sign3A_28 = arith.subi %sign3A_24, %sign3A_27 : i32
    %ne3A = arith.cmpi ne, %sign3A_21, %sign3A_28 : i32
    %rem3A = arith.remsi %add3A_15, %jit3A : i32
    %ne3A_29 = arith.constant 0 : i32
    %ne3A_30 = arith.cmpi ne, %rem3A, %ne3A_29 : i32
    %and3A = arith.andi %ne3A, %ne3A_30 : i1
    %sub3A = arith.constant 1 : i32
    %sub3A_31 = arith.subi %div3A, %sub3A : i32
    %select_n3A = arith.select %and3A, %sub3A_31, %div3A : i32
    %multiple_of3A = tpu.assume_multiple %select_n3A, 8 : i32
    %dma_start3A = arith.constant 0 : i32
    %dma_start3A_32 = tpu.memref_slice %arg2[%multiple_of3A, %dma_start3A] : memref<160000x128xf32, #tpu.memory_space<hbm>> -> memref<40x128xf32, #tpu.memory_space<hbm>>
    %dma_start3A_33 = arith.constant 0 : i32
    %dma_start3A_34 = tpu.memref_slice %arg2[%multiple_of3A, %dma_start3A_33] : memref<160000x128xf32, #tpu.memory_space<hbm>> -> memref<40x128xf32, #tpu.memory_space<hbm>>
    tpu.enqueue_dma source(%dma_start3A_34 : memref<40x128xf32, #tpu.memory_space<hbm>>) target(%arg11 : memref<40x128xf32, #tpu.memory_space<vmem>>) target_semaphore(%arg22 : memref<!tpu.dma_semaphore, #tpu.memory_space<semaphore_mem>>)
    %dma_start3A_35 = arith.constant 0 : i32
    %dma_start3A_36 = arith.constant 0 : i32
    %dma_start3A_37 = tpu.memref_slice %arg9[%dma_start3A_35, %dma_start3A_36] : memref<125x80xi32, #tpu.memory_space<vmem>> -> memref<1x80xi32, #tpu.memory_space<vmem>>
    %dma_start3A_38 = tpu.memref_squeeze %dma_start3A_37 : memref<1x80xi32, #tpu.memory_space<vmem>> -> memref<80xi32, #tpu.memory_space<vmem>>
    %dma_start3A_39 = arith.constant 0 : i32
    %dma_start3A_40 = arith.constant 0 : i32
    %dma_start3A_41 = tpu.memref_slice %arg3[%dma_start3A_39, %dma_start3A_40] : memref<10000x64xf32, #tpu.memory_space<hbm>> -> memref<10000x64xf32, #tpu.memory_space<hbm>>
    tpu.enqueue_indirect_dma source(%dma_start3A_41 : memref<10000x64xf32, #tpu.memory_space<hbm>>) target(%arg13 : memref<80x64xf32, #tpu.memory_space<vmem>>) offsets(%dma_start3A_38 : memref<80xi32, #tpu.memory_space<vmem>>) semaphore(%arg24 : memref<!tpu.dma_semaphore, #tpu.memory_space<semaphore_mem>>)
    %dma_start3A_42 = arith.constant 0 : i32
    %dma_start3A_43 = arith.constant 0 : i32
    %dma_start3A_44 = tpu.memref_slice %arg10[%dma_start3A_42, %dma_start3A_43] : memref<125x80xi32, #tpu.memory_space<vmem>> -> memref<1x80xi32, #tpu.memory_space<vmem>>
    %dma_start3A_45 = tpu.memref_squeeze %dma_start3A_44 : memref<1x80xi32, #tpu.memory_space<vmem>> -> memref<80xi32, #tpu.memory_space<vmem>>
    %dma_start3A_46 = arith.constant 0 : i32
    %dma_start3A_47 = arith.constant 0 : i32
    %dma_start3A_48 = tpu.memref_slice %arg4[%dma_start3A_46, %dma_start3A_47] : memref<10000x64xf32, #tpu.memory_space<hbm>> -> memref<10000x64xf32, #tpu.memory_space<hbm>>
    tpu.enqueue_indirect_dma source(%dma_start3A_48 : memref<10000x64xf32, #tpu.memory_space<hbm>>) target(%arg15 : memref<80x64xf32, #tpu.memory_space<vmem>>) offsets(%dma_start3A_45 : memref<80xi32, #tpu.memory_space<vmem>>) semaphore(%arg26 : memref<!tpu.dma_semaphore, #tpu.memory_space<semaphore_mem>>)
    %scan3A_49 = arith.constant 0 : i32
    %scan3A_50 = arith.constant 0 : i32
    %scan3A_51 = arith.constant 63 : i32
    %scan3A_52 = arith.addi %scan3A_50, %scan3A_51 : i32
    %scan3A_53 = arith.constant 1 : i32
    scf.for %scan3A_73 = %scan3A_50 to %scan3A_52 step %scan3A_53  : i32 {
      %mul3A_74 = arith.constant 2 : i32
      %mul3A_75 = arith.muli %mul3A_74, %scan3A_73 : i32
      %add3A_76 = arith.constant 1 : i32
      %add3A_77 = arith.addi %mul3A_75, %add3A_76 : i32
      %lt3A = arith.constant 125 : i32
      %lt3A_78 = arith.cmpi slt, %add3A_77, %lt3A : i32
      %convert_element_type3A = arith.extui %lt3A_78 : i1 to i32
      %cond3A = arith.constant 0 : i32
      %cond3A_79 = arith.cmpi ne, %convert_element_type3A, %cond3A : i32
      scf.if %cond3A_79 {
        %add3A_156 = arith.constant 1 : i32
        %add3A_157 = arith.addi %mul3A_75, %add3A_156 : i32
        %mul3A_158 = arith.constant 80 : i32
        %mul3A_159 = arith.muli %add3A_157, %mul3A_158 : i32
        %add3A_160 = arith.addi %mul3A_13, %mul3A_159 : i32
        %jit3A_161 = arith.constant 2 : i32
        %div3A_162 = arith.divsi %add3A_160, %jit3A_161 : i32
        %sign3A_163 = arith.constant 0 : i32
        %sign3A_164 = arith.cmpi sgt, %add3A_160, %sign3A_163 : i32
        %sign3A_165 = arith.extui %sign3A_164 : i1 to i32
        %sign3A_166 = arith.constant 0 : i32
        %sign3A_167 = arith.cmpi slt, %add3A_160, %sign3A_166 : i32
        %sign3A_168 = arith.extui %sign3A_167 : i1 to i32
        %sign3A_169 = arith.subi %sign3A_165, %sign3A_168 : i32
        %sign3A_170 = arith.constant 0 : i32
        %sign3A_171 = arith.cmpi sgt, %jit3A_161, %sign3A_170 : i32
        %sign3A_172 = arith.extui %sign3A_171 : i1 to i32
        %sign3A_173 = arith.constant 0 : i32
        %sign3A_174 = arith.cmpi slt, %jit3A_161, %sign3A_173 : i32
        %sign3A_175 = arith.extui %sign3A_174 : i1 to i32
        %sign3A_176 = arith.subi %sign3A_172, %sign3A_175 : i32
        %ne3A_177 = arith.cmpi ne, %sign3A_169, %sign3A_176 : i32
        %rem3A_178 = arith.remsi %add3A_160, %jit3A_161 : i32
        %ne3A_179 = arith.constant 0 : i32
        %ne3A_180 = arith.cmpi ne, %rem3A_178, %ne3A_179 : i32
        %and3A_181 = arith.andi %ne3A_177, %ne3A_180 : i1
        %sub3A_182 = arith.constant 1 : i32
        %sub3A_183 = arith.subi %div3A_162, %sub3A_182 : i32
        %select_n3A_184 = arith.select %and3A_181, %sub3A_183, %div3A_162 : i32
        %multiple_of3A_185 = tpu.assume_multiple %select_n3A_184, 8 : i32
        %dma_start3A_186 = arith.constant 0 : i32
        %dma_start3A_187 = tpu.memref_slice %arg2[%multiple_of3A_185, %dma_start3A_186] : memref<160000x128xf32, #tpu.memory_space<hbm>> -> memref<40x128xf32, #tpu.memory_space<hbm>>
        %dma_start3A_188 = arith.constant 0 : i32
        %dma_start3A_189 = tpu.memref_slice %arg2[%multiple_of3A_185, %dma_start3A_188] : memref<160000x128xf32, #tpu.memory_space<hbm>> -> memref<40x128xf32, #tpu.memory_space<hbm>>
        tpu.enqueue_dma source(%dma_start3A_189 : memref<40x128xf32, #tpu.memory_space<hbm>>) target(%arg12 : memref<40x128xf32, #tpu.memory_space<vmem>>) target_semaphore(%arg23 : memref<!tpu.dma_semaphore, #tpu.memory_space<semaphore_mem>>)
        %dma_start3A_190 = arith.constant 0 : i32
        %dma_start3A_191 = tpu.memref_slice %arg9[%add3A_157, %dma_start3A_190] : memref<125x80xi32, #tpu.memory_space<vmem>> -> memref<1x80xi32, #tpu.memory_space<vmem>>
        %dma_start3A_192 = tpu.memref_squeeze %dma_start3A_191 : memref<1x80xi32, #tpu.memory_space<vmem>> -> memref<80xi32, #tpu.memory_space<vmem>>
        %dma_start3A_193 = arith.constant 0 : i32
        %dma_start3A_194 = arith.constant 0 : i32
        %dma_start3A_195 = tpu.memref_slice %arg3[%dma_start3A_193, %dma_start3A_194] : memref<10000x64xf32, #tpu.memory_space<hbm>> -> memref<10000x64xf32, #tpu.memory_space<hbm>>
        tpu.enqueue_indirect_dma source(%dma_start3A_195 : memref<10000x64xf32, #tpu.memory_space<hbm>>) target(%arg14 : memref<80x64xf32, #tpu.memory_space<vmem>>) offsets(%dma_start3A_192 : memref<80xi32, #tpu.memory_space<vmem>>) semaphore(%arg25 : memref<!tpu.dma_semaphore, #tpu.memory_space<semaphore_mem>>)
        %dma_start3A_196 = arith.constant 0 : i32
        %dma_start3A_197 = tpu.memref_slice %arg10[%add3A_157, %dma_start3A_196] : memref<125x80xi32, #tpu.memory_space<vmem>> -> memref<1x80xi32, #tpu.memory_space<vmem>>
        %dma_start3A_198 = tpu.memref_squeeze %dma_start3A_197 : memref<1x80xi32, #tpu.memory_space<vmem>> -> memref<80xi32, #tpu.memory_space<vmem>>
        %dma_start3A_199 = arith.constant 0 : i32
        %dma_start3A_200 = arith.constant 0 : i32
        %dma_start3A_201 = tpu.memref_slice %arg4[%dma_start3A_199, %dma_start3A_200] : memref<10000x64xf32, #tpu.memory_space<hbm>> -> memref<10000x64xf32, #tpu.memory_space<hbm>>
        tpu.enqueue_indirect_dma source(%dma_start3A_201 : memref<10000x64xf32, #tpu.memory_space<hbm>>) target(%arg16 : memref<80x64xf32, #tpu.memory_space<vmem>>) offsets(%dma_start3A_198 : memref<80xi32, #tpu.memory_space<vmem>>) semaphore(%arg27 : memref<!tpu.dma_semaphore, #tpu.memory_space<semaphore_mem>>)
      } else {
      }
      %dma_wait3A_80 = arith.constant 0 : i32
      %dma_wait3A_81 = arith.constant 0 : i32
      %dma_wait3A_82 = tpu.memref_slice %arg2[%dma_wait3A_80, %dma_wait3A_81] : memref<160000x128xf32, #tpu.memory_space<hbm>> -> memref<40x128xf32, #tpu.memory_space<hbm>>
      %dma_wait3A_83 = arith.constant 0 : i32
      %dma_wait3A_84 = arith.constant 0 : i32
      %dma_wait3A_85 = tpu.memref_slice %arg2[%dma_wait3A_83, %dma_wait3A_84] : memref<160000x128xf32, #tpu.memory_space<hbm>> -> memref<40x128xf32, #tpu.memory_space<hbm>>
      tpu.wait_dma2 semaphore(%arg22 : memref<!tpu.dma_semaphore, #tpu.memory_space<semaphore_mem>>) src(%dma_wait3A_85 : memref<40x128xf32, #tpu.memory_space<hbm>>) dst(%arg11 : memref<40x128xf32, #tpu.memory_space<vmem>>)
      %dma_wait3A_86 = arith.constant 0 : i32
      %dma_wait3A_87 = arith.constant 0 : i32
      %dma_wait3A_88 = tpu.memref_slice %arg9[%dma_wait3A_86, %dma_wait3A_87] : memref<125x80xi32, #tpu.memory_space<vmem>> -> memref<1x80xi32, #tpu.memory_space<vmem>>
      %dma_wait3A_89 = tpu.memref_squeeze %dma_wait3A_88 : memref<1x80xi32, #tpu.memory_space<vmem>> -> memref<80xi32, #tpu.memory_space<vmem>>
      %dma_wait3A_90 = arith.constant 0 : i32
      %dma_wait3A_91 = arith.constant 0 : i32
      %dma_wait3A_92 = tpu.memref_slice %arg3[%dma_wait3A_90, %dma_wait3A_91] : memref<10000x64xf32, #tpu.memory_space<hbm>> -> memref<10000x64xf32, #tpu.memory_space<hbm>>
      tpu.wait_indirect_dma semaphore(%arg24 : memref<!tpu.dma_semaphore, #tpu.memory_space<semaphore_mem>>) src(%dma_wait3A_92 : memref<10000x64xf32, #tpu.memory_space<hbm>>) dst(%arg13 : memref<80x64xf32, #tpu.memory_space<vmem>>)
      %dma_wait3A_93 = arith.constant 0 : i32
      %dma_wait3A_94 = arith.constant 0 : i32
      %dma_wait3A_95 = tpu.memref_slice %arg10[%dma_wait3A_93, %dma_wait3A_94] : memref<125x80xi32, #tpu.memory_space<vmem>> -> memref<1x80xi32, #tpu.memory_space<vmem>>
      %dma_wait3A_96 = tpu.memref_squeeze %dma_wait3A_95 : memref<1x80xi32, #tpu.memory_space<vmem>> -> memref<80xi32, #tpu.memory_space<vmem>>
      %dma_wait3A_97 = arith.constant 0 : i32
      %dma_wait3A_98 = arith.constant 0 : i32
      %dma_wait3A_99 = tpu.memref_slice %arg4[%dma_wait3A_97, %dma_wait3A_98] : memref<10000x64xf32, #tpu.memory_space<hbm>> -> memref<10000x64xf32, #tpu.memory_space<hbm>>
      tpu.wait_indirect_dma semaphore(%arg26 : memref<!tpu.dma_semaphore, #tpu.memory_space<semaphore_mem>>) src(%dma_wait3A_99 : memref<10000x64xf32, #tpu.memory_space<hbm>>) dst(%arg15 : memref<80x64xf32, #tpu.memory_space<vmem>>)
      %gt3A = arith.constant 0 : i32
      %gt3A_100 = arith.cmpi sgt, %scan3A_73, %gt3A : i32
      %convert_element_type3A_101 = arith.extui %gt3A_100 : i1 to i32
      %cond3A_102 = arith.constant 0 : i32
      %cond3A_103 = arith.cmpi ne, %convert_element_type3A_101, %cond3A_102 : i32
      scf.if %cond3A_103 {
        %dma_wait3A_156 = arith.constant 0 : i32
        %dma_wait3A_157 = arith.constant 0 : i32
        %dma_wait3A_158 = tpu.memref_slice %arg7[%dma_wait3A_156, %dma_wait3A_157] : memref<160000x128xf32, #tpu.memory_space<hbm>> -> memref<40x128xf32, #tpu.memory_space<hbm>>
        %dma_wait3A_159 = arith.constant 0 : i32
        %dma_wait3A_160 = arith.constant 0 : i32
        %dma_wait3A_161 = tpu.memref_slice %arg7[%dma_wait3A_159, %dma_wait3A_160] : memref<160000x128xf32, #tpu.memory_space<hbm>> -> memref<40x128xf32, #tpu.memory_space<hbm>>
        tpu.wait_dma2 semaphore(%arg28 : memref<!tpu.dma_semaphore, #tpu.memory_space<semaphore_mem>>) src(%arg17 : memref<40x128xf32, #tpu.memory_space<vmem>>) dst(%dma_wait3A_161 : memref<40x128xf32, #tpu.memory_space<hbm>>)
      } else {
      }
      %scan3A_104 = arith.constant 0 : i32
      %scan3A_105 = arith.constant 0 : i32
      %scan3A_106 = arith.constant 40 : i32
      %scan3A_107 = arith.addi %scan3A_105, %scan3A_106 : i32
      %scan3A_108 = arith.constant 1 : i32
      scf.for %scan3A_156 = %scan3A_105 to %scan3A_107 step %scan3A_108  : i32 {
        %mul3A_157 = arith.constant 2 : i32
        %mul3A_158 = arith.muli %mul3A_157, %scan3A_156 : i32
        %add3A_159 = arith.constant 0 : i32
        %add3A_160 = arith.addi %mul3A_158, %add3A_159 : i32
        %get3A = arith.index_cast %scan3A_156 : i32 to index
        %get3A_161 = arith.constant 0 : index
        %get3A_162 = tpu.vector_load %arg11[%get3A, %get3A_161] {strides = array<i32>} : memref<40x128xf32, #tpu.memory_space<vmem>>, vector<1x16xf32>,
        %get3A_163 = vector.shape_cast %get3A_162 : vector<1x16xf32> to vector<16xf32>
        %get3A_164 = arith.index_cast %add3A_160 : i32 to index
        %get3A_165 = arith.constant 0 : index
        %get3A_166 = tpu.vector_load %arg13[%get3A_164, %get3A_165] {strides = array<i32>} : memref<80x64xf32, #tpu.memory_space<vmem>>, vector<1x16xf32>,
        %get3A_167 = vector.shape_cast %get3A_166 : vector<1x16xf32> to vector<16xf32>
        %add3A_168 = arith.addf %get3A_163, %get3A_167 : vector<16xf32>
        %get3A_169 = arith.index_cast %add3A_160 : i32 to index
        %get3A_170 = arith.constant 0 : index
        %get3A_171 = tpu.vector_load %arg15[%get3A_169, %get3A_170] {strides = array<i32>} : memref<80x64xf32, #tpu.memory_space<vmem>>, vector<1x16xf32>,
        %get3A_172 = vector.shape_cast %get3A_171 : vector<1x16xf32> to vector<16xf32>
        %add3A_173 = arith.addf %add3A_168, %get3A_172 : vector<16xf32>
        %max3A = arith.constant 0.000000e+00 : f32
        %max3A_174 = vector.broadcast %max3A : f32 to vector<16xf32>
        %max3A_175 = arith.maximumf %add3A_173, %max3A_174 : vector<16xf32>
        %swap3A = arith.index_cast %add3A_160 : i32 to index
        %swap3A_176 = arith.constant 0 : index
        %swap3A_177 = tpu.vector_load %arg19[%swap3A, %swap3A_176] {strides = array<i32>} : memref<80x64xf32, #tpu.memory_space<vmem>>, vector<1x16xf32>,
        %swap3A_178 = vector.shape_cast %swap3A_177 : vector<1x16xf32> to vector<16xf32>
        %swap3A_179 = vector.shape_cast %max3A_175 : vector<16xf32> to vector<1x16xf32>
        tpu.vector_store %arg19[%swap3A, %swap3A_176], %swap3A_179 {strides = array<i32>} : memref<80x64xf32, #tpu.memory_space<vmem>>, vector<1x16xf32>,
        %swap3A_180 = arith.index_cast %scan3A_156 : i32 to index
        %swap3A_181 = arith.constant 0 : index
        %swap3A_182 = tpu.vector_load %arg17[%swap3A_180, %swap3A_181] {strides = array<i32>} : memref<40x128xf32, #tpu.memory_space<vmem>>, vector<1x16xf32>,
        %swap3A_183 = vector.shape_cast %swap3A_182 : vector<1x16xf32> to vector<16xf32>
        %swap3A_184 = vector.shape_cast %max3A_175 : vector<16xf32> to vector<1x16xf32>
        tpu.vector_store %arg17[%swap3A_180, %swap3A_181], %swap3A_184 {strides = array<i32>} : memref<40x128xf32, #tpu.memory_space<vmem>>, vector<1x16xf32>,
        %mul3A_185 = arith.constant 2 : i32
        %mul3A_186 = arith.muli %mul3A_185, %scan3A_156 : i32
        %add3A_187 = arith.constant 0 : i32
        %add3A_188 = arith.addi %mul3A_186, %add3A_187 : i32
        %get3A_189 = arith.index_cast %scan3A_156 : i32 to index
        %get3A_190 = arith.constant 16 : index
        %get3A_191 = tpu.vector_load %arg11[%get3A_189, %get3A_190] {strides = array<i32>} : memref<40x128xf32, #tpu.memory_space<vmem>>, vector<1x16xf32>,
        %get3A_192 = vector.shape_cast %get3A_191 : vector<1x16xf32> to vector<16xf32>
        %get3A_193 = arith.index_cast %add3A_188 : i32 to index
        %get3A_194 = arith.constant 16 : index
        %get3A_195 = tpu.vector_load %arg13[%get3A_193, %get3A_194] {strides = array<i32>} : memref<80x64xf32, #tpu.memory_space<vmem>>, vector<1x16xf32>,
        %get3A_196 = vector.shape_cast %get3A_195 : vector<1x16xf32> to vector<16xf32>
        %add3A_197 = arith.addf %get3A_192, %get3A_196 : vector<16xf32>
        %get3A_198 = arith.index_cast %add3A_188 : i32 to index
        %get3A_199 = arith.constant 16 : index
        %get3A_200 = tpu.vector_load %arg15[%get3A_198, %get3A_199] {strides = array<i32>} : memref<80x64xf32, #tpu.memory_space<vmem>>, vector<1x16xf32>,
        %get3A_201 = vector.shape_cast %get3A_200 : vector<1x16xf32> to vector<16xf32>
        %add3A_202 = arith.addf %add3A_197, %get3A_201 : vector<16xf32>
        %max3A_203 = arith.constant 0.000000e+00 : f32
        %max3A_204 = vector.broadcast %max3A_203 : f32 to vector<16xf32>
        %max3A_205 = arith.maximumf %add3A_202, %max3A_204 : vector<16xf32>
        %swap3A_206 = arith.index_cast %add3A_188 : i32 to index
        %swap3A_207 = arith.constant 16 : index
        %swap3A_208 = tpu.vector_load %arg19[%swap3A_206, %swap3A_207] {strides = array<i32>} : memref<80x64xf32, #tpu.memory_space<vmem>>, vector<1x16xf32>,
        %swap3A_209 = vector.shape_cast %swap3A_208 : vector<1x16xf32> to vector<16xf32>
        %swap3A_210 = vector.shape_cast %max3A_205 : vector<16xf32> to vector<1x16xf32>
        tpu.vector_store %arg19[%swap3A_206, %swap3A_207], %swap3A_210 {strides = array<i32>} : memref<80x64xf32, #tpu.memory_space<vmem>>, vector<1x16xf32>,
        %swap3A_211 = arith.index_cast %scan3A_156 : i32 to index
        %swap3A_212 = arith.constant 16 : index
        %swap3A_213 = tpu.vector_load %arg17[%swap3A_211, %swap3A_212] {strides = array<i32>} : memref<40x128xf32, #tpu.memory_space<vmem>>, vector<1x16xf32>,
        %swap3A_214 = vector.shape_cast %swap3A_213 : vector<1x16xf32> to vector<16xf32>
        %swap3A_215 = vector.shape_cast %max3A_205 : vector<16xf32> to vector<1x16xf32>
        tpu.vector_store %arg17[%swap3A_211, %swap3A_212], %swap3A_215 {strides = array<i32>} : memref<40x128xf32, #tpu.memory_space<vmem>>, vector<1x16xf32>,
        %mul3A_216 = arith.constant 2 : i32
        %mul3A_217 = arith.muli %mul3A_216, %scan3A_156 : i32
        %add3A_218 = arith.constant 0 : i32
        %add3A_219 = arith.addi %mul3A_217, %add3A_218 : i32
        %get3A_220 = arith.index_cast %scan3A_156 : i32 to index
        %get3A_221 = arith.constant 32 : index
        %get3A_222 = tpu.vector_load %arg11[%get3A_220, %get3A_221] {strides = array<i32>} : memref<40x128xf32, #tpu.memory_space<vmem>>, vector<1x16xf32>,
        %get3A_223 = vector.shape_cast %get3A_222 : vector<1x16xf32> to vector<16xf32>
        %get3A_224 = arith.index_cast %add3A_219 : i32 to index
        %get3A_225 = arith.constant 32 : index
        %get3A_226 = tpu.vector_load %arg13[%get3A_224, %get3A_225] {strides = array<i32>} : memref<80x64xf32, #tpu.memory_space<vmem>>, vector<1x16xf32>,
        %get3A_227 = vector.shape_cast %get3A_226 : vector<1x16xf32> to vector<16xf32>
        %add3A_228 = arith.addf %get3A_223, %get3A_227 : vector<16xf32>
        %get3A_229 = arith.index_cast %add3A_219 : i32 to index
        %get3A_230 = arith.constant 32 : index
        %get3A_231 = tpu.vector_load %arg15[%get3A_229, %get3A_230] {strides = array<i32>} : memref<80x64xf32, #tpu.memory_space<vmem>>, vector<1x16xf32>,
        %get3A_232 = vector.shape_cast %get3A_231 : vector<1x16xf32> to vector<16xf32>
        %add3A_233 = arith.addf %add3A_228, %get3A_232 : vector<16xf32>
        %max3A_234 = arith.constant 0.000000e+00 : f32
        %max3A_235 = vector.broadcast %max3A_234 : f32 to vector<16xf32>
        %max3A_236 = arith.maximumf %add3A_233, %max3A_235 : vector<16xf32>
        %swap3A_237 = arith.index_cast %add3A_219 : i32 to index
        %swap3A_238 = arith.constant 32 : index
        %swap3A_239 = tpu.vector_load %arg19[%swap3A_237, %swap3A_238] {strides = array<i32>} : memref<80x64xf32, #tpu.memory_space<vmem>>, vector<1x16xf32>,
        %swap3A_240 = vector.shape_cast %swap3A_239 : vector<1x16xf32> to vector<16xf32>
        %swap3A_241 = vector.shape_cast %max3A_236 : vector<16xf32> to vector<1x16xf32>
        tpu.vector_store %arg19[%swap3A_237, %swap3A_238], %swap3A_241 {strides = array<i32>} : memref<80x64xf32, #tpu.memory_space<vmem>>, vector<1x16xf32>,
        %swap3A_242 = arith.index_cast %scan3A_156 : i32 to index
        %swap3A_243 = arith.constant 32 : index
        %swap3A_244 = tpu.vector_load %arg17[%swap3A_242, %swap3A_243] {strides = array<i32>} : memref<40x128xf32, #tpu.memory_space<vmem>>, vector<1x16xf32>,
        %swap3A_245 = vector.shape_cast %swap3A_244 : vector<1x16xf32> to vector<16xf32>
        %swap3A_246 = vector.shape_cast %max3A_236 : vector<16xf32> to vector<1x16xf32>
        tpu.vector_store %arg17[%swap3A_242, %swap3A_243], %swap3A_246 {strides = array<i32>} : memref<40x128xf32, #tpu.memory_space<vmem>>, vector<1x16xf32>,
        %mul3A_247 = arith.constant 2 : i32
        %mul3A_248 = arith.muli %mul3A_247, %scan3A_156 : i32
        %add3A_249 = arith.constant 0 : i32
        %add3A_250 = arith.addi %mul3A_248, %add3A_249 : i32
        %get3A_251 = arith.index_cast %scan3A_156 : i32 to index
        %get3A_252 = arith.constant 48 : index
        %get3A_253 = tpu.vector_load %arg11[%get3A_251, %get3A_252] {strides = array<i32>} : memref<40x128xf32, #tpu.memory_space<vmem>>, vector<1x16xf32>,
        %get3A_254 = vector.shape_cast %get3A_253 : vector<1x16xf32> to vector<16xf32>
        %get3A_255 = arith.index_cast %add3A_250 : i32 to index
        %get3A_256 = arith.constant 48 : index
        %get3A_257 = tpu.vector_load %arg13[%get3A_255, %get3A_256] {strides = array<i32>} : memref<80x64xf32, #tpu.memory_space<vmem>>, vector<1x16xf32>,
        %get3A_258 = vector.shape_cast %get3A_257 : vector<1x16xf32> to vector<16xf32>
        %add3A_259 = arith.addf %get3A_254, %get3A_258 : vector<16xf32>
        %get3A_260 = arith.index_cast %add3A_250 : i32 to index
        %get3A_261 = arith.constant 48 : index
        %get3A_262 = tpu.vector_load %arg15[%get3A_260, %get3A_261] {strides = array<i32>} : memref<80x64xf32, #tpu.memory_space<vmem>>, vector<1x16xf32>,
        %get3A_263 = vector.shape_cast %get3A_262 : vector<1x16xf32> to vector<16xf32>
        %add3A_264 = arith.addf %add3A_259, %get3A_263 : vector<16xf32>
        %max3A_265 = arith.constant 0.000000e+00 : f32
        %max3A_266 = vector.broadcast %max3A_265 : f32 to vector<16xf32>
        %max3A_267 = arith.maximumf %add3A_264, %max3A_266 : vector<16xf32>
        %swap3A_268 = arith.index_cast %add3A_250 : i32 to index
        %swap3A_269 = arith.constant 48 : index
        %swap3A_270 = tpu.vector_load %arg19[%swap3A_268, %swap3A_269] {strides = array<i32>} : memref<80x64xf32, #tpu.memory_space<vmem>>, vector<1x16xf32>,
        %swap3A_271 = vector.shape_cast %swap3A_270 : vector<1x16xf32> to vector<16xf32>
        %swap3A_272 = vector.shape_cast %max3A_267 : vector<16xf32> to vector<1x16xf32>
        tpu.vector_store %arg19[%swap3A_268, %swap3A_269], %swap3A_272 {strides = array<i32>} : memref<80x64xf32, #tpu.memory_space<vmem>>, vector<1x16xf32>,
        %swap3A_273 = arith.index_cast %scan3A_156 : i32 to index
        %swap3A_274 = arith.constant 48 : index
        %swap3A_275 = tpu.vector_load %arg17[%swap3A_273, %swap3A_274] {strides = array<i32>} : memref<40x128xf32, #tpu.memory_space<vmem>>, vector<1x16xf32>,
        %swap3A_276 = vector.shape_cast %swap3A_275 : vector<1x16xf32> to vector<16xf32>
        %swap3A_277 = vector.shape_cast %max3A_267 : vector<16xf32> to vector<1x16xf32>
        tpu.vector_store %arg17[%swap3A_273, %swap3A_274], %swap3A_277 {strides = array<i32>} : memref<40x128xf32, #tpu.memory_space<vmem>>, vector<1x16xf32>,
        %mul3A_278 = arith.constant 2 : i32
        %mul3A_279 = arith.muli %mul3A_278, %scan3A_156 : i32
        %add3A_280 = arith.constant 1 : i32
        %add3A_281 = arith.addi %mul3A_279, %add3A_280 : i32
        %get3A_282 = arith.index_cast %scan3A_156 : i32 to index
        %get3A_283 = arith.constant 64 : index
        %get3A_284 = tpu.vector_load %arg11[%get3A_282, %get3A_283] {strides = array<i32>} : memref<40x128xf32, #tpu.memory_space<vmem>>, vector<1x16xf32>,
        %get3A_285 = vector.shape_cast %get3A_284 : vector<1x16xf32> to vector<16xf32>
        %get3A_286 = arith.index_cast %add3A_281 : i32 to index
        %get3A_287 = arith.constant 0 : index
        %get3A_288 = tpu.vector_load %arg13[%get3A_286, %get3A_287] {strides = array<i32>} : memref<80x64xf32, #tpu.memory_space<vmem>>, vector<1x16xf32>,
        %get3A_289 = vector.shape_cast %get3A_288 : vector<1x16xf32> to vector<16xf32>
        %add3A_290 = arith.addf %get3A_285, %get3A_289 : vector<16xf32>
        %get3A_291 = arith.index_cast %add3A_281 : i32 to index
        %get3A_292 = arith.constant 0 : index
        %get3A_293 = tpu.vector_load %arg15[%get3A_291, %get3A_292] {strides = array<i32>} : memref<80x64xf32, #tpu.memory_space<vmem>>, vector<1x16xf32>,
        %get3A_294 = vector.shape_cast %get3A_293 : vector<1x16xf32> to vector<16xf32>
        %add3A_295 = arith.addf %add3A_290, %get3A_294 : vector<16xf32>
        %max3A_296 = arith.constant 0.000000e+00 : f32
        %max3A_297 = vector.broadcast %max3A_296 : f32 to vector<16xf32>
        %max3A_298 = arith.maximumf %add3A_295, %max3A_297 : vector<16xf32>
        %swap3A_299 = arith.index_cast %add3A_281 : i32 to index
        %swap3A_300 = arith.constant 0 : index
        %swap3A_301 = tpu.vector_load %arg19[%swap3A_299, %swap3A_300] {strides = array<i32>} : memref<80x64xf32, #tpu.memory_space<vmem>>, vector<1x16xf32>,
        %swap3A_302 = vector.shape_cast %swap3A_301 : vector<1x16xf32> to vector<16xf32>
        %swap3A_303 = vector.shape_cast %max3A_298 : vector<16xf32> to vector<1x16xf32>
        tpu.vector_store %arg19[%swap3A_299, %swap3A_300], %swap3A_303 {strides = array<i32>} : memref<80x64xf32, #tpu.memory_space<vmem>>, vector<1x16xf32>,
        %swap3A_304 = arith.index_cast %scan3A_156 : i32 to index
        %swap3A_305 = arith.constant 64 : index
        %swap3A_306 = tpu.vector_load %arg17[%swap3A_304, %swap3A_305] {strides = array<i32>} : memref<40x128xf32, #tpu.memory_space<vmem>>, vector<1x16xf32>,
        %swap3A_307 = vector.shape_cast %swap3A_306 : vector<1x16xf32> to vector<16xf32>
        %swap3A_308 = vector.shape_cast %max3A_298 : vector<16xf32> to vector<1x16xf32>
        tpu.vector_store %arg17[%swap3A_304, %swap3A_305], %swap3A_308 {strides = array<i32>} : memref<40x128xf32, #tpu.memory_space<vmem>>, vector<1x16xf32>,
        %mul3A_309 = arith.constant 2 : i32
        %mul3A_310 = arith.muli %mul3A_309, %scan3A_156 : i32
        %add3A_311 = arith.constant 1 : i32
        %add3A_312 = arith.addi %mul3A_310, %add3A_311 : i32
        %get3A_313 = arith.index_cast %scan3A_156 : i32 to index
        %get3A_314 = arith.constant 80 : index
        %get3A_315 = tpu.vector_load %arg11[%get3A_313, %get3A_314] {strides = array<i32>} : memref<40x128xf32, #tpu.memory_space<vmem>>, vector<1x16xf32>,
        %get3A_316 = vector.shape_cast %get3A_315 : vector<1x16xf32> to vector<16xf32>
        %get3A_317 = arith.index_cast %add3A_312 : i32 to index
        %get3A_318 = arith.constant 16 : index
        %get3A_319 = tpu.vector_load %arg13[%get3A_317, %get3A_318] {strides = array<i32>} : memref<80x64xf32, #tpu.memory_space<vmem>>, vector<1x16xf32>,
        %get3A_320 = vector.shape_cast %get3A_319 : vector<1x16xf32> to vector<16xf32>
        %add3A_321 = arith.addf %get3A_316, %get3A_320 : vector<16xf32>
        %get3A_322 = arith.index_cast %add3A_312 : i32 to index
        %get3A_323 = arith.constant 16 : index
        %get3A_324 = tpu.vector_load %arg15[%get3A_322, %get3A_323] {strides = array<i32>} : memref<80x64xf32, #tpu.memory_space<vmem>>, vector<1x16xf32>,
        %get3A_325 = vector.shape_cast %get3A_324 : vector<1x16xf32> to vector<16xf32>
        %add3A_326 = arith.addf %add3A_321, %get3A_325 : vector<16xf32>
        %max3A_327 = arith.constant 0.000000e+00 : f32
        %max3A_328 = vector.broadcast %max3A_327 : f32 to vector<16xf32>
        %max3A_329 = arith.maximumf %add3A_326, %max3A_328 : vector<16xf32>
        %swap3A_330 = arith.index_cast %add3A_312 : i32 to index
        %swap3A_331 = arith.constant 16 : index
        %swap3A_332 = tpu.vector_load %arg19[%swap3A_330, %swap3A_331] {strides = array<i32>} : memref<80x64xf32, #tpu.memory_space<vmem>>, vector<1x16xf32>,
        %swap3A_333 = vector.shape_cast %swap3A_332 : vector<1x16xf32> to vector<16xf32>
        %swap3A_334 = vector.shape_cast %max3A_329 : vector<16xf32> to vector<1x16xf32>
        tpu.vector_store %arg19[%swap3A_330, %swap3A_331], %swap3A_334 {strides = array<i32>} : memref<80x64xf32, #tpu.memory_space<vmem>>, vector<1x16xf32>,
        %swap3A_335 = arith.index_cast %scan3A_156 : i32 to index
        %swap3A_336 = arith.constant 80 : index
        %swap3A_337 = tpu.vector_load %arg17[%swap3A_335, %swap3A_336] {strides = array<i32>} : memref<40x128xf32, #tpu.memory_space<vmem>>, vector<1x16xf32>,
        %swap3A_338 = vector.shape_cast %swap3A_337 : vector<1x16xf32> to vector<16xf32>
        %swap3A_339 = vector.shape_cast %max3A_329 : vector<16xf32> to vector<1x16xf32>
        tpu.vector_store %arg17[%swap3A_335, %swap3A_336], %swap3A_339 {strides = array<i32>} : memref<40x128xf32, #tpu.memory_space<vmem>>, vector<1x16xf32>,
        %mul3A_340 = arith.constant 2 : i32
        %mul3A_341 = arith.muli %mul3A_340, %scan3A_156 : i32
        %add3A_342 = arith.constant 1 : i32
        %add3A_343 = arith.addi %mul3A_341, %add3A_342 : i32
        %get3A_344 = arith.index_cast %scan3A_156 : i32 to index
        %get3A_345 = arith.constant 96 : index
        %get3A_346 = tpu.vector_load %arg11[%get3A_344, %get3A_345] {strides = array<i32>} : memref<40x128xf32, #tpu.memory_space<vmem>>, vector<1x16xf32>,
        %get3A_347 = vector.shape_cast %get3A_346 : vector<1x16xf32> to vector<16xf32>
        %get3A_348 = arith.index_cast %add3A_343 : i32 to index
        %get3A_349 = arith.constant 32 : index
        %get3A_350 = tpu.vector_load %arg13[%get3A_348, %get3A_349] {strides = array<i32>} : memref<80x64xf32, #tpu.memory_space<vmem>>, vector<1x16xf32>,
        %get3A_351 = vector.shape_cast %get3A_350 : vector<1x16xf32> to vector<16xf32>
        %add3A_352 = arith.addf %get3A_347, %get3A_351 : vector<16xf32>
        %get3A_353 = arith.index_cast %add3A_343 : i32 to index
        %get3A_354 = arith.constant 32 : index
        %get3A_355 = tpu.vector_load %arg15[%get3A_353, %get3A_354] {strides = array<i32>} : memref<80x64xf32, #tpu.memory_space<vmem>>, vector<1x16xf32>,
        %get3A_356 = vector.shape_cast %get3A_355 : vector<1x16xf32> to vector<16xf32>
        %add3A_357 = arith.addf %add3A_352, %get3A_356 : vector<16xf32>
        %max3A_358 = arith.constant 0.000000e+00 : f32
        %max3A_359 = vector.broadcast %max3A_358 : f32 to vector<16xf32>
        %max3A_360 = arith.maximumf %add3A_357, %max3A_359 : vector<16xf32>
        %swap3A_361 = arith.index_cast %add3A_343 : i32 to index
        %swap3A_362 = arith.constant 32 : index
        %swap3A_363 = tpu.vector_load %arg19[%swap3A_361, %swap3A_362] {strides = array<i32>} : memref<80x64xf32, #tpu.memory_space<vmem>>, vector<1x16xf32>,
        %swap3A_364 = vector.shape_cast %swap3A_363 : vector<1x16xf32> to vector<16xf32>
        %swap3A_365 = vector.shape_cast %max3A_360 : vector<16xf32> to vector<1x16xf32>
        tpu.vector_store %arg19[%swap3A_361, %swap3A_362], %swap3A_365 {strides = array<i32>} : memref<80x64xf32, #tpu.memory_space<vmem>>, vector<1x16xf32>,
        %swap3A_366 = arith.index_cast %scan3A_156 : i32 to index
        %swap3A_367 = arith.constant 96 : index
        %swap3A_368 = tpu.vector_load %arg17[%swap3A_366, %swap3A_367] {strides = array<i32>} : memref<40x128xf32, #tpu.memory_space<vmem>>, vector<1x16xf32>,
        %swap3A_369 = vector.shape_cast %swap3A_368 : vector<1x16xf32> to vector<16xf32>
        %swap3A_370 = vector.shape_cast %max3A_360 : vector<16xf32> to vector<1x16xf32>
        tpu.vector_store %arg17[%swap3A_366, %swap3A_367], %swap3A_370 {strides = array<i32>} : memref<40x128xf32, #tpu.memory_space<vmem>>, vector<1x16xf32>,
        %mul3A_371 = arith.constant 2 : i32
        %mul3A_372 = arith.muli %mul3A_371, %scan3A_156 : i32
        %add3A_373 = arith.constant 1 : i32
        %add3A_374 = arith.addi %mul3A_372, %add3A_373 : i32
        %get3A_375 = arith.index_cast %scan3A_156 : i32 to index
        %get3A_376 = arith.constant 112 : index
        %get3A_377 = tpu.vector_load %arg11[%get3A_375, %get3A_376] {strides = array<i32>} : memref<40x128xf32, #tpu.memory_space<vmem>>, vector<1x16xf32>,
        %get3A_378 = vector.shape_cast %get3A_377 : vector<1x16xf32> to vector<16xf32>
        %get3A_379 = arith.index_cast %add3A_374 : i32 to index
        %get3A_380 = arith.constant 48 : index
        %get3A_381 = tpu.vector_load %arg13[%get3A_379, %get3A_380] {strides = array<i32>} : memref<80x64xf32, #tpu.memory_space<vmem>>, vector<1x16xf32>,
        %get3A_382 = vector.shape_cast %get3A_381 : vector<1x16xf32> to vector<16xf32>
        %add3A_383 = arith.addf %get3A_378, %get3A_382 : vector<16xf32>
        %get3A_384 = arith.index_cast %add3A_374 : i32 to index
        %get3A_385 = arith.constant 48 : index
        %get3A_386 = tpu.vector_load %arg15[%get3A_384, %get3A_385] {strides = array<i32>} : memref<80x64xf32, #tpu.memory_space<vmem>>, vector<1x16xf32>,
        %get3A_387 = vector.shape_cast %get3A_386 : vector<1x16xf32> to vector<16xf32>
        %add3A_388 = arith.addf %add3A_383, %get3A_387 : vector<16xf32>
        %max3A_389 = arith.constant 0.000000e+00 : f32
        %max3A_390 = vector.broadcast %max3A_389 : f32 to vector<16xf32>
        %max3A_391 = arith.maximumf %add3A_388, %max3A_390 : vector<16xf32>
        %swap3A_392 = arith.index_cast %add3A_374 : i32 to index
        %swap3A_393 = arith.constant 48 : index
        %swap3A_394 = tpu.vector_load %arg19[%swap3A_392, %swap3A_393] {strides = array<i32>} : memref<80x64xf32, #tpu.memory_space<vmem>>, vector<1x16xf32>,
        %swap3A_395 = vector.shape_cast %swap3A_394 : vector<1x16xf32> to vector<16xf32>
        %swap3A_396 = vector.shape_cast %max3A_391 : vector<16xf32> to vector<1x16xf32>
        tpu.vector_store %arg19[%swap3A_392, %swap3A_393], %swap3A_396 {strides = array<i32>} : memref<80x64xf32, #tpu.memory_space<vmem>>, vector<1x16xf32>,
        %swap3A_397 = arith.index_cast %scan3A_156 : i32 to index
        %swap3A_398 = arith.constant 112 : index
        %swap3A_399 = tpu.vector_load %arg17[%swap3A_397, %swap3A_398] {strides = array<i32>} : memref<40x128xf32, #tpu.memory_space<vmem>>, vector<1x16xf32>,
        %swap3A_400 = vector.shape_cast %swap3A_399 : vector<1x16xf32> to vector<16xf32>
        %swap3A_401 = vector.shape_cast %max3A_391 : vector<16xf32> to vector<1x16xf32>
        tpu.vector_store %arg17[%swap3A_397, %swap3A_398], %swap3A_401 {strides = array<i32>} : memref<40x128xf32, #tpu.memory_space<vmem>>, vector<1x16xf32>,
      }
      %scan3A_109 = arith.constant 40 : i32
      "tpu.region"() ({
        %run_scoped3A = tpu.sem_alloc : memref<!tpu.dma_semaphore, #tpu.memory_space<semaphore_mem>>
        %dma_start3A_156 = arith.constant 0 : i32
        %dma_start3A_157 = tpu.memref_slice %arg10[%mul3A_75, %dma_start3A_156] : memref<125x80xi32, #tpu.memory_space<vmem>> -> memref<1x80xi32, #tpu.memory_space<vmem>>
        %dma_start3A_158 = tpu.memref_squeeze %dma_start3A_157 : memref<1x80xi32, #tpu.memory_space<vmem>> -> memref<80xi32, #tpu.memory_space<vmem>>
        %dma_start3A_159 = arith.constant 0 : i32
        %dma_start3A_160 = arith.constant 0 : i32
        %dma_start3A_161 = tpu.memref_slice %arg21[%dma_start3A_159, %dma_start3A_160] : memref<10000x64xf32, #tpu.memory_space<vmem_shared>> -> memref<10000x64xf32, #tpu.memory_space<vmem_shared>>
        tpu.enqueue_indirect_dma source(%arg19 : memref<80x64xf32, #tpu.memory_space<vmem>>) target(%dma_start3A_161 : memref<10000x64xf32, #tpu.memory_space<vmem_shared>>) offsets(%dma_start3A_158 : memref<80xi32, #tpu.memory_space<vmem>>) semaphore(%run_scoped3A : memref<!tpu.dma_semaphore, #tpu.memory_space<semaphore_mem>>) {add = true}
        %dma_wait3A_162 = arith.constant 0 : i32
        %dma_wait3A_163 = tpu.memref_slice %arg10[%mul3A_75, %dma_wait3A_162] : memref<125x80xi32, #tpu.memory_space<vmem>> -> memref<1x80xi32, #tpu.memory_space<vmem>>
        %dma_wait3A_164 = tpu.memref_squeeze %dma_wait3A_163 : memref<1x80xi32, #tpu.memory_space<vmem>> -> memref<80xi32, #tpu.memory_space<vmem>>
        %dma_wait3A_165 = arith.constant 0 : i32
        %dma_wait3A_166 = arith.constant 0 : i32
        %dma_wait3A_167 = tpu.memref_slice %arg21[%dma_wait3A_165, %dma_wait3A_166] : memref<10000x64xf32, #tpu.memory_space<vmem_shared>> -> memref<10000x64xf32, #tpu.memory_space<vmem_shared>>
        tpu.wait_indirect_dma semaphore(%run_scoped3A : memref<!tpu.dma_semaphore, #tpu.memory_space<semaphore_mem>>) src(%arg19 : memref<80x64xf32, #tpu.memory_space<vmem>>) dst(%dma_wait3A_167 : memref<10000x64xf32, #tpu.memory_space<vmem_shared>>)
        tpu.yield
      }) : () -> ()
      %mul3A_110 = arith.constant 80 : i32
      %mul3A_111 = arith.muli %mul3A_75, %mul3A_110 : i32
      %add3A_112 = arith.addi %mul3A_13, %mul3A_111 : i32
      %jit3A_113 = arith.constant 2 : i32
      %div3A_114 = arith.divsi %add3A_112, %jit3A_113 : i32
      %sign3A_115 = arith.constant 0 : i32
      %sign3A_116 = arith.cmpi sgt, %add3A_112, %sign3A_115 : i32
      %sign3A_117 = arith.extui %sign3A_116 : i1 to i32
      %sign3A_118 = arith.constant 0 : i32
      %sign3A_119 = arith.cmpi slt, %add3A_112, %sign3A_118 : i32
      %sign3A_120 = arith.extui %sign3A_119 : i1 to i32
      %sign3A_121 = arith.subi %sign3A_117, %sign3A_120 : i32
      %sign3A_122 = arith.constant 0 : i32
      %sign3A_123 = arith.cmpi sgt, %jit3A_113, %sign3A_122 : i32
      %sign3A_124 = arith.extui %sign3A_123 : i1 to i32
      %sign3A_125 = arith.constant 0 : i32
      %sign3A_126 = arith.cmpi slt, %jit3A_113, %sign3A_125 : i32
      %sign3A_127 = arith.extui %sign3A_126 : i1 to i32
      %sign3A_128 = arith.subi %sign3A_124, %sign3A_127 : i32
      %ne3A_129 = arith.cmpi ne, %sign3A_121, %sign3A_128 : i32
      %rem3A_130 = arith.remsi %add3A_112, %jit3A_113 : i32
      %ne3A_131 = arith.constant 0 : i32
      %ne3A_132 = arith.cmpi ne, %rem3A_130, %ne3A_131 : i32
      %and3A_133 = arith.andi %ne3A_129, %ne3A_132 : i1
      %sub3A_134 = arith.constant 1 : i32
      %sub3A_135 = arith.subi %div3A_114, %sub3A_134 : i32
      %select_n3A_136 = arith.select %and3A_133, %sub3A_135, %div3A_114 : i32
      %multiple_of3A_137 = tpu.assume_multiple %select_n3A_136, 8 : i32
      %dma_start3A_138 = arith.constant 0 : i32
      %dma_start3A_139 = tpu.memref_slice %arg7[%multiple_of3A_137, %dma_start3A_138] : memref<160000x128xf32, #tpu.memory_space<hbm>> -> memref<40x128xf32, #tpu.memory_space<hbm>>
      %dma_start3A_140 = arith.constant 0 : i32
      %dma_start3A_141 = tpu.memref_slice %arg7[%multiple_of3A_137, %dma_start3A_140] : memref<160000x128xf32, #tpu.memory_space<hbm>> -> memref<40x128xf32, #tpu.memory_space<hbm>>
      tpu.enqueue_dma source(%arg17 : memref<40x128xf32, #tpu.memory_space<vmem>>) target(%dma_start3A_141 : memref<40x128xf32, #tpu.memory_space<hbm>>) target_semaphore(%arg28 : memref<!tpu.dma_semaphore, #tpu.memory_space<semaphore_mem>>)
      %add3A_142 = arith.constant 2 : i32
      %add3A_143 = arith.addi %mul3A_75, %add3A_142 : i32
      %lt3A_144 = arith.constant 125 : i32
      %lt3A_145 = arith.cmpi slt, %add3A_143, %lt3A_144 : i32
      %convert_element_type3A_146 = arith.extui %lt3A_145 : i1 to i32
      %cond3A_147 = arith.constant 0 : i32
      %cond3A_148 = arith.cmpi ne, %convert_element_type3A_146, %cond3A_147 : i32
      scf.if %cond3A_148 {
        %add3A_156 = arith.constant 2 : i32
        %add3A_157 = arith.addi %mul3A_75, %add3A_156 : i32
        %mul3A_158 = arith.constant 80 : i32
        %mul3A_159 = arith.muli %add3A_157, %mul3A_158 : i32
        %add3A_160 = arith.addi %mul3A_13, %mul3A_159 : i32
        %jit3A_161 = arith.constant 2 : i32
        %div3A_162 = arith.divsi %add3A_160, %jit3A_161 : i32
        %sign3A_163 = arith.constant 0 : i32
        %sign3A_164 = arith.cmpi sgt, %add3A_160, %sign3A_163 : i32
        %sign3A_165 = arith.extui %sign3A_164 : i1 to i32
        %sign3A_166 = arith.constant 0 : i32
        %sign3A_167 = arith.cmpi slt, %add3A_160, %sign3A_166 : i32
        %sign3A_168 = arith.extui %sign3A_167 : i1 to i32
        %sign3A_169 = arith.subi %sign3A_165, %sign3A_168 : i32
        %sign3A_170 = arith.constant 0 : i32
        %sign3A_171 = arith.cmpi sgt, %jit3A_161, %sign3A_170 : i32
        %sign3A_172 = arith.extui %sign3A_171 : i1 to i32
        %sign3A_173 = arith.constant 0 : i32
        %sign3A_174 = arith.cmpi slt, %jit3A_161, %sign3A_173 : i32
        %sign3A_175 = arith.extui %sign3A_174 : i1 to i32
        %sign3A_176 = arith.subi %sign3A_172, %sign3A_175 : i32
        %ne3A_177 = arith.cmpi ne, %sign3A_169, %sign3A_176 : i32
        %rem3A_178 = arith.remsi %add3A_160, %jit3A_161 : i32
        %ne3A_179 = arith.constant 0 : i32
        %ne3A_180 = arith.cmpi ne, %rem3A_178, %ne3A_179 : i32
        %and3A_181 = arith.andi %ne3A_177, %ne3A_180 : i1
        %sub3A_182 = arith.constant 1 : i32
        %sub3A_183 = arith.subi %div3A_162, %sub3A_182 : i32
        %select_n3A_184 = arith.select %and3A_181, %sub3A_183, %div3A_162 : i32
        %multiple_of3A_185 = tpu.assume_multiple %select_n3A_184, 8 : i32
        %dma_start3A_186 = arith.constant 0 : i32
        %dma_start3A_187 = tpu.memref_slice %arg2[%multiple_of3A_185, %dma_start3A_186] : memref<160000x128xf32, #tpu.memory_space<hbm>> -> memref<40x128xf32, #tpu.memory_space<hbm>>
        %dma_start3A_188 = arith.constant 0 : i32
        %dma_start3A_189 = tpu.memref_slice %arg2[%multiple_of3A_185, %dma_start3A_188] : memref<160000x128xf32, #tpu.memory_space<hbm>> -> memref<40x128xf32, #tpu.memory_space<hbm>>
        tpu.enqueue_dma source(%dma_start3A_189 : memref<40x128xf32, #tpu.memory_space<hbm>>) target(%arg11 : memref<40x128xf32, #tpu.memory_space<vmem>>) target_semaphore(%arg22 : memref<!tpu.dma_semaphore, #tpu.memory_space<semaphore_mem>>)
        %dma_start3A_190 = arith.constant 0 : i32
        %dma_start3A_191 = tpu.memref_slice %arg9[%add3A_157, %dma_start3A_190] : memref<125x80xi32, #tpu.memory_space<vmem>> -> memref<1x80xi32, #tpu.memory_space<vmem>>
        %dma_start3A_192 = tpu.memref_squeeze %dma_start3A_191 : memref<1x80xi32, #tpu.memory_space<vmem>> -> memref<80xi32, #tpu.memory_space<vmem>>
        %dma_start3A_193 = arith.constant 0 : i32
        %dma_start3A_194 = arith.constant 0 : i32
        %dma_start3A_195 = tpu.memref_slice %arg3[%dma_start3A_193, %dma_start3A_194] : memref<10000x64xf32, #tpu.memory_space<hbm>> -> memref<10000x64xf32, #tpu.memory_space<hbm>>
        tpu.enqueue_indirect_dma source(%dma_start3A_195 : memref<10000x64xf32, #tpu.memory_space<hbm>>) target(%arg13 : memref<80x64xf32, #tpu.memory_space<vmem>>) offsets(%dma_start3A_192 : memref<80xi32, #tpu.memory_space<vmem>>) semaphore(%arg24 : memref<!tpu.dma_semaphore, #tpu.memory_space<semaphore_mem>>)
        %dma_start3A_196 = arith.constant 0 : i32
        %dma_start3A_197 = tpu.memref_slice %arg10[%add3A_157, %dma_start3A_196] : memref<125x80xi32, #tpu.memory_space<vmem>> -> memref<1x80xi32, #tpu.memory_space<vmem>>
        %dma_start3A_198 = tpu.memref_squeeze %dma_start3A_197 : memref<1x80xi32, #tpu.memory_space<vmem>> -> memref<80xi32, #tpu.memory_space<vmem>>
        %dma_start3A_199 = arith.constant 0 : i32
        %dma_start3A_200 = arith.constant 0 : i32
        %dma_start3A_201 = tpu.memref_slice %arg4[%dma_start3A_199, %dma_start3A_200] : memref<10000x64xf32, #tpu.memory_space<hbm>> -> memref<10000x64xf32, #tpu.memory_space<hbm>>
        tpu.enqueue_indirect_dma source(%dma_start3A_201 : memref<10000x64xf32, #tpu.memory_space<hbm>>) target(%arg15 : memref<80x64xf32, #tpu.memory_space<vmem>>) offsets(%dma_start3A_198 : memref<80xi32, #tpu.memory_space<vmem>>) semaphore(%arg26 : memref<!tpu.dma_semaphore, #tpu.memory_space<semaphore_mem>>)
      } else {
      }
      %add3A_149 = arith.constant 1 : i32
      %add3A_150 = arith.addi %mul3A_75, %add3A_149 : i32
      %lt3A_151 = arith.constant 125 : i32
      %lt3A_152 = arith.cmpi slt, %add3A_150, %lt3A_151 : i32
      %convert_element_type3A_153 = arith.extui %lt3A_152 : i1 to i32
      %cond3A_154 = arith.constant 0 : i32
      %cond3A_155 = arith.cmpi ne, %convert_element_type3A_153, %cond3A_154 : i32
      scf.if %cond3A_155 {
        %dma_wait3A_156 = arith.constant 0 : i32
        %dma_wait3A_157 = arith.constant 0 : i32
        %dma_wait3A_158 = tpu.memref_slice %arg2[%dma_wait3A_156, %dma_wait3A_157] : memref<160000x128xf32, #tpu.memory_space<hbm>> -> memref<40x128xf32, #tpu.memory_space<hbm>>
        %dma_wait3A_159 = arith.constant 0 : i32
        %dma_wait3A_160 = arith.constant 0 : i32
        %dma_wait3A_161 = tpu.memref_slice %arg2[%dma_wait3A_159, %dma_wait3A_160] : memref<160000x128xf32, #tpu.memory_space<hbm>> -> memref<40x128xf32, #tpu.memory_space<hbm>>
        tpu.wait_dma2 semaphore(%arg23 : memref<!tpu.dma_semaphore, #tpu.memory_space<semaphore_mem>>) src(%dma_wait3A_161 : memref<40x128xf32, #tpu.memory_space<hbm>>) dst(%arg12 : memref<40x128xf32, #tpu.memory_space<vmem>>)
        %dma_wait3A_162 = arith.constant 0 : i32
        %dma_wait3A_163 = arith.constant 0 : i32
        %dma_wait3A_164 = tpu.memref_slice %arg9[%dma_wait3A_162, %dma_wait3A_163] : memref<125x80xi32, #tpu.memory_space<vmem>> -> memref<1x80xi32, #tpu.memory_space<vmem>>
        %dma_wait3A_165 = tpu.memref_squeeze %dma_wait3A_164 : memref<1x80xi32, #tpu.memory_space<vmem>> -> memref<80xi32, #tpu.memory_space<vmem>>
        %dma_wait3A_166 = arith.constant 0 : i32
        %dma_wait3A_167 = arith.constant 0 : i32
        %dma_wait3A_168 = tpu.memref_slice %arg3[%dma_wait3A_166, %dma_wait3A_167] : memref<10000x64xf32, #tpu.memory_space<hbm>> -> memref<10000x64xf32, #tpu.memory_space<hbm>>
        tpu.wait_indirect_dma semaphore(%arg25 : memref<!tpu.dma_semaphore, #tpu.memory_space<semaphore_mem>>) src(%dma_wait3A_168 : memref<10000x64xf32, #tpu.memory_space<hbm>>) dst(%arg14 : memref<80x64xf32, #tpu.memory_space<vmem>>)
        %dma_wait3A_169 = arith.constant 0 : i32
        %dma_wait3A_170 = arith.constant 0 : i32
        %dma_wait3A_171 = tpu.memref_slice %arg10[%dma_wait3A_169, %dma_wait3A_170] : memref<125x80xi32, #tpu.memory_space<vmem>> -> memref<1x80xi32, #tpu.memory_space<vmem>>
        %dma_wait3A_172 = tpu.memref_squeeze %dma_wait3A_171 : memref<1x80xi32, #tpu.memory_space<vmem>> -> memref<80xi32, #tpu.memory_space<vmem>>
        %dma_wait3A_173 = arith.constant 0 : i32
        %dma_wait3A_174 = arith.constant 0 : i32
        %dma_wait3A_175 = tpu.memref_slice %arg4[%dma_wait3A_173, %dma_wait3A_174] : memref<10000x64xf32, #tpu.memory_space<hbm>> -> memref<10000x64xf32, #tpu.memory_space<hbm>>
        tpu.wait_indirect_dma semaphore(%arg27 : memref<!tpu.dma_semaphore, #tpu.memory_space<semaphore_mem>>) src(%dma_wait3A_175 : memref<10000x64xf32, #tpu.memory_space<hbm>>) dst(%arg16 : memref<80x64xf32, #tpu.memory_space<vmem>>)
        %gt3A_176 = arith.constant 0 : i32
        %gt3A_177 = arith.cmpi sgt, %scan3A_73, %gt3A_176 : i32
        %convert_element_type3A_178 = arith.extui %gt3A_177 : i1 to i32
        %cond3A_179 = arith.constant 0 : i32
        %cond3A_180 = arith.cmpi ne, %convert_element_type3A_178, %cond3A_179 : i32
        scf.if %cond3A_180 {
          %dma_wait3A_223 = arith.constant 0 : i32
          %dma_wait3A_224 = arith.constant 0 : i32
          %dma_wait3A_225 = tpu.memref_slice %arg7[%dma_wait3A_223, %dma_wait3A_224] : memref<160000x128xf32, #tpu.memory_space<hbm>> -> memref<40x128xf32, #tpu.memory_space<hbm>>
          %dma_wait3A_226 = arith.constant 0 : i32
          %dma_wait3A_227 = arith.constant 0 : i32
          %dma_wait3A_228 = tpu.memref_slice %arg7[%dma_wait3A_226, %dma_wait3A_227] : memref<160000x128xf32, #tpu.memory_space<hbm>> -> memref<40x128xf32, #tpu.memory_space<hbm>>
          tpu.wait_dma2 semaphore(%arg29 : memref<!tpu.dma_semaphore, #tpu.memory_space<semaphore_mem>>) src(%arg18 : memref<40x128xf32, #tpu.memory_space<vmem>>) dst(%dma_wait3A_228 : memref<40x128xf32, #tpu.memory_space<hbm>>)
        } else {
        }
        %add3A_181 = arith.constant 1 : i32
        %add3A_182 = arith.addi %mul3A_75, %add3A_181 : i32
        %scan3A_183 = arith.constant 0 : i32
        %scan3A_184 = arith.constant 0 : i32
        %scan3A_185 = arith.constant 40 : i32
        %scan3A_186 = arith.addi %scan3A_184, %scan3A_185 : i32
        %scan3A_187 = arith.constant 1 : i32
        scf.for %scan3A_223 = %scan3A_184 to %scan3A_186 step %scan3A_187  : i32 {
          %mul3A_224 = arith.constant 2 : i32
          %mul3A_225 = arith.muli %mul3A_224, %scan3A_223 : i32
          %add3A_226 = arith.constant 0 : i32
          %add3A_227 = arith.addi %mul3A_225, %add3A_226 : i32
          %get3A = arith.index_cast %scan3A_223 : i32 to index
          %get3A_228 = arith.constant 0 : index
          %get3A_229 = tpu.vector_load %arg12[%get3A, %get3A_228] {strides = array<i32>} : memref<40x128xf32, #tpu.memory_space<vmem>>, vector<1x16xf32>,
          %get3A_230 = vector.shape_cast %get3A_229 : vector<1x16xf32> to vector<16xf32>
          %get3A_231 = arith.index_cast %add3A_227 : i32 to index
          %get3A_232 = arith.constant 0 : index
          %get3A_233 = tpu.vector_load %arg14[%get3A_231, %get3A_232] {strides = array<i32>} : memref<80x64xf32, #tpu.memory_space<vmem>>, vector<1x16xf32>,
          %get3A_234 = vector.shape_cast %get3A_233 : vector<1x16xf32> to vector<16xf32>
          %add3A_235 = arith.addf %get3A_230, %get3A_234 : vector<16xf32>
          %get3A_236 = arith.index_cast %add3A_227 : i32 to index
          %get3A_237 = arith.constant 0 : index
          %get3A_238 = tpu.vector_load %arg16[%get3A_236, %get3A_237] {strides = array<i32>} : memref<80x64xf32, #tpu.memory_space<vmem>>, vector<1x16xf32>,
          %get3A_239 = vector.shape_cast %get3A_238 : vector<1x16xf32> to vector<16xf32>
          %add3A_240 = arith.addf %add3A_235, %get3A_239 : vector<16xf32>
          %max3A = arith.constant 0.000000e+00 : f32
          %max3A_241 = vector.broadcast %max3A : f32 to vector<16xf32>
          %max3A_242 = arith.maximumf %add3A_240, %max3A_241 : vector<16xf32>
          %swap3A = arith.index_cast %add3A_227 : i32 to index
          %swap3A_243 = arith.constant 0 : index
          %swap3A_244 = tpu.vector_load %arg19[%swap3A, %swap3A_243] {strides = array<i32>} : memref<80x64xf32, #tpu.memory_space<vmem>>, vector<1x16xf32>,
          %swap3A_245 = vector.shape_cast %swap3A_244 : vector<1x16xf32> to vector<16xf32>
          %swap3A_246 = vector.shape_cast %max3A_242 : vector<16xf32> to vector<1x16xf32>
          tpu.vector_store %arg19[%swap3A, %swap3A_243], %swap3A_246 {strides = array<i32>} : memref<80x64xf32, #tpu.memory_space<vmem>>, vector<1x16xf32>,
          %swap3A_247 = arith.index_cast %scan3A_223 : i32 to index
          %swap3A_248 = arith.constant 0 : index
          %swap3A_249 = tpu.vector_load %arg18[%swap3A_247, %swap3A_248] {strides = array<i32>} : memref<40x128xf32, #tpu.memory_space<vmem>>, vector<1x16xf32>,
          %swap3A_250 = vector.shape_cast %swap3A_249 : vector<1x16xf32> to vector<16xf32>
          %swap3A_251 = vector.shape_cast %max3A_242 : vector<16xf32> to vector<1x16xf32>
          tpu.vector_store %arg18[%swap3A_247, %swap3A_248], %swap3A_251 {strides = array<i32>} : memref<40x128xf32, #tpu.memory_space<vmem>>, vector<1x16xf32>,
          %mul3A_252 = arith.constant 2 : i32
          %mul3A_253 = arith.muli %mul3A_252, %scan3A_223 : i32
          %add3A_254 = arith.constant 0 : i32
          %add3A_255 = arith.addi %mul3A_253, %add3A_254 : i32
          %get3A_256 = arith.index_cast %scan3A_223 : i32 to index
          %get3A_257 = arith.constant 16 : index
          %get3A_258 = tpu.vector_load %arg12[%get3A_256, %get3A_257] {strides = array<i32>} : memref<40x128xf32, #tpu.memory_space<vmem>>, vector<1x16xf32>,
          %get3A_259 = vector.shape_cast %get3A_258 : vector<1x16xf32> to vector<16xf32>
          %get3A_260 = arith.index_cast %add3A_255 : i32 to index
          %get3A_261 = arith.constant 16 : index
          %get3A_262 = tpu.vector_load %arg14[%get3A_260, %get3A_261] {strides = array<i32>} : memref<80x64xf32, #tpu.memory_space<vmem>>, vector<1x16xf32>,
          %get3A_263 = vector.shape_cast %get3A_262 : vector<1x16xf32> to vector<16xf32>
          %add3A_264 = arith.addf %get3A_259, %get3A_263 : vector<16xf32>
          %get3A_265 = arith.index_cast %add3A_255 : i32 to index
          %get3A_266 = arith.constant 16 : index
          %get3A_267 = tpu.vector_load %arg16[%get3A_265, %get3A_266] {strides = array<i32>} : memref<80x64xf32, #tpu.memory_space<vmem>>, vector<1x16xf32>,
          %get3A_268 = vector.shape_cast %get3A_267 : vector<1x16xf32> to vector<16xf32>
          %add3A_269 = arith.addf %add3A_264, %get3A_268 : vector<16xf32>
          %max3A_270 = arith.constant 0.000000e+00 : f32
          %max3A_271 = vector.broadcast %max3A_270 : f32 to vector<16xf32>
          %max3A_272 = arith.maximumf %add3A_269, %max3A_271 : vector<16xf32>
          %swap3A_273 = arith.index_cast %add3A_255 : i32 to index
          %swap3A_274 = arith.constant 16 : index
          %swap3A_275 = tpu.vector_load %arg19[%swap3A_273, %swap3A_274] {strides = array<i32>} : memref<80x64xf32, #tpu.memory_space<vmem>>, vector<1x16xf32>,
          %swap3A_276 = vector.shape_cast %swap3A_275 : vector<1x16xf32> to vector<16xf32>
          %swap3A_277 = vector.shape_cast %max3A_272 : vector<16xf32> to vector<1x16xf32>
          tpu.vector_store %arg19[%swap3A_273, %swap3A_274], %swap3A_277 {strides = array<i32>} : memref<80x64xf32, #tpu.memory_space<vmem>>, vector<1x16xf32>,
          %swap3A_278 = arith.index_cast %scan3A_223 : i32 to index
          %swap3A_279 = arith.constant 16 : index
          %swap3A_280 = tpu.vector_load %arg18[%swap3A_278, %swap3A_279] {strides = array<i32>} : memref<40x128xf32, #tpu.memory_space<vmem>>, vector<1x16xf32>,
          %swap3A_281 = vector.shape_cast %swap3A_280 : vector<1x16xf32> to vector<16xf32>
          %swap3A_282 = vector.shape_cast %max3A_272 : vector<16xf32> to vector<1x16xf32>
          tpu.vector_store %arg18[%swap3A_278, %swap3A_279], %swap3A_282 {strides = array<i32>} : memref<40x128xf32, #tpu.memory_space<vmem>>, vector<1x16xf32>,
          %mul3A_283 = arith.constant 2 : i32
          %mul3A_284 = arith.muli %mul3A_283, %scan3A_223 : i32
          %add3A_285 = arith.constant 0 : i32
          %add3A_286 = arith.addi %mul3A_284, %add3A_285 : i32
          %get3A_287 = arith.index_cast %scan3A_223 : i32 to index
          %get3A_288 = arith.constant 32 : index
          %get3A_289 = tpu.vector_load %arg12[%get3A_287, %get3A_288] {strides = array<i32>} : memref<40x128xf32, #tpu.memory_space<vmem>>, vector<1x16xf32>,
          %get3A_290 = vector.shape_cast %get3A_289 : vector<1x16xf32> to vector<16xf32>
          %get3A_291 = arith.index_cast %add3A_286 : i32 to index
          %get3A_292 = arith.constant 32 : index
          %get3A_293 = tpu.vector_load %arg14[%get3A_291, %get3A_292] {strides = array<i32>} : memref<80x64xf32, #tpu.memory_space<vmem>>, vector<1x16xf32>,
          %get3A_294 = vector.shape_cast %get3A_293 : vector<1x16xf32> to vector<16xf32>
          %add3A_295 = arith.addf %get3A_290, %get3A_294 : vector<16xf32>
          %get3A_296 = arith.index_cast %add3A_286 : i32 to index
          %get3A_297 = arith.constant 32 : index
          %get3A_298 = tpu.vector_load %arg16[%get3A_296, %get3A_297] {strides = array<i32>} : memref<80x64xf32, #tpu.memory_space<vmem>>, vector<1x16xf32>,
          %get3A_299 = vector.shape_cast %get3A_298 : vector<1x16xf32> to vector<16xf32>
          %add3A_300 = arith.addf %add3A_295, %get3A_299 : vector<16xf32>
          %max3A_301 = arith.constant 0.000000e+00 : f32
          %max3A_302 = vector.broadcast %max3A_301 : f32 to vector<16xf32>
          %max3A_303 = arith.maximumf %add3A_300, %max3A_302 : vector<16xf32>
          %swap3A_304 = arith.index_cast %add3A_286 : i32 to index
          %swap3A_305 = arith.constant 32 : index
          %swap3A_306 = tpu.vector_load %arg19[%swap3A_304, %swap3A_305] {strides = array<i32>} : memref<80x64xf32, #tpu.memory_space<vmem>>, vector<1x16xf32>,
          %swap3A_307 = vector.shape_cast %swap3A_306 : vector<1x16xf32> to vector<16xf32>
          %swap3A_308 = vector.shape_cast %max3A_303 : vector<16xf32> to vector<1x16xf32>
          tpu.vector_store %arg19[%swap3A_304, %swap3A_305], %swap3A_308 {strides = array<i32>} : memref<80x64xf32, #tpu.memory_space<vmem>>, vector<1x16xf32>,
          %swap3A_309 = arith.index_cast %scan3A_223 : i32 to index
          %swap3A_310 = arith.constant 32 : index
          %swap3A_311 = tpu.vector_load %arg18[%swap3A_309, %swap3A_310] {strides = array<i32>} : memref<40x128xf32, #tpu.memory_space<vmem>>, vector<1x16xf32>,
          %swap3A_312 = vector.shape_cast %swap3A_311 : vector<1x16xf32> to vector<16xf32>
          %swap3A_313 = vector.shape_cast %max3A_303 : vector<16xf32> to vector<1x16xf32>
          tpu.vector_store %arg18[%swap3A_309, %swap3A_310], %swap3A_313 {strides = array<i32>} : memref<40x128xf32, #tpu.memory_space<vmem>>, vector<1x16xf32>,
          %mul3A_314 = arith.constant 2 : i32
          %mul3A_315 = arith.muli %mul3A_314, %scan3A_223 : i32
          %add3A_316 = arith.constant 0 : i32
          %add3A_317 = arith.addi %mul3A_315, %add3A_316 : i32
          %get3A_318 = arith.index_cast %scan3A_223 : i32 to index
          %get3A_319 = arith.constant 48 : index
          %get3A_320 = tpu.vector_load %arg12[%get3A_318, %get3A_319] {strides = array<i32>} : memref<40x128xf32, #tpu.memory_space<vmem>>, vector<1x16xf32>,
          %get3A_321 = vector.shape_cast %get3A_320 : vector<1x16xf32> to vector<16xf32>
          %get3A_322 = arith.index_cast %add3A_317 : i32 to index
          %get3A_323 = arith.constant 48 : index
          %get3A_324 = tpu.vector_load %arg14[%get3A_322, %get3A_323] {strides = array<i32>} : memref<80x64xf32, #tpu.memory_space<vmem>>, vector<1x16xf32>,
          %get3A_325 = vector.shape_cast %get3A_324 : vector<1x16xf32> to vector<16xf32>
          %add3A_326 = arith.addf %get3A_321, %get3A_325 : vector<16xf32>
          %get3A_327 = arith.index_cast %add3A_317 : i32 to index
          %get3A_328 = arith.constant 48 : index
          %get3A_329 = tpu.vector_load %arg16[%get3A_327, %get3A_328] {strides = array<i32>} : memref<80x64xf32, #tpu.memory_space<vmem>>, vector<1x16xf32>,
          %get3A_330 = vector.shape_cast %get3A_329 : vector<1x16xf32> to vector<16xf32>
          %add3A_331 = arith.addf %add3A_326, %get3A_330 : vector<16xf32>
          %max3A_332 = arith.constant 0.000000e+00 : f32
          %max3A_333 = vector.broadcast %max3A_332 : f32 to vector<16xf32>
          %max3A_334 = arith.maximumf %add3A_331, %max3A_333 : vector<16xf32>
          %swap3A_335 = arith.index_cast %add3A_317 : i32 to index
          %swap3A_336 = arith.constant 48 : index
          %swap3A_337 = tpu.vector_load %arg19[%swap3A_335, %swap3A_336] {strides = array<i32>} : memref<80x64xf32, #tpu.memory_space<vmem>>, vector<1x16xf32>,
          %swap3A_338 = vector.shape_cast %swap3A_337 : vector<1x16xf32> to vector<16xf32>
          %swap3A_339 = vector.shape_cast %max3A_334 : vector<16xf32> to vector<1x16xf32>
          tpu.vector_store %arg19[%swap3A_335, %swap3A_336], %swap3A_339 {strides = array<i32>} : memref<80x64xf32, #tpu.memory_space<vmem>>, vector<1x16xf32>,
          %swap3A_340 = arith.index_cast %scan3A_223 : i32 to index
          %swap3A_341 = arith.constant 48 : index
          %swap3A_342 = tpu.vector_load %arg18[%swap3A_340, %swap3A_341] {strides = array<i32>} : memref<40x128xf32, #tpu.memory_space<vmem>>, vector<1x16xf32>,
          %swap3A_343 = vector.shape_cast %swap3A_342 : vector<1x16xf32> to vector<16xf32>
          %swap3A_344 = vector.shape_cast %max3A_334 : vector<16xf32> to vector<1x16xf32>
          tpu.vector_store %arg18[%swap3A_340, %swap3A_341], %swap3A_344 {strides = array<i32>} : memref<40x128xf32, #tpu.memory_space<vmem>>, vector<1x16xf32>,
          %mul3A_345 = arith.constant 2 : i32
          %mul3A_346 = arith.muli %mul3A_345, %scan3A_223 : i32
          %add3A_347 = arith.constant 1 : i32
          %add3A_348 = arith.addi %mul3A_346, %add3A_347 : i32
          %get3A_349 = arith.index_cast %scan3A_223 : i32 to index
          %get3A_350 = arith.constant 64 : index
          %get3A_351 = tpu.vector_load %arg12[%get3A_349, %get3A_350] {strides = array<i32>} : memref<40x128xf32, #tpu.memory_space<vmem>>, vector<1x16xf32>,
          %get3A_352 = vector.shape_cast %get3A_351 : vector<1x16xf32> to vector<16xf32>
          %get3A_353 = arith.index_cast %add3A_348 : i32 to index
          %get3A_354 = arith.constant 0 : index
          %get3A_355 = tpu.vector_load %arg14[%get3A_353, %get3A_354] {strides = array<i32>} : memref<80x64xf32, #tpu.memory_space<vmem>>, vector<1x16xf32>,
          %get3A_356 = vector.shape_cast %get3A_355 : vector<1x16xf32> to vector<16xf32>
          %add3A_357 = arith.addf %get3A_352, %get3A_356 : vector<16xf32>
          %get3A_358 = arith.index_cast %add3A_348 : i32 to index
          %get3A_359 = arith.constant 0 : index
          %get3A_360 = tpu.vector_load %arg16[%get3A_358, %get3A_359] {strides = array<i32>} : memref<80x64xf32, #tpu.memory_space<vmem>>, vector<1x16xf32>,
          %get3A_361 = vector.shape_cast %get3A_360 : vector<1x16xf32> to vector<16xf32>
          %add3A_362 = arith.addf %add3A_357, %get3A_361 : vector<16xf32>
          %max3A_363 = arith.constant 0.000000e+00 : f32
          %max3A_364 = vector.broadcast %max3A_363 : f32 to vector<16xf32>
          %max3A_365 = arith.maximumf %add3A_362, %max3A_364 : vector<16xf32>
          %swap3A_366 = arith.index_cast %add3A_348 : i32 to index
          %swap3A_367 = arith.constant 0 : index
          %swap3A_368 = tpu.vector_load %arg19[%swap3A_366, %swap3A_367] {strides = array<i32>} : memref<80x64xf32, #tpu.memory_space<vmem>>, vector<1x16xf32>,
          %swap3A_369 = vector.shape_cast %swap3A_368 : vector<1x16xf32> to vector<16xf32>
          %swap3A_370 = vector.shape_cast %max3A_365 : vector<16xf32> to vector<1x16xf32>
          tpu.vector_store %arg19[%swap3A_366, %swap3A_367], %swap3A_370 {strides = array<i32>} : memref<80x64xf32, #tpu.memory_space<vmem>>, vector<1x16xf32>,
          %swap3A_371 = arith.index_cast %scan3A_223 : i32 to index
          %swap3A_372 = arith.constant 64 : index
          %swap3A_373 = tpu.vector_load %arg18[%swap3A_371, %swap3A_372] {strides = array<i32>} : memref<40x128xf32, #tpu.memory_space<vmem>>, vector<1x16xf32>,
          %swap3A_374 = vector.shape_cast %swap3A_373 : vector<1x16xf32> to vector<16xf32>
          %swap3A_375 = vector.shape_cast %max3A_365 : vector<16xf32> to vector<1x16xf32>
          tpu.vector_store %arg18[%swap3A_371, %swap3A_372], %swap3A_375 {strides = array<i32>} : memref<40x128xf32, #tpu.memory_space<vmem>>, vector<1x16xf32>,
          %mul3A_376 = arith.constant 2 : i32
          %mul3A_377 = arith.muli %mul3A_376, %scan3A_223 : i32
          %add3A_378 = arith.constant 1 : i32
          %add3A_379 = arith.addi %mul3A_377, %add3A_378 : i32
          %get3A_380 = arith.index_cast %scan3A_223 : i32 to index
          %get3A_381 = arith.constant 80 : index
          %get3A_382 = tpu.vector_load %arg12[%get3A_380, %get3A_381] {strides = array<i32>} : memref<40x128xf32, #tpu.memory_space<vmem>>, vector<1x16xf32>,
          %get3A_383 = vector.shape_cast %get3A_382 : vector<1x16xf32> to vector<16xf32>
          %get3A_384 = arith.index_cast %add3A_379 : i32 to index
          %get3A_385 = arith.constant 16 : index
          %get3A_386 = tpu.vector_load %arg14[%get3A_384, %get3A_385] {strides = array<i32>} : memref<80x64xf32, #tpu.memory_space<vmem>>, vector<1x16xf32>,
          %get3A_387 = vector.shape_cast %get3A_386 : vector<1x16xf32> to vector<16xf32>
          %add3A_388 = arith.addf %get3A_383, %get3A_387 : vector<16xf32>
          %get3A_389 = arith.index_cast %add3A_379 : i32 to index
          %get3A_390 = arith.constant 16 : index
          %get3A_391 = tpu.vector_load %arg16[%get3A_389, %get3A_390] {strides = array<i32>} : memref<80x64xf32, #tpu.memory_space<vmem>>, vector<1x16xf32>,
          %get3A_392 = vector.shape_cast %get3A_391 : vector<1x16xf32> to vector<16xf32>
          %add3A_393 = arith.addf %add3A_388, %get3A_392 : vector<16xf32>
          %max3A_394 = arith.constant 0.000000e+00 : f32
          %max3A_395 = vector.broadcast %max3A_394 : f32 to vector<16xf32>
          %max3A_396 = arith.maximumf %add3A_393, %max3A_395 : vector<16xf32>
          %swap3A_397 = arith.index_cast %add3A_379 : i32 to index
          %swap3A_398 = arith.constant 16 : index
          %swap3A_399 = tpu.vector_load %arg19[%swap3A_397, %swap3A_398] {strides = array<i32>} : memref<80x64xf32, #tpu.memory_space<vmem>>, vector<1x16xf32>,
          %swap3A_400 = vector.shape_cast %swap3A_399 : vector<1x16xf32> to vector<16xf32>
          %swap3A_401 = vector.shape_cast %max3A_396 : vector<16xf32> to vector<1x16xf32>
          tpu.vector_store %arg19[%swap3A_397, %swap3A_398], %swap3A_401 {strides = array<i32>} : memref<80x64xf32, #tpu.memory_space<vmem>>, vector<1x16xf32>,
          %swap3A_402 = arith.index_cast %scan3A_223 : i32 to index
          %swap3A_403 = arith.constant 80 : index
          %swap3A_404 = tpu.vector_load %arg18[%swap3A_402, %swap3A_403] {strides = array<i32>} : memref<40x128xf32, #tpu.memory_space<vmem>>, vector<1x16xf32>,
          %swap3A_405 = vector.shape_cast %swap3A_404 : vector<1x16xf32> to vector<16xf32>
          %swap3A_406 = vector.shape_cast %max3A_396 : vector<16xf32> to vector<1x16xf32>
          tpu.vector_store %arg18[%swap3A_402, %swap3A_403], %swap3A_406 {strides = array<i32>} : memref<40x128xf32, #tpu.memory_space<vmem>>, vector<1x16xf32>,
          %mul3A_407 = arith.constant 2 : i32
          %mul3A_408 = arith.muli %mul3A_407, %scan3A_223 : i32
          %add3A_409 = arith.constant 1 : i32
          %add3A_410 = arith.addi %mul3A_408, %add3A_409 : i32
          %get3A_411 = arith.index_cast %scan3A_223 : i32 to index
          %get3A_412 = arith.constant 96 : index
          %get3A_413 = tpu.vector_load %arg12[%get3A_411, %get3A_412] {strides = array<i32>} : memref<40x128xf32, #tpu.memory_space<vmem>>, vector<1x16xf32>,
          %get3A_414 = vector.shape_cast %get3A_413 : vector<1x16xf32> to vector<16xf32>
          %get3A_415 = arith.index_cast %add3A_410 : i32 to index
          %get3A_416 = arith.constant 32 : index
          %get3A_417 = tpu.vector_load %arg14[%get3A_415, %get3A_416] {strides = array<i32>} : memref<80x64xf32, #tpu.memory_space<vmem>>, vector<1x16xf32>,
          %get3A_418 = vector.shape_cast %get3A_417 : vector<1x16xf32> to vector<16xf32>
          %add3A_419 = arith.addf %get3A_414, %get3A_418 : vector<16xf32>
          %get3A_420 = arith.index_cast %add3A_410 : i32 to index
          %get3A_421 = arith.constant 32 : index
          %get3A_422 = tpu.vector_load %arg16[%get3A_420, %get3A_421] {strides = array<i32>} : memref<80x64xf32, #tpu.memory_space<vmem>>, vector<1x16xf32>,
          %get3A_423 = vector.shape_cast %get3A_422 : vector<1x16xf32> to vector<16xf32>
          %add3A_424 = arith.addf %add3A_419, %get3A_423 : vector<16xf32>
          %max3A_425 = arith.constant 0.000000e+00 : f32
          %max3A_426 = vector.broadcast %max3A_425 : f32 to vector<16xf32>
          %max3A_427 = arith.maximumf %add3A_424, %max3A_426 : vector<16xf32>
          %swap3A_428 = arith.index_cast %add3A_410 : i32 to index
          %swap3A_429 = arith.constant 32 : index
          %swap3A_430 = tpu.vector_load %arg19[%swap3A_428, %swap3A_429] {strides = array<i32>} : memref<80x64xf32, #tpu.memory_space<vmem>>, vector<1x16xf32>,
          %swap3A_431 = vector.shape_cast %swap3A_430 : vector<1x16xf32> to vector<16xf32>
          %swap3A_432 = vector.shape_cast %max3A_427 : vector<16xf32> to vector<1x16xf32>
          tpu.vector_store %arg19[%swap3A_428, %swap3A_429], %swap3A_432 {strides = array<i32>} : memref<80x64xf32, #tpu.memory_space<vmem>>, vector<1x16xf32>,
          %swap3A_433 = arith.index_cast %scan3A_223 : i32 to index
          %swap3A_434 = arith.constant 96 : index
          %swap3A_435 = tpu.vector_load %arg18[%swap3A_433, %swap3A_434] {strides = array<i32>} : memref<40x128xf32, #tpu.memory_space<vmem>>, vector<1x16xf32>,
          %swap3A_436 = vector.shape_cast %swap3A_435 : vector<1x16xf32> to vector<16xf32>
          %swap3A_437 = vector.shape_cast %max3A_427 : vector<16xf32> to vector<1x16xf32>
          tpu.vector_store %arg18[%swap3A_433, %swap3A_434], %swap3A_437 {strides = array<i32>} : memref<40x128xf32, #tpu.memory_space<vmem>>, vector<1x16xf32>,
          %mul3A_438 = arith.constant 2 : i32
          %mul3A_439 = arith.muli %mul3A_438, %scan3A_223 : i32
          %add3A_440 = arith.constant 1 : i32
          %add3A_441 = arith.addi %mul3A_439, %add3A_440 : i32
          %get3A_442 = arith.index_cast %scan3A_223 : i32 to index
          %get3A_443 = arith.constant 112 : index
          %get3A_444 = tpu.vector_load %arg12[%get3A_442, %get3A_443] {strides = array<i32>} : memref<40x128xf32, #tpu.memory_space<vmem>>, vector<1x16xf32>,
          %get3A_445 = vector.shape_cast %get3A_444 : vector<1x16xf32> to vector<16xf32>
          %get3A_446 = arith.index_cast %add3A_441 : i32 to index
          %get3A_447 = arith.constant 48 : index
          %get3A_448 = tpu.vector_load %arg14[%get3A_446, %get3A_447] {strides = array<i32>} : memref<80x64xf32, #tpu.memory_space<vmem>>, vector<1x16xf32>,
          %get3A_449 = vector.shape_cast %get3A_448 : vector<1x16xf32> to vector<16xf32>
          %add3A_450 = arith.addf %get3A_445, %get3A_449 : vector<16xf32>
          %get3A_451 = arith.index_cast %add3A_441 : i32 to index
          %get3A_452 = arith.constant 48 : index
          %get3A_453 = tpu.vector_load %arg16[%get3A_451, %get3A_452] {strides = array<i32>} : memref<80x64xf32, #tpu.memory_space<vmem>>, vector<1x16xf32>,
          %get3A_454 = vector.shape_cast %get3A_453 : vector<1x16xf32> to vector<16xf32>
          %add3A_455 = arith.addf %add3A_450, %get3A_454 : vector<16xf32>
          %max3A_456 = arith.constant 0.000000e+00 : f32
          %max3A_457 = vector.broadcast %max3A_456 : f32 to vector<16xf32>
          %max3A_458 = arith.maximumf %add3A_455, %max3A_457 : vector<16xf32>
          %swap3A_459 = arith.index_cast %add3A_441 : i32 to index
          %swap3A_460 = arith.constant 48 : index
          %swap3A_461 = tpu.vector_load %arg19[%swap3A_459, %swap3A_460] {strides = array<i32>} : memref<80x64xf32, #tpu.memory_space<vmem>>, vector<1x16xf32>,
          %swap3A_462 = vector.shape_cast %swap3A_461 : vector<1x16xf32> to vector<16xf32>
          %swap3A_463 = vector.shape_cast %max3A_458 : vector<16xf32> to vector<1x16xf32>
          tpu.vector_store %arg19[%swap3A_459, %swap3A_460], %swap3A_463 {strides = array<i32>} : memref<80x64xf32, #tpu.memory_space<vmem>>, vector<1x16xf32>,
          %swap3A_464 = arith.index_cast %scan3A_223 : i32 to index
          %swap3A_465 = arith.constant 112 : index
          %swap3A_466 = tpu.vector_load %arg18[%swap3A_464, %swap3A_465] {strides = array<i32>} : memref<40x128xf32, #tpu.memory_space<vmem>>, vector<1x16xf32>,
          %swap3A_467 = vector.shape_cast %swap3A_466 : vector<1x16xf32> to vector<16xf32>
          %swap3A_468 = vector.shape_cast %max3A_458 : vector<16xf32> to vector<1x16xf32>
          tpu.vector_store %arg18[%swap3A_464, %swap3A_465], %swap3A_468 {strides = array<i32>} : memref<40x128xf32, #tpu.memory_space<vmem>>, vector<1x16xf32>,
        }
        %scan3A_188 = arith.constant 40 : i32
        "tpu.region"() ({
          %run_scoped3A = tpu.sem_alloc : memref<!tpu.dma_semaphore, #tpu.memory_space<semaphore_mem>>
          %dma_start3A_223 = arith.constant 0 : i32
          %dma_start3A_224 = tpu.memref_slice %arg10[%add3A_182, %dma_start3A_223] : memref<125x80xi32, #tpu.memory_space<vmem>> -> memref<1x80xi32, #tpu.memory_space<vmem>>
          %dma_start3A_225 = tpu.memref_squeeze %dma_start3A_224 : memref<1x80xi32, #tpu.memory_space<vmem>> -> memref<80xi32, #tpu.memory_space<vmem>>
          %dma_start3A_226 = arith.constant 0 : i32
          %dma_start3A_227 = arith.constant 0 : i32
          %dma_start3A_228 = tpu.memref_slice %arg21[%dma_start3A_226, %dma_start3A_227] : memref<10000x64xf32, #tpu.memory_space<vmem_shared>> -> memref<10000x64xf32, #tpu.memory_space<vmem_shared>>
          tpu.enqueue_indirect_dma source(%arg19 : memref<80x64xf32, #tpu.memory_space<vmem>>) target(%dma_start3A_228 : memref<10000x64xf32, #tpu.memory_space<vmem_shared>>) offsets(%dma_start3A_225 : memref<80xi32, #tpu.memory_space<vmem>>) semaphore(%run_scoped3A : memref<!tpu.dma_semaphore, #tpu.memory_space<semaphore_mem>>) {add = true}
          %dma_wait3A_229 = arith.constant 0 : i32
          %dma_wait3A_230 = tpu.memref_slice %arg10[%add3A_182, %dma_wait3A_229] : memref<125x80xi32, #tpu.memory_space<vmem>> -> memref<1x80xi32, #tpu.memory_space<vmem>>
          %dma_wait3A_231 = tpu.memref_squeeze %dma_wait3A_230 : memref<1x80xi32, #tpu.memory_space<vmem>> -> memref<80xi32, #tpu.memory_space<vmem>>
          %dma_wait3A_232 = arith.constant 0 : i32
          %dma_wait3A_233 = arith.constant 0 : i32
          %dma_wait3A_234 = tpu.memref_slice %arg21[%dma_wait3A_232, %dma_wait3A_233] : memref<10000x64xf32, #tpu.memory_space<vmem_shared>> -> memref<10000x64xf32, #tpu.memory_space<vmem_shared>>
          tpu.wait_indirect_dma semaphore(%run_scoped3A : memref<!tpu.dma_semaphore, #tpu.memory_space<semaphore_mem>>) src(%arg19 : memref<80x64xf32, #tpu.memory_space<vmem>>) dst(%dma_wait3A_234 : memref<10000x64xf32, #tpu.memory_space<vmem_shared>>)
          tpu.yield
        }) : () -> ()
        %add3A_189 = arith.constant 1 : i32
        %add3A_190 = arith.addi %mul3A_75, %add3A_189 : i32
        %mul3A_191 = arith.constant 80 : i32
        %mul3A_192 = arith.muli %add3A_190, %mul3A_191 : i32
        %add3A_193 = arith.addi %mul3A_13, %mul3A_192 : i32
        %jit3A_194 = arith.constant 2 : i32
        %div3A_195 = arith.divsi %add3A_193, %jit3A_194 : i32
        %sign3A_196 = arith.constant 0 : i32
        %sign3A_197 = arith.cmpi sgt, %add3A_193, %sign3A_196 : i32
        %sign3A_198 = arith.extui %sign3A_197 : i1 to i32
        %sign3A_199 = arith.constant 0 : i32
        %sign3A_200 = arith.cmpi slt, %add3A_193, %sign3A_199 : i32
        %sign3A_201 = arith.extui %sign3A_200 : i1 to i32
        %sign3A_202 = arith.subi %sign3A_198, %sign3A_201 : i32
        %sign3A_203 = arith.constant 0 : i32
        %sign3A_204 = arith.cmpi sgt, %jit3A_194, %sign3A_203 : i32
        %sign3A_205 = arith.extui %sign3A_204 : i1 to i32
        %sign3A_206 = arith.constant 0 : i32
        %sign3A_207 = arith.cmpi slt, %jit3A_194, %sign3A_206 : i32
        %sign3A_208 = arith.extui %sign3A_207 : i1 to i32
        %sign3A_209 = arith.subi %sign3A_205, %sign3A_208 : i32
        %ne3A_210 = arith.cmpi ne, %sign3A_202, %sign3A_209 : i32
        %rem3A_211 = arith.remsi %add3A_193, %jit3A_194 : i32
        %ne3A_212 = arith.constant 0 : i32
        %ne3A_213 = arith.cmpi ne, %rem3A_211, %ne3A_212 : i32
        %and3A_214 = arith.andi %ne3A_210, %ne3A_213 : i1
        %sub3A_215 = arith.constant 1 : i32
        %sub3A_216 = arith.subi %div3A_195, %sub3A_215 : i32
        %select_n3A_217 = arith.select %and3A_214, %sub3A_216, %div3A_195 : i32
        %multiple_of3A_218 = tpu.assume_multiple %select_n3A_217, 8 : i32
        %dma_start3A_219 = arith.constant 0 : i32
        %dma_start3A_220 = tpu.memref_slice %arg7[%multiple_of3A_218, %dma_start3A_219] : memref<160000x128xf32, #tpu.memory_space<hbm>> -> memref<40x128xf32, #tpu.memory_space<hbm>>
        %dma_start3A_221 = arith.constant 0 : i32
        %dma_start3A_222 = tpu.memref_slice %arg7[%multiple_of3A_218, %dma_start3A_221] : memref<160000x128xf32, #tpu.memory_space<hbm>> -> memref<40x128xf32, #tpu.memory_space<hbm>>
        tpu.enqueue_dma source(%arg18 : memref<40x128xf32, #tpu.memory_space<vmem>>) target(%dma_start3A_222 : memref<40x128xf32, #tpu.memory_space<hbm>>) target_semaphore(%arg29 : memref<!tpu.dma_semaphore, #tpu.memory_space<semaphore_mem>>)
      } else {
      }
    }
    %scan3A_54 = arith.constant 63 : i32
    %dma_wait3A = arith.constant 0 : i32
    %dma_wait3A_55 = arith.constant 0 : i32
    %dma_wait3A_56 = tpu.memref_slice %arg7[%dma_wait3A, %dma_wait3A_55] : memref<160000x128xf32, #tpu.memory_space<hbm>> -> memref<40x128xf32, #tpu.memory_space<hbm>>
    %dma_wait3A_57 = arith.constant 0 : i32
    %dma_wait3A_58 = arith.constant 0 : i32
    %dma_wait3A_59 = tpu.memref_slice %arg7[%dma_wait3A_57, %dma_wait3A_58] : memref<160000x128xf32, #tpu.memory_space<hbm>> -> memref<40x128xf32, #tpu.memory_space<hbm>>
    tpu.wait_dma2 semaphore(%arg28 : memref<!tpu.dma_semaphore, #tpu.memory_space<semaphore_mem>>) src(%arg17 : memref<40x128xf32, #tpu.memory_space<vmem>>) dst(%dma_wait3A_59 : memref<40x128xf32, #tpu.memory_space<hbm>>)
    %dma_wait3A_60 = arith.constant 0 : i32
    %dma_wait3A_61 = arith.constant 0 : i32
    %dma_wait3A_62 = tpu.memref_slice %arg7[%dma_wait3A_60, %dma_wait3A_61] : memref<160000x128xf32, #tpu.memory_space<hbm>> -> memref<40x128xf32, #tpu.memory_space<hbm>>
    %dma_wait3A_63 = arith.constant 0 : i32
    %dma_wait3A_64 = arith.constant 0 : i32
    %dma_wait3A_65 = tpu.memref_slice %arg7[%dma_wait3A_63, %dma_wait3A_64] : memref<160000x128xf32, #tpu.memory_space<hbm>> -> memref<40x128xf32, #tpu.memory_space<hbm>>
    tpu.wait_dma2 semaphore(%arg29 : memref<!tpu.dma_semaphore, #tpu.memory_space<semaphore_mem>>) src(%arg18 : memref<40x128xf32, #tpu.memory_space<vmem>>) dst(%dma_wait3A_65 : memref<40x128xf32, #tpu.memory_space<hbm>>)
    %barrier3A_66 = arith.constant 0 : index
    tpu.barrier barrier_id(%barrier3A_66)
    %scan3A_67 = arith.constant 0 : i32
    %scan3A_68 = arith.constant 0 : i32
    %scan3A_69 = arith.constant 16 : i32
    %scan3A_70 = arith.addi %scan3A_68, %scan3A_69 : i32
    %scan3A_71 = arith.constant 1 : i32
    scf.for %scan3A_73 = %scan3A_68 to %scan3A_70 step %scan3A_71  : i32 {
      %mul3A_74 = arith.constant 16 : i32
      %mul3A_75 = arith.muli %arg1, %mul3A_74 : i32
      %add3A_76 = arith.addi %mul3A_75, %scan3A_73 : i32
      %lt3A = arith.constant 250 : i32
      %lt3A_77 = arith.cmpi slt, %add3A_76, %lt3A : i32
      %convert_element_type3A = arith.extui %lt3A_77 : i1 to i32
      %cond3A = arith.constant 0 : i32
      %cond3A_78 = arith.cmpi ne, %convert_element_type3A, %cond3A : i32
      scf.if %cond3A_78 {
        %mul3A_79 = arith.constant 40 : i32
        %mul3A_80 = arith.muli %add3A_76, %mul3A_79 : i32
        %multiple_of3A_81 = tpu.assume_multiple %mul3A_80, 8 : i32
        "tpu.region"() ({
          %run_scoped3A = tpu.sem_alloc : memref<!tpu.dma_semaphore, #tpu.memory_space<semaphore_mem>>
          %dma_start3A_82 = arith.constant 0 : i32
          %dma_start3A_83 = tpu.memref_slice %arg21[%multiple_of3A_81, %dma_start3A_82] : memref<10000x64xf32, #tpu.memory_space<vmem_shared>> -> memref<40x64xf32, #tpu.memory_space<vmem_shared>>
          %dma_start3A_84 = arith.constant 0 : i32
          %dma_start3A_85 = tpu.memref_slice %arg21[%multiple_of3A_81, %dma_start3A_84] : memref<10000x64xf32, #tpu.memory_space<vmem_shared>> -> memref<40x64xf32, #tpu.memory_space<vmem_shared>>
          tpu.enqueue_dma source(%dma_start3A_85 : memref<40x64xf32, #tpu.memory_space<vmem_shared>>) target(%arg20 : memref<40x64xf32, #tpu.memory_space<vmem>>) target_semaphore(%run_scoped3A : memref<!tpu.dma_semaphore, #tpu.memory_space<semaphore_mem>>)
          %dma_wait3A_86 = arith.constant 0 : i32
          %dma_wait3A_87 = tpu.memref_slice %arg21[%multiple_of3A_81, %dma_wait3A_86] : memref<10000x64xf32, #tpu.memory_space<vmem_shared>> -> memref<40x64xf32, #tpu.memory_space<vmem_shared>>
          %dma_wait3A_88 = arith.constant 0 : i32
          %dma_wait3A_89 = tpu.memref_slice %arg21[%multiple_of3A_81, %dma_wait3A_88] : memref<10000x64xf32, #tpu.memory_space<vmem_shared>> -> memref<40x64xf32, #tpu.memory_space<vmem_shared>>
          tpu.wait_dma2 semaphore(%run_scoped3A : memref<!tpu.dma_semaphore, #tpu.memory_space<semaphore_mem>>) src(%dma_wait3A_89 : memref<40x64xf32, #tpu.memory_space<vmem_shared>>) dst(%arg20 : memref<40x64xf32, #tpu.memory_space<vmem>>)
          tpu.yield
        }) : () -> ()
        "tpu.region"() ({
          %run_scoped3A = tpu.sem_alloc : memref<!tpu.dma_semaphore, #tpu.memory_space<semaphore_mem>>
          %dma_start3A_82 = arith.constant 0 : i32
          %dma_start3A_83 = tpu.memref_slice %arg8[%arg0, %multiple_of3A_81, %dma_start3A_82] : memref<2x10000x64xf32, #tpu.memory_space<hbm>> -> memref<1x40x64xf32, #tpu.memory_space<hbm>>
          %dma_start3A_84 = tpu.memref_squeeze %dma_start3A_83 : memref<1x40x64xf32, #tpu.memory_space<hbm>> -> memref<40x64xf32, #tpu.memory_space<hbm>>
          %dma_start3A_85 = arith.constant 0 : i32
          %dma_start3A_86 = tpu.memref_slice %arg8[%arg0, %multiple_of3A_81, %dma_start3A_85] : memref<2x10000x64xf32, #tpu.memory_space<hbm>> -> memref<1x40x64xf32, #tpu.memory_space<hbm>>
          %dma_start3A_87 = tpu.memref_squeeze %dma_start3A_86 : memref<1x40x64xf32, #tpu.memory_space<hbm>> -> memref<40x64xf32, #tpu.memory_space<hbm>>
          tpu.enqueue_dma source(%arg20 : memref<40x64xf32, #tpu.memory_space<vmem>>) target(%dma_start3A_87 : memref<40x64xf32, #tpu.memory_space<hbm>>) target_semaphore(%run_scoped3A : memref<!tpu.dma_semaphore, #tpu.memory_space<semaphore_mem>>)
          %dma_wait3A_88 = arith.constant 0 : i32
          %dma_wait3A_89 = tpu.memref_slice %arg8[%arg0, %multiple_of3A_81, %dma_wait3A_88] : memref<2x10000x64xf32, #tpu.memory_space<hbm>> -> memref<1x40x64xf32, #tpu.memory_space<hbm>>
          %dma_wait3A_90 = tpu.memref_squeeze %dma_wait3A_89 : memref<1x40x64xf32, #tpu.memory_space<hbm>> -> memref<40x64xf32, #tpu.memory_space<hbm>>
          %dma_wait3A_91 = arith.constant 0 : i32
          %dma_wait3A_92 = tpu.memref_slice %arg8[%arg0, %multiple_of3A_81, %dma_wait3A_91] : memref<2x10000x64xf32, #tpu.memory_space<hbm>> -> memref<1x40x64xf32, #tpu.memory_space<hbm>>
          %dma_wait3A_93 = tpu.memref_squeeze %dma_wait3A_92 : memref<1x40x64xf32, #tpu.memory_space<hbm>> -> memref<40x64xf32, #tpu.memory_space<hbm>>
          tpu.wait_dma2 semaphore(%run_scoped3A : memref<!tpu.dma_semaphore, #tpu.memory_space<semaphore_mem>>) src(%arg20 : memref<40x64xf32, #tpu.memory_space<vmem>>) dst(%dma_wait3A_93 : memref<40x64xf32, #tpu.memory_space<hbm>>)
          tpu.yield
        }) : () -> ()
      } else {
      }
    }
    %scan3A_72 = arith.constant 16 : i32
    return
  }
}

module attributes {stable_mosaic.version = 14 : i64} {
  func.func @body(%arg0: i32, %arg1: memref<1000x128xf32, #tpu.memory_space<vmem>>, %arg2: memref<128x64xf32, #tpu.memory_space<vmem>>, %arg3: memref<128x64xf32, #tpu.memory_space<vmem>>, %arg4: memref<1000x64xf32, #tpu.memory_space<vmem>>, %arg5: memref<1000x64xf32, #tpu.memory_space<vmem>>) attributes {dimension_semantics = [#tpu.dimension_semantics<arbitrary>], iteration_bounds = array<i64: 10>, scalar_prefetch = 0 : i64, scratch_operands = 0 : i64, tpu.core_type = #tpu.core_type<tc>, window_params = [{transform_indices = @transform_0, window_bounds = array<i64: 1000, 128>}, {pipeline_mode = #tpu.pipeline_mode<synchronous>, transform_indices = @transform_1, window_bounds = array<i64: 128, 64>}, {pipeline_mode = #tpu.pipeline_mode<synchronous>, transform_indices = @transform_2, window_bounds = array<i64: 128, 64>}, {transform_indices = @transform_3, window_bounds = array<i64: 1000, 64>}, {transform_indices = @transform_4, window_bounds = array<i64: 1000, 64>}]} {
    %get3A = arith.constant 0 : index
    %get3A_0 = arith.constant 0 : index
    %get3A_1 = vector.load %arg1[%get3A, %get3A_0] : memref<1000x128xf32, #tpu.memory_space<vmem>>, vector<1000x128xf32>
    %get3A_2 = arith.constant 0 : index
    %get3A_3 = arith.constant 0 : index
    %get3A_4 = vector.load %arg2[%get3A_2, %get3A_3] : memref<128x64xf32, #tpu.memory_space<vmem>>, vector<128x64xf32>
    %dot_general3A = arith.constant dense<0.000000e+00> : vector<1000x64xf32>
    %dot_general3A_5 = tpu.matmul %get3A_1, %get3A_4, %dot_general3A {dimension_numbers = #tpu.dot_dimension_numbers<[1], [0], [0], [1], [0, 0, 1, 1], [], []>, transpose_lhs_hint = false} : vector<1000x128xf32>, vector<128x64xf32>, vector<1000x64xf32> -> vector<1000x64xf32>
    %swap3A = arith.constant 0 : index
    %swap3A_6 = arith.constant 0 : index
    %swap3A_7 = vector.load %arg4[%swap3A, %swap3A_6] : memref<1000x64xf32, #tpu.memory_space<vmem>>, vector<1000x64xf32>
    tpu.vector_store %arg4[%swap3A, %swap3A_6], %dot_general3A_5 {strides = array<i32>} : memref<1000x64xf32, #tpu.memory_space<vmem>>, vector<1000x64xf32>,
    %get3A_8 = arith.constant 0 : index
    %get3A_9 = arith.constant 0 : index
    %get3A_10 = vector.load %arg3[%get3A_8, %get3A_9] : memref<128x64xf32, #tpu.memory_space<vmem>>, vector<128x64xf32>
    %dot_general3A_11 = arith.constant dense<0.000000e+00> : vector<1000x64xf32>
    %dot_general3A_12 = tpu.matmul %get3A_1, %get3A_10, %dot_general3A_11 {dimension_numbers = #tpu.dot_dimension_numbers<[1], [0], [0], [1], [0, 0, 1, 1], [], []>, transpose_lhs_hint = false} : vector<1000x128xf32>, vector<128x64xf32>, vector<1000x64xf32> -> vector<1000x64xf32>
    %swap3A_13 = arith.constant 0 : index
    %swap3A_14 = arith.constant 0 : index
    %swap3A_15 = vector.load %arg5[%swap3A_13, %swap3A_14] : memref<1000x64xf32, #tpu.memory_space<vmem>>, vector<1000x64xf32>
    tpu.vector_store %arg5[%swap3A_13, %swap3A_14], %dot_general3A_12 {strides = array<i32>} : memref<1000x64xf32, #tpu.memory_space<vmem>>, vector<1000x64xf32>,
    return
  }
  func.func @transform_0(%arg0: i32) -> (i32, i32) {
    %c0_i32 = arith.constant 0 : i32
    %c0_i32_0 = arith.constant 0 : i32
    return %arg0, %c0_i32 : i32, i32
  }
  func.func @transform_1(%arg0: i32) -> (i32, i32) {
    %c0_i32 = arith.constant 0 : i32
    %c0_i32_0 = arith.constant 0 : i32
    %c0_i32_1 = arith.constant 0 : i32
    return %c0_i32, %c0_i32_0 : i32, i32
  }
  func.func @transform_2(%arg0: i32) -> (i32, i32) {
    %c0_i32 = arith.constant 0 : i32
    %c0_i32_0 = arith.constant 0 : i32
    %c0_i32_1 = arith.constant 0 : i32
    return %c0_i32, %c0_i32_0 : i32, i32
  }
  func.func @transform_3(%arg0: i32) -> (i32, i32) {
    %c0_i32 = arith.constant 0 : i32
    %c0_i32_0 = arith.constant 0 : i32
    return %arg0, %c0_i32 : i32, i32
  }
  func.func @transform_4(%arg0: i32) -> (i32, i32) {
    %c0_i32 = arith.constant 0 : i32
    %c0_i32_0 = arith.constant 0 : i32
    return %arg0, %c0_i32 : i32, i32
  }
}

module attributes {stable_mosaic.version = 14 : i64} {
  func.func @body(%arg0: i32, %arg1: memref<2000x32xf32, #tpu.memory_space<vmem>>, %arg2: memref<32x128xf32, #tpu.memory_space<vmem>>, %arg3: memref<1x64xf32, #tpu.memory_space<vmem>>, %arg4: memref<64x64xf32, #tpu.memory_space<vmem>>, %arg5: memref<1x64xf32, #tpu.memory_space<vmem>>, %arg6: memref<2000x128xf32, #tpu.memory_space<vmem>>) attributes {dimension_semantics = [#tpu.dimension_semantics<arbitrary>], iteration_bounds = array<i64: 80>, scalar_prefetch = 0 : i64, scratch_operands = 0 : i64, tpu.core_type = #tpu.core_type<tc>, window_params = [{transform_indices = @transform_0, window_bounds = array<i64: 2000, 32>}, {pipeline_mode = #tpu.pipeline_mode<synchronous>, transform_indices = @transform_1, window_bounds = array<i64: 32, 128>}, {pipeline_mode = #tpu.pipeline_mode<synchronous>, transform_indices = @transform_2, window_bounds = array<i64: 1, 64>}, {pipeline_mode = #tpu.pipeline_mode<synchronous>, transform_indices = @transform_3, window_bounds = array<i64: 64, 64>}, {pipeline_mode = #tpu.pipeline_mode<synchronous>, transform_indices = @transform_4, window_bounds = array<i64: 1, 64>}, {transform_indices = @transform_5, window_bounds = array<i64: 2000, 128>}]} {
    %get3A = arith.constant 0 : index
    %get3A_0 = arith.constant 0 : index
    %get3A_1 = vector.load %arg3[%get3A, %get3A_0] : memref<1x64xf32, #tpu.memory_space<vmem>>, vector<1x64xf32>
    %get3A_2 = arith.constant 0 : index
    %get3A_3 = arith.constant 0 : index
    %get3A_4 = vector.load %arg4[%get3A_2, %get3A_3] : memref<64x64xf32, #tpu.memory_space<vmem>>, vector<64x64xf32>
    %dot_general3A = arith.constant dense<0.000000e+00> : vector<1x64xf32>
    %dot_general3A_5 = tpu.matmul %get3A_1, %get3A_4, %dot_general3A {dimension_numbers = #tpu.dot_dimension_numbers<[1], [0], [0], [1], [0, 0, 1, 1], [], []>, transpose_lhs_hint = false} : vector<1x64xf32>, vector<64x64xf32>, vector<1x64xf32> -> vector<1x64xf32>
    %get3A_6 = arith.constant 0 : index
    %get3A_7 = arith.constant 0 : index
    %get3A_8 = vector.load %arg5[%get3A_6, %get3A_7] : memref<1x64xf32, #tpu.memory_space<vmem>>, vector<1x64xf32>
    %add3A = arith.addf %dot_general3A_5, %get3A_8 : vector<1x64xf32>
    %concatenate3A = tpu.concatenate %add3A, %add3A in 1 : vector<1x64xf32>, vector<1x64xf32> -> vector<1x128xf32>
    %get3A_9 = arith.constant 0 : index
    %get3A_10 = arith.constant 0 : index
    %get3A_11 = vector.load %arg1[%get3A_9, %get3A_10] : memref<2000x32xf32, #tpu.memory_space<vmem>>, vector<2000x32xf32>
    %get3A_12 = arith.constant 0 : index
    %get3A_13 = arith.constant 0 : index
    %get3A_14 = vector.load %arg2[%get3A_12, %get3A_13] : memref<32x128xf32, #tpu.memory_space<vmem>>, vector<32x128xf32>
    %dot_general3A_15 = arith.constant dense<0.000000e+00> : vector<2000x128xf32>
    %dot_general3A_16 = tpu.matmul %get3A_11, %get3A_14, %dot_general3A_15 {dimension_numbers = #tpu.dot_dimension_numbers<[1], [0], [0], [1], [0, 0, 1, 1], [], []>, transpose_lhs_hint = false} : vector<2000x32xf32>, vector<32x128xf32>, vector<2000x128xf32> -> vector<2000x128xf32>
    %add3A_17 = vector.broadcast %concatenate3A : vector<1x128xf32> to vector<2000x128xf32>
    %add3A_18 = arith.addf %dot_general3A_16, %add3A_17 : vector<2000x128xf32>
    %swap3A = arith.constant 0 : index
    %swap3A_19 = arith.constant 0 : index
    %swap3A_20 = vector.load %arg6[%swap3A, %swap3A_19] : memref<2000x128xf32, #tpu.memory_space<vmem>>, vector<2000x128xf32>
    tpu.vector_store %arg6[%swap3A, %swap3A_19], %add3A_18 {strides = array<i32>} : memref<2000x128xf32, #tpu.memory_space<vmem>>, vector<2000x128xf32>,
    return
  }
  func.func @transform_0(%arg0: i32) -> (i32, i32) {
    %c0_i32 = arith.constant 0 : i32
    %c0_i32_0 = arith.constant 0 : i32
    return %arg0, %c0_i32 : i32, i32
  }
  func.func @transform_1(%arg0: i32) -> (i32, i32) {
    %c0_i32 = arith.constant 0 : i32
    %c0_i32_0 = arith.constant 0 : i32
    %c0_i32_1 = arith.constant 0 : i32
    return %c0_i32, %c0_i32_0 : i32, i32
  }
  func.func @transform_2(%arg0: i32) -> (i32, i32) {
    %c0_i32 = arith.constant 0 : i32
    %c0_i32_0 = arith.constant 0 : i32
    %c0_i32_1 = arith.constant 0 : i32
    return %c0_i32, %c0_i32_0 : i32, i32
  }
  func.func @transform_3(%arg0: i32) -> (i32, i32) {
    %c0_i32 = arith.constant 0 : i32
    %c0_i32_0 = arith.constant 0 : i32
    %c0_i32_1 = arith.constant 0 : i32
    return %c0_i32, %c0_i32_0 : i32, i32
  }
  func.func @transform_4(%arg0: i32) -> (i32, i32) {
    %c0_i32 = arith.constant 0 : i32
    %c0_i32_0 = arith.constant 0 : i32
    %c0_i32_1 = arith.constant 0 : i32
    return %c0_i32, %c0_i32_0 : i32, i32
  }
  func.func @transform_5(%arg0: i32) -> (i32, i32) {
    %c0_i32 = arith.constant 0 : i32
    %c0_i32_0 = arith.constant 0 : i32
    return %arg0, %c0_i32 : i32, i32
  }
}

module attributes {stable_mosaic.version = 14 : i64} {
  func.func @body(%arg0: i32, %arg1: memref<2x1000x64xf32, #tpu.memory_space<vmem>>, %arg2: memref<1000x128xf32, #tpu.memory_space<vmem>>, %arg3: memref<64x64xf32, #tpu.memory_space<vmem>>, %arg4: memref<128x64xf32, #tpu.memory_space<vmem>>, %arg5: memref<1x64xf32, #tpu.memory_space<vmem>>, %arg6: memref<64x64xf32, #tpu.memory_space<vmem>>, %arg7: memref<1x64xf32, #tpu.memory_space<vmem>>, %arg8: memref<64x64xf32, #tpu.memory_space<vmem>>, %arg9: memref<64x64xf32, #tpu.memory_space<vmem>>, %arg10: memref<1000x64xf32, #tpu.memory_space<vmem>>, %arg11: memref<1000x64xf32, #tpu.memory_space<vmem>>, %arg12: memref<1x64xf32, #tpu.memory_space<vmem>>, %arg13: memref<1x64xf32, #tpu.memory_space<vmem>>) attributes {dimension_semantics = [#tpu.dimension_semantics<arbitrary>], iteration_bounds = array<i64: 10>, scalar_prefetch = 0 : i64, scratch_operands = 0 : i64, tpu.core_type = #tpu.core_type<tc>, window_params = [{transform_indices = @transform_0, window_bounds = array<i64: 2, 1000, 64>}, {transform_indices = @transform_1, window_bounds = array<i64: 1000, 128>}, {pipeline_mode = #tpu.pipeline_mode<synchronous>, transform_indices = @transform_2, window_bounds = array<i64: 64, 64>}, {pipeline_mode = #tpu.pipeline_mode<synchronous>, transform_indices = @transform_3, window_bounds = array<i64: 128, 64>}, {pipeline_mode = #tpu.pipeline_mode<synchronous>, transform_indices = @transform_4, window_bounds = array<i64: 1, 64>}, {pipeline_mode = #tpu.pipeline_mode<synchronous>, transform_indices = @transform_5, window_bounds = array<i64: 64, 64>}, {pipeline_mode = #tpu.pipeline_mode<synchronous>, transform_indices = @transform_6, window_bounds = array<i64: 1, 64>}, {pipeline_mode = #tpu.pipeline_mode<synchronous>, transform_indices = @transform_7, window_bounds = array<i64: 64, 64>}, {pipeline_mode = #tpu.pipeline_mode<synchronous>, transform_indices = @transform_8, window_bounds = array<i64: 64, 64>}, {transform_indices = @transform_9, window_bounds = array<i64: 1000, 64>}, {transform_indices = @transform_10, window_bounds = array<i64: 1000, 64>}, {pipeline_mode = #tpu.pipeline_mode<synchronous>, transform_indices = @transform_11, window_bounds = array<i64: 1, 64>}, {pipeline_mode = #tpu.pipeline_mode<synchronous>, transform_indices = @transform_12, window_bounds = array<i64: 1, 64>}]} {
    %get3A = arith.constant 0 : index
    %get3A_0 = arith.constant 0 : index
    %get3A_1 = arith.constant 0 : index
    %get3A_2 = vector.load %arg1[%get3A, %get3A_0, %get3A_1] : memref<2x1000x64xf32, #tpu.memory_space<vmem>>, vector<1x1000x64xf32>
    %get3A_3 = vector.shape_cast %get3A_2 : vector<1x1000x64xf32> to vector<1000x64xf32>
    %get3A_4 = arith.constant 1 : index
    %get3A_5 = arith.constant 0 : index
    %get3A_6 = arith.constant 0 : index
    %get3A_7 = vector.load %arg1[%get3A_4, %get3A_5, %get3A_6] : memref<2x1000x64xf32, #tpu.memory_space<vmem>>, vector<1x1000x64xf32>
    %get3A_8 = vector.shape_cast %get3A_7 : vector<1x1000x64xf32> to vector<1000x64xf32>
    %add3A = arith.addf %get3A_3, %get3A_8 : vector<1000x64xf32>
    %get3A_9 = arith.constant 0 : index
    %get3A_10 = arith.constant 0 : index
    %get3A_11 = vector.load %arg5[%get3A_9, %get3A_10] : memref<1x64xf32, #tpu.memory_space<vmem>>, vector<1x64xf32>
    %get3A_12 = arith.constant 0 : index
    %get3A_13 = arith.constant 0 : index
    %get3A_14 = vector.load %arg6[%get3A_12, %get3A_13] : memref<64x64xf32, #tpu.memory_space<vmem>>, vector<64x64xf32>
    %dot_general3A = arith.constant dense<0.000000e+00> : vector<1x64xf32>
    %dot_general3A_15 = tpu.matmul %get3A_11, %get3A_14, %dot_general3A {dimension_numbers = #tpu.dot_dimension_numbers<[1], [0], [0], [1], [0, 0, 1, 1], [], []>, transpose_lhs_hint = false} : vector<1x64xf32>, vector<64x64xf32>, vector<1x64xf32> -> vector<1x64xf32>
    %get3A_16 = arith.constant 0 : index
    %get3A_17 = arith.constant 0 : index
    %get3A_18 = vector.load %arg7[%get3A_16, %get3A_17] : memref<1x64xf32, #tpu.memory_space<vmem>>, vector<1x64xf32>
    %add3A_19 = arith.addf %dot_general3A_15, %get3A_18 : vector<1x64xf32>
    %get3A_20 = arith.constant 0 : index
    %get3A_21 = arith.constant 0 : index
    %get3A_22 = vector.load %arg3[%get3A_20, %get3A_21] : memref<64x64xf32, #tpu.memory_space<vmem>>, vector<64x64xf32>
    %dot_general3A_23 = arith.constant dense<0.000000e+00> : vector<1000x64xf32>
    %dot_general3A_24 = tpu.matmul %add3A, %get3A_22, %dot_general3A_23 {dimension_numbers = #tpu.dot_dimension_numbers<[1], [0], [0], [1], [0, 0, 1, 1], [], []>, transpose_lhs_hint = false} : vector<1000x64xf32>, vector<64x64xf32>, vector<1000x64xf32> -> vector<1000x64xf32>
    %get3A_25 = arith.constant 0 : index
    %get3A_26 = arith.constant 0 : index
    %get3A_27 = vector.load %arg2[%get3A_25, %get3A_26] : memref<1000x128xf32, #tpu.memory_space<vmem>>, vector<1000x128xf32>
    %get3A_28 = arith.constant 0 : index
    %get3A_29 = arith.constant 0 : index
    %get3A_30 = vector.load %arg4[%get3A_28, %get3A_29] : memref<128x64xf32, #tpu.memory_space<vmem>>, vector<128x64xf32>
    %dot_general3A_31 = arith.constant dense<0.000000e+00> : vector<1000x64xf32>
    %dot_general3A_32 = tpu.matmul %get3A_27, %get3A_30, %dot_general3A_31 {dimension_numbers = #tpu.dot_dimension_numbers<[1], [0], [0], [1], [0, 0, 1, 1], [], []>, transpose_lhs_hint = false} : vector<1000x128xf32>, vector<128x64xf32>, vector<1000x64xf32> -> vector<1000x64xf32>
    %add3A_33 = arith.addf %dot_general3A_24, %dot_general3A_32 : vector<1000x64xf32>
    %add3A_34 = vector.broadcast %add3A_19 : vector<1x64xf32> to vector<1000x64xf32>
    %add3A_35 = arith.addf %add3A_33, %add3A_34 : vector<1000x64xf32>
    %max3A = arith.constant 0.000000e+00 : f32
    %max3A_36 = vector.broadcast %max3A : f32 to vector<1000x64xf32>
    %max3A_37 = arith.maximumf %add3A_35, %max3A_36 : vector<1000x64xf32>
    %get3A_38 = arith.constant 0 : index
    %get3A_39 = arith.constant 0 : index
    %get3A_40 = vector.load %arg8[%get3A_38, %get3A_39] : memref<64x64xf32, #tpu.memory_space<vmem>>, vector<64x64xf32>
    %dot_general3A_41 = arith.constant dense<0.000000e+00> : vector<1000x64xf32>
    %dot_general3A_42 = tpu.matmul %max3A_37, %get3A_40, %dot_general3A_41 {dimension_numbers = #tpu.dot_dimension_numbers<[1], [0], [0], [1], [0, 0, 1, 1], [], []>, transpose_lhs_hint = false} : vector<1000x64xf32>, vector<64x64xf32>, vector<1000x64xf32> -> vector<1000x64xf32>
    %swap3A = arith.constant 0 : index
    %swap3A_43 = arith.constant 0 : index
    %swap3A_44 = vector.load %arg10[%swap3A, %swap3A_43] : memref<1000x64xf32, #tpu.memory_space<vmem>>, vector<1000x64xf32>
    tpu.vector_store %arg10[%swap3A, %swap3A_43], %dot_general3A_42 {strides = array<i32>} : memref<1000x64xf32, #tpu.memory_space<vmem>>, vector<1000x64xf32>,
    %get3A_45 = arith.constant 0 : index
    %get3A_46 = arith.constant 0 : index
    %get3A_47 = vector.load %arg9[%get3A_45, %get3A_46] : memref<64x64xf32, #tpu.memory_space<vmem>>, vector<64x64xf32>
    %dot_general3A_48 = arith.constant dense<0.000000e+00> : vector<1000x64xf32>
    %dot_general3A_49 = tpu.matmul %max3A_37, %get3A_47, %dot_general3A_48 {dimension_numbers = #tpu.dot_dimension_numbers<[1], [0], [0], [1], [0, 0, 1, 1], [], []>, transpose_lhs_hint = false} : vector<1000x64xf32>, vector<64x64xf32>, vector<1000x64xf32> -> vector<1000x64xf32>
    %swap3A_50 = arith.constant 0 : index
    %swap3A_51 = arith.constant 0 : index
    %swap3A_52 = vector.load %arg11[%swap3A_50, %swap3A_51] : memref<1000x64xf32, #tpu.memory_space<vmem>>, vector<1000x64xf32>
    tpu.vector_store %arg11[%swap3A_50, %swap3A_51], %dot_general3A_49 {strides = array<i32>} : memref<1000x64xf32, #tpu.memory_space<vmem>>, vector<1000x64xf32>,
    %eq3A = arith.constant 0 : i32
    %eq3A_53 = arith.cmpi eq, %arg0, %eq3A : i32
    %convert_element_type3A = arith.extui %eq3A_53 : i1 to i32
    %cond3A = arith.constant 0 : i32
    %cond3A_54 = arith.cmpi ne, %convert_element_type3A, %cond3A : i32
    scf.if %cond3A_54 {
      %broadcast_in_dim3A_73 = arith.constant 0.000000e+00 : f32
      %broadcast_in_dim3A_74 = vector.broadcast %broadcast_in_dim3A_73 : f32 to vector<1x64xf32>
      %swap3A_75 = arith.constant 0 : index
      %swap3A_76 = arith.constant 0 : index
      %swap3A_77 = vector.load %arg12[%swap3A_75, %swap3A_76] : memref<1x64xf32, #tpu.memory_space<vmem>>, vector<1x64xf32>
      tpu.vector_store %arg12[%swap3A_75, %swap3A_76], %broadcast_in_dim3A_74 {strides = array<i32>} : memref<1x64xf32, #tpu.memory_space<vmem>>, vector<1x64xf32>,
      %broadcast_in_dim3A_78 = arith.constant 0.000000e+00 : f32
      %broadcast_in_dim3A_79 = vector.broadcast %broadcast_in_dim3A_78 : f32 to vector<1x64xf32>
      %swap3A_80 = arith.constant 0 : index
      %swap3A_81 = arith.constant 0 : index
      %swap3A_82 = vector.load %arg13[%swap3A_80, %swap3A_81] : memref<1x64xf32, #tpu.memory_space<vmem>>, vector<1x64xf32>
      tpu.vector_store %arg13[%swap3A_80, %swap3A_81], %broadcast_in_dim3A_79 {strides = array<i32>} : memref<1x64xf32, #tpu.memory_space<vmem>>, vector<1x64xf32>,
    } else {
    }
    %get3A_55 = arith.constant 0 : index
    %get3A_56 = arith.constant 0 : index
    %get3A_57 = vector.load %arg12[%get3A_55, %get3A_56] : memref<1x64xf32, #tpu.memory_space<vmem>>, vector<1x64xf32>
    %reduce_sum3A = arith.constant dense<0.000000e+00> : vector<64xf32>
    %reduce_sum3A_58 = vector.multi_reduction <add>, %max3A_37, %reduce_sum3A [0] : vector<1000x64xf32> to vector<64xf32>
    %broadcast_in_dim3A = vector.shape_cast %reduce_sum3A_58 : vector<64xf32> to vector<1x64xf32>
    %add3A_59 = arith.addf %get3A_57, %broadcast_in_dim3A : vector<1x64xf32>
    %swap3A_60 = arith.constant 0 : index
    %swap3A_61 = arith.constant 0 : index
    %swap3A_62 = vector.load %arg12[%swap3A_60, %swap3A_61] : memref<1x64xf32, #tpu.memory_space<vmem>>, vector<1x64xf32>
    tpu.vector_store %arg12[%swap3A_60, %swap3A_61], %add3A_59 {strides = array<i32>} : memref<1x64xf32, #tpu.memory_space<vmem>>, vector<1x64xf32>,
    %get3A_63 = arith.constant 0 : index
    %get3A_64 = arith.constant 0 : index
    %get3A_65 = vector.load %arg13[%get3A_63, %get3A_64] : memref<1x64xf32, #tpu.memory_space<vmem>>, vector<1x64xf32>
    %reduce_sum3A_66 = arith.constant dense<0.000000e+00> : vector<64xf32>
    %reduce_sum3A_67 = vector.multi_reduction <add>, %add3A, %reduce_sum3A_66 [0] : vector<1000x64xf32> to vector<64xf32>
    %broadcast_in_dim3A_68 = vector.shape_cast %reduce_sum3A_67 : vector<64xf32> to vector<1x64xf32>
    %add3A_69 = arith.addf %get3A_65, %broadcast_in_dim3A_68 : vector<1x64xf32>
    %swap3A_70 = arith.constant 0 : index
    %swap3A_71 = arith.constant 0 : index
    %swap3A_72 = vector.load %arg13[%swap3A_70, %swap3A_71] : memref<1x64xf32, #tpu.memory_space<vmem>>, vector<1x64xf32>
    tpu.vector_store %arg13[%swap3A_70, %swap3A_71], %add3A_69 {strides = array<i32>} : memref<1x64xf32, #tpu.memory_space<vmem>>, vector<1x64xf32>,
    return
  }
  func.func @transform_0(%arg0: i32) -> (i32, i32, i32) {
    %c0_i32 = arith.constant 0 : i32
    %c0_i32_0 = arith.constant 0 : i32
    %c0_i32_1 = arith.constant 0 : i32
    return %c0_i32, %arg0, %c0_i32_0 : i32, i32, i32
  }
  func.func @transform_1(%arg0: i32) -> (i32, i32) {
    %c0_i32 = arith.constant 0 : i32
    %c0_i32_0 = arith.constant 0 : i32
    return %arg0, %c0_i32 : i32, i32
  }
  func.func @transform_2(%arg0: i32) -> (i32, i32) {
    %c0_i32 = arith.constant 0 : i32
    %c0_i32_0 = arith.constant 0 : i32
    %c0_i32_1 = arith.constant 0 : i32
    return %c0_i32, %c0_i32_0 : i32, i32
  }
  func.func @transform_3(%arg0: i32) -> (i32, i32) {
    %c0_i32 = arith.constant 0 : i32
    %c0_i32_0 = arith.constant 0 : i32
    %c0_i32_1 = arith.constant 0 : i32
    return %c0_i32, %c0_i32_0 : i32, i32
  }
  func.func @transform_4(%arg0: i32) -> (i32, i32) {
    %c0_i32 = arith.constant 0 : i32
    %c0_i32_0 = arith.constant 0 : i32
    %c0_i32_1 = arith.constant 0 : i32
    return %c0_i32, %c0_i32_0 : i32, i32
  }
  func.func @transform_5(%arg0: i32) -> (i32, i32) {
    %c0_i32 = arith.constant 0 : i32
    %c0_i32_0 = arith.constant 0 : i32
    %c0_i32_1 = arith.constant 0 : i32
    return %c0_i32, %c0_i32_0 : i32, i32
  }
  func.func @transform_6(%arg0: i32) -> (i32, i32) {
    %c0_i32 = arith.constant 0 : i32
    %c0_i32_0 = arith.constant 0 : i32
    %c0_i32_1 = arith.constant 0 : i32
    return %c0_i32, %c0_i32_0 : i32, i32
  }
  func.func @transform_7(%arg0: i32) -> (i32, i32) {
    %c0_i32 = arith.constant 0 : i32
    %c0_i32_0 = arith.constant 0 : i32
    %c0_i32_1 = arith.constant 0 : i32
    return %c0_i32, %c0_i32_0 : i32, i32
  }
  func.func @transform_8(%arg0: i32) -> (i32, i32) {
    %c0_i32 = arith.constant 0 : i32
    %c0_i32_0 = arith.constant 0 : i32
    %c0_i32_1 = arith.constant 0 : i32
    return %c0_i32, %c0_i32_0 : i32, i32
  }
  func.func @transform_9(%arg0: i32) -> (i32, i32) {
    %c0_i32 = arith.constant 0 : i32
    %c0_i32_0 = arith.constant 0 : i32
    return %arg0, %c0_i32 : i32, i32
  }
  func.func @transform_10(%arg0: i32) -> (i32, i32) {
    %c0_i32 = arith.constant 0 : i32
    %c0_i32_0 = arith.constant 0 : i32
    return %arg0, %c0_i32 : i32, i32
  }
  func.func @transform_11(%arg0: i32) -> (i32, i32) {
    %c0_i32 = arith.constant 0 : i32
    %c0_i32_0 = arith.constant 0 : i32
    %c0_i32_1 = arith.constant 0 : i32
    return %c0_i32, %c0_i32_0 : i32, i32
  }
  func.func @transform_12(%arg0: i32) -> (i32, i32) {
    %c0_i32 = arith.constant 0 : i32
    %c0_i32_0 = arith.constant 0 : i32
    %c0_i32_1 = arith.constant 0 : i32
    return %c0_i32, %c0_i32_0 : i32, i32
  }
}

module attributes {stable_mosaic.version = 14 : i64} {
  func.func @body(%arg0: i32, %arg1: memref<2000x128xf32, #tpu.memory_space<vmem>>, %arg2: memref<2000x128xf32, #tpu.memory_space<vmem>>, %arg3: memref<1x64xf32, #tpu.memory_space<vmem>>, %arg4: memref<1x64xf32, #tpu.memory_space<vmem>>, %arg5: memref<1x64xf32, #tpu.memory_space<vmem>>, %arg6: memref<64x64xf32, #tpu.memory_space<vmem>>, %arg7: memref<64x64xf32, #tpu.memory_space<vmem>>, %arg8: memref<64x64xf32, #tpu.memory_space<vmem>>, %arg9: memref<1x64xf32, #tpu.memory_space<vmem>>, %arg10: memref<128x128xf32, #tpu.memory_space<vmem>>, %arg11: memref<64x64xf32, #tpu.memory_space<vmem>>, %arg12: memref<1x64xf32, #tpu.memory_space<vmem>>, %arg13: memref<128x32xf32, #tpu.memory_space<vmem>>, %arg14: memref<1x32xf32, #tpu.memory_space<vmem>>, %arg15: memref<2000x32xf32, #tpu.memory_space<vmem>>) attributes {dimension_semantics = [#tpu.dimension_semantics<arbitrary>], iteration_bounds = array<i64: 80>, scalar_prefetch = 0 : i64, scratch_operands = 0 : i64, tpu.core_type = #tpu.core_type<tc>, window_params = [{transform_indices = @transform_0, window_bounds = array<i64: 2000, 128>}, {transform_indices = @transform_1, window_bounds = array<i64: 2000, 128>}, {pipeline_mode = #tpu.pipeline_mode<synchronous>, transform_indices = @transform_2, window_bounds = array<i64: 1, 64>}, {pipeline_mode = #tpu.pipeline_mode<synchronous>, transform_indices = @transform_3, window_bounds = array<i64: 1, 64>}, {pipeline_mode = #tpu.pipeline_mode<synchronous>, transform_indices = @transform_4, window_bounds = array<i64: 1, 64>}, {pipeline_mode = #tpu.pipeline_mode<synchronous>, transform_indices = @transform_5, window_bounds = array<i64: 64, 64>}, {pipeline_mode = #tpu.pipeline_mode<synchronous>, transform_indices = @transform_6, window_bounds = array<i64: 64, 64>}, {pipeline_mode = #tpu.pipeline_mode<synchronous>, transform_indices = @transform_7, window_bounds = array<i64: 64, 64>}, {pipeline_mode = #tpu.pipeline_mode<synchronous>, transform_indices = @transform_8, window_bounds = array<i64: 1, 64>}, {pipeline_mode = #tpu.pipeline_mode<synchronous>, transform_indices = @transform_9, window_bounds = array<i64: 128, 128>}, {pipeline_mode = #tpu.pipeline_mode<synchronous>, transform_indices = @transform_10, window_bounds = array<i64: 64, 64>}, {pipeline_mode = #tpu.pipeline_mode<synchronous>, transform_indices = @transform_11, window_bounds = array<i64: 1, 64>}, {pipeline_mode = #tpu.pipeline_mode<synchronous>, transform_indices = @transform_12, window_bounds = array<i64: 128, 32>}, {pipeline_mode = #tpu.pipeline_mode<synchronous>, transform_indices = @transform_13, window_bounds = array<i64: 1, 32>}, {transform_indices = @transform_14, window_bounds = array<i64: 2000, 32>}]} {
    %get3A = arith.constant 0 : index
    %get3A_0 = arith.constant 0 : index
    %get3A_1 = vector.load %arg3[%get3A, %get3A_0] : memref<1x64xf32, #tpu.memory_space<vmem>>, vector<1x64xf32>
    %mul3A = arith.constant 3.125000e-06 : f32
    %mul3A_2 = vector.broadcast %mul3A : f32 to vector<1x64xf32>
    %mul3A_3 = arith.mulf %get3A_1, %mul3A_2 : vector<1x64xf32>
    %get3A_4 = arith.constant 0 : index
    %get3A_5 = arith.constant 0 : index
    %get3A_6 = vector.load %arg6[%get3A_4, %get3A_5] : memref<64x64xf32, #tpu.memory_space<vmem>>, vector<64x64xf32>
    %dot_general3A = arith.constant dense<0.000000e+00> : vector<1x64xf32>
    %dot_general3A_7 = tpu.matmul %mul3A_3, %get3A_6, %dot_general3A {dimension_numbers = #tpu.dot_dimension_numbers<[1], [0], [0], [1], [0, 0, 1, 1], [], []>, transpose_lhs_hint = false} : vector<1x64xf32>, vector<64x64xf32>, vector<1x64xf32> -> vector<1x64xf32>
    %get3A_8 = arith.constant 0 : index
    %get3A_9 = arith.constant 0 : index
    %get3A_10 = vector.load %arg4[%get3A_8, %get3A_9] : memref<1x64xf32, #tpu.memory_space<vmem>>, vector<1x64xf32>
    %mul3A_11 = arith.constant 9.99999974E-5 : f32
    %mul3A_12 = vector.broadcast %mul3A_11 : f32 to vector<1x64xf32>
    %mul3A_13 = arith.mulf %get3A_10, %mul3A_12 : vector<1x64xf32>
    %get3A_14 = arith.constant 0 : index
    %get3A_15 = arith.constant 0 : index
    %get3A_16 = vector.load %arg7[%get3A_14, %get3A_15] : memref<64x64xf32, #tpu.memory_space<vmem>>, vector<64x64xf32>
    %dot_general3A_17 = arith.constant dense<0.000000e+00> : vector<1x64xf32>
    %dot_general3A_18 = tpu.matmul %mul3A_13, %get3A_16, %dot_general3A_17 {dimension_numbers = #tpu.dot_dimension_numbers<[1], [0], [0], [1], [0, 0, 1, 1], [], []>, transpose_lhs_hint = false} : vector<1x64xf32>, vector<64x64xf32>, vector<1x64xf32> -> vector<1x64xf32>
    %add3A = arith.addf %dot_general3A_7, %dot_general3A_18 : vector<1x64xf32>
    %get3A_19 = arith.constant 0 : index
    %get3A_20 = arith.constant 0 : index
    %get3A_21 = vector.load %arg5[%get3A_19, %get3A_20] : memref<1x64xf32, #tpu.memory_space<vmem>>, vector<1x64xf32>
    %get3A_22 = arith.constant 0 : index
    %get3A_23 = arith.constant 0 : index
    %get3A_24 = vector.load %arg8[%get3A_22, %get3A_23] : memref<64x64xf32, #tpu.memory_space<vmem>>, vector<64x64xf32>
    %dot_general3A_25 = arith.constant dense<0.000000e+00> : vector<1x64xf32>
    %dot_general3A_26 = tpu.matmul %get3A_21, %get3A_24, %dot_general3A_25 {dimension_numbers = #tpu.dot_dimension_numbers<[1], [0], [0], [1], [0, 0, 1, 1], [], []>, transpose_lhs_hint = false} : vector<1x64xf32>, vector<64x64xf32>, vector<1x64xf32> -> vector<1x64xf32>
    %add3A_27 = arith.addf %add3A, %dot_general3A_26 : vector<1x64xf32>
    %get3A_28 = arith.constant 0 : index
    %get3A_29 = arith.constant 0 : index
    %get3A_30 = vector.load %arg9[%get3A_28, %get3A_29] : memref<1x64xf32, #tpu.memory_space<vmem>>, vector<1x64xf32>
    %add3A_31 = arith.addf %add3A_27, %get3A_30 : vector<1x64xf32>
    %max3A = arith.constant 0.000000e+00 : f32
    %max3A_32 = vector.broadcast %max3A : f32 to vector<1x64xf32>
    %max3A_33 = arith.maximumf %add3A_31, %max3A_32 : vector<1x64xf32>
    %get3A_34 = arith.constant 0 : index
    %get3A_35 = arith.constant 0 : index
    %get3A_36 = vector.load %arg11[%get3A_34, %get3A_35] : memref<64x64xf32, #tpu.memory_space<vmem>>, vector<64x64xf32>
    %dot_general3A_37 = arith.constant dense<0.000000e+00> : vector<1x64xf32>
    %dot_general3A_38 = tpu.matmul %max3A_33, %get3A_36, %dot_general3A_37 {dimension_numbers = #tpu.dot_dimension_numbers<[1], [0], [0], [1], [0, 0, 1, 1], [], []>, transpose_lhs_hint = false} : vector<1x64xf32>, vector<64x64xf32>, vector<1x64xf32> -> vector<1x64xf32>
    %get3A_39 = arith.constant 0 : index
    %get3A_40 = arith.constant 0 : index
    %get3A_41 = vector.load %arg12[%get3A_39, %get3A_40] : memref<1x64xf32, #tpu.memory_space<vmem>>, vector<1x64xf32>
    %add3A_42 = arith.addf %dot_general3A_38, %get3A_41 : vector<1x64xf32>
    %concatenate3A = tpu.concatenate %add3A_42, %add3A_42 in 1 : vector<1x64xf32>, vector<1x64xf32> -> vector<1x128xf32>
    %get3A_43 = arith.constant 0 : index
    %get3A_44 = arith.constant 0 : index
    %get3A_45 = vector.load %arg1[%get3A_43, %get3A_44] : memref<2000x128xf32, #tpu.memory_space<vmem>>, vector<2000x128xf32>
    %get3A_46 = arith.constant 0 : index
    %get3A_47 = arith.constant 0 : index
    %get3A_48 = vector.load %arg10[%get3A_46, %get3A_47] : memref<128x128xf32, #tpu.memory_space<vmem>>, vector<128x128xf32>
    %dot_general3A_49 = arith.constant dense<0.000000e+00> : vector<2000x128xf32>
    %dot_general3A_50 = tpu.matmul %get3A_45, %get3A_48, %dot_general3A_49 {dimension_numbers = #tpu.dot_dimension_numbers<[1], [0], [0], [1], [0, 0, 1, 1], [], []>, transpose_lhs_hint = false} : vector<2000x128xf32>, vector<128x128xf32>, vector<2000x128xf32> -> vector<2000x128xf32>
    %get3A_51 = arith.constant 0 : index
    %get3A_52 = arith.constant 0 : index
    %get3A_53 = vector.load %arg2[%get3A_51, %get3A_52] : memref<2000x128xf32, #tpu.memory_space<vmem>>, vector<2000x128xf32>
    %add3A_54 = arith.addf %dot_general3A_50, %get3A_53 : vector<2000x128xf32>
    %add3A_55 = vector.broadcast %concatenate3A : vector<1x128xf32> to vector<2000x128xf32>
    %add3A_56 = arith.addf %add3A_54, %add3A_55 : vector<2000x128xf32>
    %max3A_57 = arith.constant 0.000000e+00 : f32
    %max3A_58 = vector.broadcast %max3A_57 : f32 to vector<2000x128xf32>
    %max3A_59 = arith.maximumf %add3A_56, %max3A_58 : vector<2000x128xf32>
    %get3A_60 = arith.constant 0 : index
    %get3A_61 = arith.constant 0 : index
    %get3A_62 = vector.load %arg13[%get3A_60, %get3A_61] : memref<128x32xf32, #tpu.memory_space<vmem>>, vector<128x32xf32>
    %dot_general3A_63 = arith.constant dense<0.000000e+00> : vector<2000x32xf32>
    %dot_general3A_64 = tpu.matmul %max3A_59, %get3A_62, %dot_general3A_63 {dimension_numbers = #tpu.dot_dimension_numbers<[1], [0], [0], [1], [0, 0, 1, 1], [], []>, transpose_lhs_hint = false} : vector<2000x128xf32>, vector<128x32xf32>, vector<2000x32xf32> -> vector<2000x32xf32>
    %get3A_65 = arith.constant 0 : index
    %get3A_66 = arith.constant 0 : index
    %get3A_67 = vector.load %arg14[%get3A_65, %get3A_66] : memref<1x32xf32, #tpu.memory_space<vmem>>, vector<1x32xf32>
    %add3A_68 = vector.broadcast %get3A_67 : vector<1x32xf32> to vector<2000x32xf32>
    %add3A_69 = arith.addf %dot_general3A_64, %add3A_68 : vector<2000x32xf32>
    %swap3A = arith.constant 0 : index
    %swap3A_70 = arith.constant 0 : index
    %swap3A_71 = vector.load %arg15[%swap3A, %swap3A_70] : memref<2000x32xf32, #tpu.memory_space<vmem>>, vector<2000x32xf32>
    tpu.vector_store %arg15[%swap3A, %swap3A_70], %add3A_69 {strides = array<i32>} : memref<2000x32xf32, #tpu.memory_space<vmem>>, vector<2000x32xf32>,
    return
  }
  func.func @transform_0(%arg0: i32) -> (i32, i32) {
    %c0_i32 = arith.constant 0 : i32
    %c0_i32_0 = arith.constant 0 : i32
    return %arg0, %c0_i32 : i32, i32
  }
  func.func @transform_1(%arg0: i32) -> (i32, i32) {
    %c0_i32 = arith.constant 0 : i32
    %c0_i32_0 = arith.constant 0 : i32
    return %arg0, %c0_i32 : i32, i32
  }
  func.func @transform_2(%arg0: i32) -> (i32, i32) {
    %c0_i32 = arith.constant 0 : i32
    %c0_i32_0 = arith.constant 0 : i32
    %c0_i32_1 = arith.constant 0 : i32
    return %c0_i32, %c0_i32_0 : i32, i32
  }
  func.func @transform_3(%arg0: i32) -> (i32, i32) {
    %c0_i32 = arith.constant 0 : i32
    %c0_i32_0 = arith.constant 0 : i32
    %c0_i32_1 = arith.constant 0 : i32
    return %c0_i32, %c0_i32_0 : i32, i32
  }
  func.func @transform_4(%arg0: i32) -> (i32, i32) {
    %c0_i32 = arith.constant 0 : i32
    %c0_i32_0 = arith.constant 0 : i32
    %c0_i32_1 = arith.constant 0 : i32
    return %c0_i32, %c0_i32_0 : i32, i32
  }
  func.func @transform_5(%arg0: i32) -> (i32, i32) {
    %c0_i32 = arith.constant 0 : i32
    %c0_i32_0 = arith.constant 0 : i32
    %c0_i32_1 = arith.constant 0 : i32
    return %c0_i32, %c0_i32_0 : i32, i32
  }
  func.func @transform_6(%arg0: i32) -> (i32, i32) {
    %c0_i32 = arith.constant 0 : i32
    %c0_i32_0 = arith.constant 0 : i32
    %c0_i32_1 = arith.constant 0 : i32
    return %c0_i32, %c0_i32_0 : i32, i32
  }
  func.func @transform_7(%arg0: i32) -> (i32, i32) {
    %c0_i32 = arith.constant 0 : i32
    %c0_i32_0 = arith.constant 0 : i32
    %c0_i32_1 = arith.constant 0 : i32
    return %c0_i32, %c0_i32_0 : i32, i32
  }
  func.func @transform_8(%arg0: i32) -> (i32, i32) {
    %c0_i32 = arith.constant 0 : i32
    %c0_i32_0 = arith.constant 0 : i32
    %c0_i32_1 = arith.constant 0 : i32
    return %c0_i32, %c0_i32_0 : i32, i32
  }
  func.func @transform_9(%arg0: i32) -> (i32, i32) {
    %c0_i32 = arith.constant 0 : i32
    %c0_i32_0 = arith.constant 0 : i32
    %c0_i32_1 = arith.constant 0 : i32
    return %c0_i32, %c0_i32_0 : i32, i32
  }
  func.func @transform_10(%arg0: i32) -> (i32, i32) {
    %c0_i32 = arith.constant 0 : i32
    %c0_i32_0 = arith.constant 0 : i32
    %c0_i32_1 = arith.constant 0 : i32
    return %c0_i32, %c0_i32_0 : i32, i32
  }
  func.func @transform_11(%arg0: i32) -> (i32, i32) {
    %c0_i32 = arith.constant 0 : i32
    %c0_i32_0 = arith.constant 0 : i32
    %c0_i32_1 = arith.constant 0 : i32
    return %c0_i32, %c0_i32_0 : i32, i32
  }
  func.func @transform_12(%arg0: i32) -> (i32, i32) {
    %c0_i32 = arith.constant 0 : i32
    %c0_i32_0 = arith.constant 0 : i32
    %c0_i32_1 = arith.constant 0 : i32
    return %c0_i32, %c0_i32_0 : i32, i32
  }
  func.func @transform_13(%arg0: i32) -> (i32, i32) {
    %c0_i32 = arith.constant 0 : i32
    %c0_i32_0 = arith.constant 0 : i32
    %c0_i32_1 = arith.constant 0 : i32
    return %c0_i32, %c0_i32_0 : i32, i32
  }
  func.func @transform_14(%arg0: i32) -> (i32, i32) {
    %c0_i32 = arith.constant 0 : i32
    %c0_i32_0 = arith.constant 0 : i32
    return %arg0, %c0_i32 : i32, i32
  }
}

</mosaic_0001>

<sc_bundles>
// kernel: kernel.11.cloned.1.call-start
scs
__scs_entry_jumppad:
0x0: {  	(pc) =	sbr.rel $0x88, $3  }
0x1: {  	(tag) =	ssettag $0x0;
	lr =	simm.s32 $0x1  }
0x2: {  	[smem:$0x3F93] =	sst lr;
	_ =	strace $0xD0000000  }
0x3: {  	_ = 	snop  }
0x4: {  	_ = 	snop  }
0x5: {  	_ = 	snop  }
0x6: {  	_ = 	snop  }
0x7: {  	_ = 	snop  }
__scs_overlays_trampoline_lowered:
0x8: {  	[smem:$0x3FA2] =	sst s0  }
0x9: {  	[smem:$0x3FA3] =	sst s1  }
0xa: {  	[smem:$0x3FA4] =	sst s2  }
0xb: {  	[smem:$0x3FA5] =	sst s3  }
0xc: {  	[smem:$0x3FA6] =	sst s4  }
0xd: {  	[smem:$0x3FA7] =	sst s5  }
0xe: {  	[smem:$0x3FA8] =	sst s6  }
0xf: {  	[smem:$0x3FA9] =	sst s7  }
0x10: {  	[smem:$0x3FAA] =	sst s8  }
0x11: {  	[smem:$0x3FAB] =	sst s9;
	s0 =	simm.s32 @!p0 $0x0  }
0x12: {  	s1 =	sld [smem:$0x3F91];
	s0 =	simm.s32 @p0 $0x1  }
0x13: {  	[smem:$0x3FAC] =	sst s0;
	s0 =	simm.s32 @!p1 $0x0  }
0x14: {  	s2 =	sld [smem:$0x3F90];
	s0 =	simm.s32 @p1 $0x1  }
0x15: {  	[smem:$0x3FAD] =	sst s0;
	s0 =	simm.s32 @!p2 $0x0  }
0x16: {  	s3 =	sld [smem:$0x3FDB];
	s0 =	simm.s32 @p2 $0x1  }
0x17: {  	s4 =	simm.s32 $0x1BF5;
	[smem:$0x3FAF] =	sst s0  }
0x18: {  	s0 =	sld [smem:$0x3F92];
	_ =	swait.ge [sflag:s4], $0x0  }
0x19: {  	s7 =	sld [smem:$0x3F93]  }
0x1a: {  	s8 =	sadd.s32 $0xFFFFE003, lr  }
0x1b: {  	s9 =	sadd.s32 $0xFFFFFEF7, lr;
	s5 =	simm.s32 $0xFFFFFFFF;
	p2 =	slt.u32 s8, $0xFFFFF086  }
0x1c: {  	p1 =	slt.u32 s9, $0xF7A;
	s5 =	simm.s32 @!p2 $0x0  }
0x1d: {  	s5 =	simm.s32 @p1 $0x1;
	p0 =	seq.s32 s7, s2  }
0x1e: {  	s7 =	smul.u32 @!p0 $0xF7A, s2;
	p2 =	seq.s32 @!p0 s5, $0x0  }
0x1f: {  	s9 =	smul.u32 $0xF7A, s1;
	s8 =	simm.s32 @!p0 $0x1BF5;
	p2 =	por !p2, p0  }
0x20: {  	[sflag:s8] =	ssyncset.s32 @!p0 $0xFFFFF086;
	s6 =	sadd.s32 @!p0 s3, s7;
	s7 =	simm.s32 @!p0 $0x108  }
0x21: {  	s3 =	sadd.s32 s3, s9;
	s6 =	sadd.s32 @!p0 $0x88, s6;
	s7 =	simm.s32 @p2 $0x1082  }
0x22: {  	[simem:s7], [sflag:s8] =	dma.local @!p0 [hbm:s6], $0xF7A  }
0x23: {  	s9 =	sor.u32 $0xD0000000, s2;
	s6 =	simm.s32 $0x108;
	_ =	swait.ge @!p0 [sflag:s8], $0x0  }
0x24: {  	s3 =	sadd.s32 $0x88, s3;
	s6 =	simm.s32 @!p1 $0x1082;
	[sflag:s4] =	ssyncset.s32 $0xFFFFF086  }
0x25: {  	[simem:s6], [sflag:s4] =	dma.local [hbm:s3], $0xF7A  }
0x26: {  	[smem:$0x3F93] =	sst s1;
	(tag) =	ssettag s2;
	_ =	strace s9  }
0x27: {  	s1 =	sld [smem:$0x3FA3]  }
0x28: {  	s2 =	sld [smem:$0x3FA4]  }
0x29: {  	s4 =	sld [smem:$0x3FA6]  }
0x2a: {  	p0 =	seq.s32 s5, $0x0;
	s5 =	sld [smem:$0x3FA7]  }
0x2b: {  	s6 =	sld [smem:$0x3FA8]  }
0x2c: {  	s7 =	sld [smem:$0x3FA9]  }
0x2d: {  	s3 =	simm.s32 $0x108;
	s8 =	sld [smem:$0x3FAA]  }
0x2e: {  	s3 =	simm.s32 @!p0 $0x1082;
	s9 =	sld [smem:$0x3FAB]  }
0x2f: {  	lr =	sadd.s32 s0, s3;
	s0 =	sld [smem:$0x3FA2]  }
0x30: {  	s3 =	sld [smem:$0x3FA5]  }
0x31: {  	[smem:$0x3FAE] =	sst s10  }
0x32: {  	s10 =	sld [smem:$0x3FAC];
	_ =	sdelay $0x3  }
0x33: {  	p0 =	seq.s32 s10, $0x1;
	s10 =	sld [smem:$0x3FAE];
	_ =	sdelay $0x3  }
0x34: {  	[smem:$0x3FAE] =	sst s10  }
0x35: {  	s10 =	sld [smem:$0x3FAD];
	_ =	sdelay $0x3  }
0x36: {  	p1 =	seq.s32 s10, $0x1;
	s10 =	sld [smem:$0x3FAE];
	_ =	sdelay $0x3  }
0x37: {  	[smem:$0x3FAE] =	sst s10  }
0x38: {  	s10 =	sld [smem:$0x3FAF]  }
0x39: {  	_ = 	snop;
	(pc) =	sbr.ind lr, $3  }
0x3a: {  	_ = 	snop  }
0x3b: {  	_ = 	snop  }
0x3c: {  	p2 =	seq.s32 s10, $0x1;
	s10 =	sld [smem:$0x3FAE]  }
0x3d: {  	_ =	shalt  }
0x3e: {  	_ =	shalt  }
0x3f: {  	_ =	shalt  }
0x40: {  	_ =	shalt  }
0x41: {  	_ =	shalt  }
0x42: {  	_ =	shalt  }
0x43: {  	_ =	shalt  }
0x44: {  	_ =	shalt  }
0x45: {  	_ =	shalt  }
0x46: {  	_ =	shalt  }
0x47: {  	_ =	shalt  }
0x48: {  	_ =	shalt  }
0x49: {  	_ =	shalt  }
0x4a: {  	_ =	shalt  }
0x4b: {  	_ =	shalt  }
0x4c: {  	_ =	shalt  }
0x4d: {  	_ =	shalt  }
0x4e: {  	_ =	shalt  }
0x4f: {  	_ =	shalt  }
0x50: {  	_ =	shalt  }
0x51: {  	_ =	shalt  }
0x52: {  	_ =	shalt  }
0x53: {  	_ =	shalt  }
0x54: {  	_ =	shalt  }
0x55: {  	_ =	shalt  }
0x56: {  	_ =	shalt  }
0x57: {  	_ =	shalt  }
0x58: {  	_ =	shalt  }
0x59: {  	_ =	shalt  }
0x5a: {  	_ =	shalt  }
0x5b: {  	_ =	shalt  }
0x5c: {  	_ =	shalt  }
0x5d: {  	_ =	shalt  }
0x5e: {  	_ =	shalt  }
0x5f: {  	_ =	shalt  }
0x60: {  	_ =	shalt  }
0x61: {  	_ =	shalt  }
0x62: {  	_ =	shalt  }
0x63: {  	_ =	shalt  }
0x64: {  	_ =	shalt  }
0x65: {  	_ =	shalt  }
0x66: {  	_ =	shalt  }
0x67: {  	_ =	shalt  }
0x68: {  	_ =	shalt  }
0x69: {  	_ =	shalt  }
0x6a: {  	_ =	shalt  }
0x6b: {  	_ =	shalt  }
0x6c: {  	_ =	shalt  }
0x6d: {  	_ =	shalt  }
0x6e: {  	_ =	shalt  }
0x6f: {  	_ =	shalt  }
0x70: {  	_ =	shalt  }
0x71: {  	_ =	shalt  }
0x72: {  	_ =	shalt  }
0x73: {  	_ =	shalt  }
0x74: {  	_ =	shalt  }
0x75: {  	_ =	shalt  }
0x76: {  	_ =	shalt  }
0x77: {  	_ =	shalt  }
0x78: {  	_ =	shalt  }
0x79: {  	_ =	shalt  }
0x7a: {  	_ =	shalt  }
0x7b: {  	_ =	shalt  }
0x7c: {  	_ =	shalt  }
0x7d: {  	_ =	shalt  }
0x7e: {  	_ =	shalt  }
0x7f: {  	_ =	shalt  }
0x80: {  	_ =	shalt  }
0x81: {  	_ =	shalt  }
0x82: {  	_ =	shalt  }
0x83: {  	_ =	shalt  }
0x84: {  	_ =	shalt  }
0x85: {  	_ =	shalt  }
0x86: {  	_ =	shalt  }
0x87: {  	_ =	shalt  }
.Lfunc_end0:
.L_simem_size_0:
called_computation.1_lowered:
.L_overlay_start_0:
0x88: {  	s2 =	sld [smem:$0x3FD9]  }
0x89: {  	s3 =	sld [smem:$0x3FFE];
	_ =	sdelay $0x1  }
0x8a: {  	s1 =	srdreg.scid  }
0x8b: {  	s0 =	sand.u32 $0x1, s1  }
0x8c: {  	s17 =	sshll.u32 s0, $0xA;
	s2 =	sadd.s32 s3, s2  }
0x8d: {  	s2 =	sadd.s32 s2, s17  }
0x8e: {  	[smem:$0x3FBA] =	sst s2  }
0x8f: {  	_ = 	snop  }
0x90: {  	s2 =	sld [smem:$0x3FD0];
	(tm) =	ssettm $0x1  }
0x91: {  	s18 =	sld [smem:$0x3FFB];
	_ =	sdelay $0x3  }
0x92: {  	_ =	strace s18  }
0x93: {  	s3 =	sld [smem:$0x3FFC];
	_ =	sdelay $0x3  }
0x94: {  	_ =	strace s3  }
0x95: {  	s3 =	sld [smem:$0x3FFD];
	_ =	sdelay $0x3  }
0x96: {  	_ =	strace s3  }
0x97: {  	_ =	strace $0x8FFFFFFF  }
0x98: {  	s19 =	sld [smem:$0x3FDB];
	_ =	sdelay $0x1  }
0x99: {  	s4 =	simm.s32 $_scs_section_size  }
0x9a: {  	s5 =	simm.s32 $_size__tile_overlayer_lowered;
	s6 =	simm.s32 $_tile_overlayer_lowered  }
0x9b: {  	s22 =	simm.s32 $0x1BFF;
	s21 =	sshll.u32 s6, $0x1;
	s3 =	sadd.s32 s4, s19  }
0x9c: {  	s7 =	simm.s32 $0x0;
	s20 =	sshll.u32 s5, $0x1;
	s5 =	sadd.s32 s21, s3  }
0x9d: {  	[timem:s7], [sflag:s22] =	dma.local [hbm:s5], s20  }
0x9e: {  	_ =	swait.ge [sflag:s22], s20  }
0x9f: {  	s4 =	ssub.s32 $0x0, s20;
	[sflag:s22] =	ssyncset.done $0x0  }
0xa0: {  	[sflag:s22] =	ssyncadd.s32 s4;
	_ =	sdelay $0x1  }
0xa1: {  	s23 =	simm.s32 $0x1B8B  }
0xa2: {  	_ =	swait.ge [sflag:s23], $0x1  }
0xa3: {  	[sflag:s23] =	ssyncset.done $0x0  }
0xa4: {  	s25 =	simm.s32 $0x1B8E;
	s24 =	sld [smem:$0x3FFE];
	[sflag:s23] =	ssyncadd.s32 $0xFFFFFFFF  }
0xa5: {  	s26 =	simm.s32 $execute0_lowered;
	[smem:$0x3FD2] =	sst s25  }
0xa6: {  	s5 =	sshll.u32 s26, $0x1;
	_ =	strace $0x80000049;
	[dreg:$0x1] =	wrdreg $0xFFFFFFFF  }
0xa7: {  	s28 =	simm.s32 $_size_execute0_lowered;
	s3 =	sadd.s32 s3, s5;
	[dreg:$0x0] =	wrdreg $0x0  }
0xa8: {  	s5 =	sshll.u32 s28, $0x1;
	[dreg:$0x2] =	wrdreg s3  }
0xa9: {  	[dreg:$0x3] =	wrdreg s5  }
0xaa: {  	[dreg:$0x4] =	wrdreg $0xC0  }
0xab: {  	_ =	task [dreg:s7], $0x5FFFF  }
0xac: {  	[dreg:$0x1] =	wrdreg $0xFFFFFFFF  }
0xad: {  	[dreg:$0x0] =	wrdreg $0x60  }
0xae: {  	[dreg:$0x2] =	wrdreg s2  }
0xaf: {  	[dreg:$0x3] =	wrdreg s24  }
0xb0: {  	[dreg:$0x4] =	wrdreg $0x9  }
0xb1: {  	_ =	task.clear_ibuf [dreg:s7], $0x5FFFF;
	_ =	strace $0x90000049  }
0xb2: {  	s29 =	simm.s32 $0x9;
	_ =	strace $0x8000004B  }
0xb3: {  	_ =	swait.ge [sflag:s29], $0x1  }
0xb4: {  	[sflag:s29] =	ssyncadd.s32 $0xFFFFFFFF  }
0xb5: {  	_ =	strace $0x9000004B  }
0xb6: {  	_ =	sfence  }
0xb7: {  	s30 =	sld [smem:$0x0];
	_ =	sdelay $0x2  }
0xb8: {  	s31 =	sshll.u32 s1, $0xD;
	s1 =	sshrl.u32 s1, $0x2  }
0xb9: {  	s3 =	sand.u32 $0x4000, s31;
	s1 =	sadd.s32 s1, s30  }
0xba: {  	s0 =	sor.u32 s3, s0;
	s1 =	sshll.u32 s1, $0x11  }
0xbb: {  	s0 =	sor.u32 s1, s0  }
0xbc: {  	s0 =	sadd.s32 $0x8F2B, s0  }
0xbd: {  	[sflag:s0] =	ssyncadd.remote.s32 $0x1  }
0xbe: {  	_ =	sfence.sel $0xFFFF  }
0xbf: {  	[dreg:$0x0] =	wrdreg $0xFFFFFFFF;
	(pc) =	sbr.abs _section_cstart, $3  }
0xc0: {  	[dreg:$0x1] =	wrdreg $0xFFFFFFFF  }
0xc1: {  	_ =	task.clear_ibuf [dreg:s7], $0x2FFFF;
	_ =	strace $0x9FFFFFFF  }
0xc2: {  	(tm) =	ssettm $0x7FFFFFFF  }
0xc3: {  	_ =	shalt  }
tec
execute0_lowered:
.L_overlay_start_1:
0x0: {  	(tag) =	ssettag $0x1  }
0x1: {  	s2 =	rddreg [dreg:$0x0];
	s1 =	srdreg.scid  }
0x2: {  	s0 =	stileid.u32;
	s6 =	rddreg [dreg:$0x1]  }
0x3: {  	s3 =	simm.s32 $0x0;
	s10 =	simm.s32 $0x7;
	s11 =	simm.s32 $0x2710  }
0x4: {  	s12 =	simm.s32 $0x50;
	s13 =	simm.s32 $0x4E20;
	s14 =	simm.s32 $0x7620  }
0x5: {  	s15 =	simm.s32 $0x1;
	s16 =	simm.s32 $0x3;
	s17 =	simm.s32 $0x9E20  }
0x6: {  	s18 =	simm.s32 $0x2;
	s7 =	sand.u32 $0x1, s1;
	s4 =	sshll.u32 s0, $0x1  }
0x7: {  	s19 =	simm.s32 $0x4;
	s20 =	simm.s32 $0xB220;
	s4 =	sor.u32 s7, s4  }
0x8: {  	s21 =	simm.s32 $0x5;
	s22 =	simm.s32 $0x6;
	s4 =	smul.u32 $0x2710, s4  }
.Ltmp0:
0x9: {  	s1 =	rddreg [dreg:$0x2];
	s7 =	ssub.s32 $0x2, s7;
	(pc) =	sbr.rel .LBB2_1-.Ltmp0, $4  }
0xa: {  	s23 =	simm.s32 $0x0;
	[smem:$0x7FF] =	sst s3;
	s9 =	sshrl.u32 s7, $0x1  }
0xb: {  	s5 =	sadd.s32 $0x3200, s6;
	s9 =	ssub.s32 s7, s9;
	s8 =	sshrl.u32 s4, $0x3  }
0xc: {  	_ =	strace $0x8000004A;
	s9 =	smax.u32 s9, $0x1;
	s8 =	sadd.s32 s8, s6  }
0xd: {  	s6 =	sadd.s32 $0x2A800, s6;
	s7 =	sadd.s32 $0x20A00, s8;
	s8 =	sadd.s32 $0x16C00, s8  }
.LBB2_9:
0xe: {  	s23 =	sadd.s32 $0x1, s23  }
0xf: {  	_ =	swait.ge [sflag:s21], $0x1400;
	p0 =	sne.s32 s23, s9  }
.Ltmp1:
0x10: {  	[sflag:s21] =	ssyncset.done $0x0;
	(pc) =	sbr.rel @!p0 .LBB2_10-.Ltmp1, $4  }
0x11: {  	[sflag:s21] =	ssyncadd.s32 $0xFFFFEC00  }
0x12: {  	_ =	swait.ge [sflag:s22], $0x1400  }
0x13: {  	[sflag:s22] =	ssyncset.done $0x0  }
0x14: {  	[sflag:s22] =	ssyncadd.s32 $0xFFFFEC00  }
.LBB2_1:
0x15: {  	[tilespmem:s3], [sflag:$0x7] =	stream.linear.gather [hbm4b:s7+s3], $0x2710, $0x38;
	[tilespmem:$0xC620] =	vst v63  }
0x16: {  	_ =	swait.ge [sflag:s10], $0x2710  }
0x17: {  	[sflag:s10] =	ssyncset.done $0x0  }
0x18: {  	[sflag:s10] =	ssyncadd.s32 $0xFFFFD8F0  }
0x19: {  	[tilespmem:s11], [sflag:$0x7] =	stream.linear.gather [hbm4b:s8+s3], $0x2710, $0x38;
	[tilespmem:$0xC620] =	vst v63  }
0x1a: {  	_ =	swait.ge [sflag:s10], $0x2710  }
.Ltmp2:
0x1b: {  	[sflag:s10] =	ssyncset.done $0x0;
	(pc) =	sbr.rel .LBB2_2-.Ltmp2, $4  }
0x1c: {  	[sflag:s10] =	ssyncadd.s32 $0xFFFFD8F0  }
0x1d: {  	[tilespmem:s13], [sflag:$0x1] =	stream.indirect.gather [hbm4b:s2+s12], $0x40, s3, s12, $0xb8;
	[tilespmem:$0xC620] =	vst v63  }
0x1e: {  	s24 =	simm.s32 $0x0  }
0x1f: {  	[tilespmem:s14], [sflag:$0x3] =	stream.indirect.gather [hbm4b:s5+s12], $0x40, s11, s12, $0xb8;
	[tilespmem:$0xC620] =	vst v63  }
.LBB2_8:
0x20: {  	s24 =	sadd.s32 $0x1, s24  }
0x21: {  	p0 =	sne.s32 s24, $0x3F  }
.Ltmp3:
0x22: {  	_ = 	snop;
	(pc) =	sbr.rel @!p0 .LBB2_9-.Ltmp3, $1  }
0x23: {  	_ =	sdelay $0x3  }
.LBB2_2:
0x24: {  	s25 =	sshllo.u32 s24, $0x1  }
0x25: {  	p0 =	sgt.u32 s25, $0x7C  }
0x26: {  	s26 =	smul.u32 @!p0 $0x50, s25  }
0x27: {  	s28 =	simm.s32 @!p0 $0x50;
	s29 =	simm.s32 @!p0 $0x6220  }
0x28: {  	[tilespmem:s29], [sflag:$0x2] =	stream.indirect.gather @!p0 [hbm4b:s2+s28], $0x40, s26, s28, $0xb8;
	[tilespmem:$0xC620] =	vst v63  }
0x29: {  	s26 =	sadd.s32 @!p0 $0x2710, s26;
	s29 =	simm.s32 @!p0 $0x8A20  }
0x2a: {  	[tilespmem:s29], [sflag:$0x4] =	stream.indirect.gather @!p0 [hbm4b:s5+s28], $0x40, s26, s28, $0xb8;
	[tilespmem:$0xC620] =	vst v63  }
0x2b: {  	_ =	swait.ge [sflag:s15], $0x1400  }
0x2c: {  	[sflag:s15] =	ssyncset.done $0x0  }
0x2d: {  	[sflag:s15] =	ssyncadd.s32 $0xFFFFEC00  }
0x2e: {  	_ =	swait.ge [sflag:s16], $0x1400  }
0x2f: {  	p1 =	seq.s32 s24, $0x0;
	[sflag:s16] =	ssyncset.done $0x0  }
0x30: {  	s26 =	simm.s32 @!p1 $0x5;
	[sflag:s16] =	ssyncadd.s32 $0xFFFFEC00  }
0x31: {  	_ =	swait.ge @!p1 [sflag:s26], $0x1400  }
0x32: {  	[sflag:s26] =	ssyncset.done @!p1 $0x0  }
0x33: {  	[sflag:s26] =	ssyncadd.s32 @!p1 $0xFFFFEC00;
	s26 =	simm.s32 $0x0  }
0x34: {  	v0 =	vld [tilespmem:s26+$0x4E90]  }
0x35: {  	v1 =	vld [tilespmem:s26+$0x7690]  }
0x36: {  	v2 =	vld [tilespmem:s26+$0x4E20]  }
0x37: {  	v3 =	vld [tilespmem:s26+$0x7620]  }
0x38: {  	v4 =	vld [tilespmem:s26+$0x4E30]  }
0x39: {  	v5 =	vld [tilespmem:s26+$0x7630]  }
0x3a: {  	v6 =	vld [tilespmem:s26+$0x4E40]  }
0x3b: {  	v7 =	vld [tilespmem:s26+$0x4E50]  }
0x3c: {  	v0 =	vadd.f32 v1, v0;
	v1 =	vld [tilespmem:s26+$0x7640]  }
0x3d: {  	v8 =	vld [tilespmem:s26+$0x7650]  }
0x3e: {  	v9 =	vld [tilespmem:s26+$0x7660];
	v2 =	vadd.f32 v3, v2  }
0x3f: {  	[tilespmem:s26+$0x9E90] =	vst v0;
	v0 =	vadd.f32 v5, v4;
	v5 =	vld [tilespmem:s26+$0x4E60]  }
0x40: {  	v3 =	vld [tilespmem:s26+$0x7670];
	[tilespmem:s26+$0x9E20] =	vst v2  }
0x41: {  	v2 =	vld [tilespmem:s26+$0x4E70];
	[tilespmem:s26+$0x9E30] =	vst v0;
	v0 =	vadd.f32 v1, v6  }
0x42: {  	v4 =	vld [tilespmem:s26+$0x7680];
	v6 =	vadd.f32 v8, v7  }
0x43: {  	s28 =	simm.s32 $0x80;
	[tilespmem:s26+$0x9E40] =	vst v0;
	v0 =	vld [tilespmem:s26+$0x4E80]  }
0x44: {  	s29 =	simm.s32 $0x400;
	v5 =	vadd.f32 v9, v5;
	v1 =	vld [tilespmem:s28+$0x4E90];
	[tilespmem:s26+$0x9E50] =	vst v6  }
.LBB2_3:
0x45: {  	p2 =	sne.s32 s29, $0x4E00;
	v6 =	vld [tilespmem:s28+$0x7690]  }
0x46: {  	v7 =	vld [tilespmem:s28+$0x4E20];
	[tilespmem:s26+$0x9E60] =	vst v5;
	v2 =	vadd.f32 v3, v2  }
0x47: {  	v3 =	vld [tilespmem:s28+$0x7620]  }
0x48: {  	v5 =	vld [tilespmem:s28+$0x4E30];
	[tilespmem:s26+$0x9E70] =	vst v2;
	v0 =	vadd.f32 v4, v0  }
0x49: {  	v2 =	vld [tilespmem:s28+$0x7630]  }
0x4a: {  	v4 =	vld [tilespmem:s28+$0x4E40];
	v1 =	vadd.f32 v6, v1;
	[tilespmem:s26+$0x9E80] =	vst v0;
	s26 =	smov.u32 s28  }
0x4b: {  	v0 =	vld [tilespmem:s26+$0x7640]  }
0x4c: {  	v3 =	vadd.f32 v3, v7;
	v6 =	vld [tilespmem:s26+$0x4E50];
	[tilespmem:s26+$0x9E90] =	vst v1  }
0x4d: {  	v1 =	vld [tilespmem:s26+$0x7650]  }
0x4e: {  	[tilespmem:s26+$0x9E20] =	vst v3;
	v2 =	vadd.f32 v2, v5;
	v5 =	vld [tilespmem:s26+$0x4E60]  }
0x4f: {  	v7 =	vld [tilespmem:s26+$0x7660]  }
.Ltmp4:
0x50: {  	[tilespmem:s26+$0x9E30] =	vst v2;
	v0 =	vadd.f32 v0, v4;
	v2 =	vld [tilespmem:s26+$0x4E70];
	(pc) =	sbr.rel @p2 .LBB2_3-.Ltmp4, $4  }
0x51: {  	v3 =	vld [tilespmem:s26+$0x7670]  }
0x52: {  	[tilespmem:s26+$0x9E40] =	vst v0;
	v6 =	vadd.f32 v1, v6;
	v0 =	vld [tilespmem:s26+$0x4E80]  }
0x53: {  	s28 =	sshra.s32 s29, $0x2;
	v4 =	vld [tilespmem:s26+$0x7680]  }
0x54: {  	s29 =	sadd.s32 $0x200, s29;
	v1 =	vld [tilespmem:s28+$0x4E90];
	[tilespmem:s26+$0x9E50] =	vst v6;
	v5 =	vadd.f32 v7, v5  }
0x55: {  	v6 =	vld [tilespmem:s28+$0x7690]  }
0x56: {  	v7 =	vld [tilespmem:s28+$0x4E20];
	[tilespmem:s26+$0x9E60] =	vst v5;
	v2 =	vadd.f32 v3, v2  }
0x57: {  	v51 =	vld [tilespmem:s28+$0x7620]  }
0x58: {  	v5 =	vld [tilespmem:s28+$0x4E30];
	[tilespmem:s26+$0x9E70] =	vst v2;
	v0 =	vadd.f32 v4, v0  }
0x59: {  	v2 =	vld [tilespmem:s28+$0x7630]  }
0x5a: {  	v52 =	vld [tilespmem:s28+$0x4E40];
	[tilespmem:s26+$0x9E80] =	vst v0  }
0x5b: {  	v54 =	vld [tilespmem:s28+$0x7640]  }
0x5c: {  	v55 =	vld [tilespmem:s28+$0x4E50]  }
0x5d: {  	v56 =	vld [tilespmem:s28+$0x7650]  }
0x5e: {  	v57 =	vld [tilespmem:s28+$0x4E60]  }
0x5f: {  	v58 =	vld [tilespmem:s28+$0x7660]  }
0x60: {  	v59 =	vld [tilespmem:s28+$0x4E70]  }
0x61: {  	v53 =	vadd.f32 v6, v1;
	v60 =	vld [tilespmem:s28+$0x7670]  }
0x62: {  	v61 =	vld [tilespmem:s28+$0x4E80];
	v3 =	vadd.f32 v51, v7  }
0x63: {  	v62 =	vld [tilespmem:s28+$0x7680];
	[tilespmem:s28+$0x9E90] =	vst v53;
	v2 =	vadd.f32 v2, v5  }
0x64: {  	[tilespmem:s28+$0x9E20] =	vst v3;
	v1 =	vadd.f32 v54, v52  }
0x65: {  	[tilespmem:s28+$0x9E30] =	vst v2;
	v0 =	vadd.f32 v56, v55  }
0x66: {  	s26 =	smul.u32 $0xA0, s24;
	v3 =	vadd.f32 v58, v57;
	[tilespmem:s28+$0x9E40] =	vst v1  }
0x67: {  	v63 =	vadd.f32 v60, v59;
	[tilespmem:s28+$0x9E50] =	vst v0  }
0x68: {  	s29 =	sadd.s32 s4, s26;
	[tilespmem:s28+$0x9E60] =	vst v3;
	v1 =	vadd.f32 v62, v61  }
0x69: {  	s29 =	sshll.u32 s29, $0x3;
	[tilespmem:s28+$0x9E70] =	vst v63  }
0x6a: {  	s31 =	sadd.s32 s6, s29;
	[tilespmem:s28+$0x9E80] =	vst v1  }
0x6b: {  	[hbm4b:s31+s3] =	stream.linear.scatter [tilespmem:s17], [sflag:$0x5], $0x1400, $0x38;
	[tilespmem:$0xC620] =	vst v63  }
.Ltmp5:
0x6c: {  	p2 =	seq.s32 s24, $0x3E;
	(pc) =	sbr.rel @p0 .LBB2_8-.Ltmp5, $4  }
0x6d: {  	s30 =	simm.s32 @!p2 $0x4E20;
	s29 =	simm.s32 @!p2 $0x50;
	s28 =	sadd.s32 @!p2 $0xA0, s26  }
0x6e: {  	[tilespmem:s30], [sflag:$0x1] =	stream.indirect.gather @!p2 [hbm4b:s2+s29], $0x40, s28, s29, $0xb8;
	[tilespmem:$0xC620] =	vst v63  }
0x6f: {  	s26 =	sadd.s32 @!p2 $0x27B0, s26;
	s28 =	simm.s32 @!p2 $0x7620  }
0x70: {  	[tilespmem:s28], [sflag:$0x3] =	stream.indirect.gather @!p2 [hbm4b:s5+s29], $0x40, s26, s29, $0xb8;
	[tilespmem:$0xC620] =	vst v63  }
0x71: {  	_ =	swait.ge [sflag:s18], $0x1400  }
0x72: {  	[sflag:s18] =	ssyncset.done $0x0  }
0x73: {  	[sflag:s18] =	ssyncadd.s32 $0xFFFFEC00  }
0x74: {  	_ =	swait.ge [sflag:s19], $0x1400  }
0x75: {  	[sflag:s19] =	ssyncset.done $0x0  }
0x76: {  	s26 =	simm.s32 @!p1 $0x6;
	[sflag:s19] =	ssyncadd.s32 $0xFFFFEC00  }
0x77: {  	_ =	swait.ge @!p1 [sflag:s26], $0x1400  }
0x78: {  	[sflag:s26] =	ssyncset.done @!p1 $0x0  }
0x79: {  	[sflag:s26] =	ssyncadd.s32 @!p1 $0xFFFFEC00;
	s26 =	simm.s32 $0x0  }
0x7a: {  	v0 =	vld [tilespmem:s26+$0x6290]  }
0x7b: {  	v1 =	vld [tilespmem:s26+$0x8A90]  }
0x7c: {  	v2 =	vld [tilespmem:s26+$0x6220]  }
0x7d: {  	v3 =	vld [tilespmem:s26+$0x8A20]  }
0x7e: {  	v4 =	vld [tilespmem:s26+$0x6230]  }
0x7f: {  	v5 =	vld [tilespmem:s26+$0x8A30]  }
0x80: {  	v6 =	vld [tilespmem:s26+$0x6240]  }
0x81: {  	v7 =	vld [tilespmem:s26+$0x6250]  }
0x82: {  	v0 =	vadd.f32 v1, v0;
	v1 =	vld [tilespmem:s26+$0x8A40]  }
0x83: {  	v8 =	vld [tilespmem:s26+$0x8A50]  }
0x84: {  	v9 =	vld [tilespmem:s26+$0x8A60];
	v2 =	vadd.f32 v3, v2  }
0x85: {  	[tilespmem:s26+$0xB290] =	vst v0;
	v0 =	vadd.f32 v5, v4;
	v5 =	vld [tilespmem:s26+$0x6260]  }
0x86: {  	v3 =	vld [tilespmem:s26+$0x8A70];
	[tilespmem:s26+$0xB220] =	vst v2  }
0x87: {  	v2 =	vld [tilespmem:s26+$0x6270];
	[tilespmem:s26+$0xB230] =	vst v0;
	v0 =	vadd.f32 v1, v6  }
0x88: {  	v4 =	vld [tilespmem:s26+$0x8A80];
	v6 =	vadd.f32 v8, v7  }
0x89: {  	s28 =	simm.s32 $0x80;
	[tilespmem:s26+$0xB240] =	vst v0;
	v0 =	vld [tilespmem:s26+$0x6280]  }
0x8a: {  	s29 =	simm.s32 $0x400;
	v5 =	vadd.f32 v9, v5;
	v1 =	vld [tilespmem:s28+$0x6290];
	[tilespmem:s26+$0xB250] =	vst v6  }
.LBB2_6:
0x8b: {  	p0 =	sne.s32 s29, $0x4E00;
	v6 =	vld [tilespmem:s28+$0x8A90]  }
0x8c: {  	v7 =	vld [tilespmem:s28+$0x6220];
	[tilespmem:s26+$0xB260] =	vst v5;
	v2 =	vadd.f32 v3, v2  }
0x8d: {  	v3 =	vld [tilespmem:s28+$0x8A20]  }
0x8e: {  	v5 =	vld [tilespmem:s28+$0x6230];
	[tilespmem:s26+$0xB270] =	vst v2;
	v0 =	vadd.f32 v4, v0  }
0x8f: {  	v2 =	vld [tilespmem:s28+$0x8A30]  }
0x90: {  	v4 =	vld [tilespmem:s28+$0x6240];
	v1 =	vadd.f32 v6, v1;
	[tilespmem:s26+$0xB280] =	vst v0;
	s26 =	smov.u32 s28  }
0x91: {  	v0 =	vld [tilespmem:s26+$0x8A40]  }
0x92: {  	v3 =	vadd.f32 v3, v7;
	v6 =	vld [tilespmem:s26+$0x6250];
	[tilespmem:s26+$0xB290] =	vst v1  }
0x93: {  	v1 =	vld [tilespmem:s26+$0x8A50]  }
0x94: {  	[tilespmem:s26+$0xB220] =	vst v3;
	v2 =	vadd.f32 v2, v5;
	v5 =	vld [tilespmem:s26+$0x6260]  }
0x95: {  	v7 =	vld [tilespmem:s26+$0x8A60]  }
.Ltmp6:
0x96: {  	[tilespmem:s26+$0xB230] =	vst v2;
	v0 =	vadd.f32 v0, v4;
	v2 =	vld [tilespmem:s26+$0x6270];
	(pc) =	sbr.rel @p0 .LBB2_6-.Ltmp6, $4  }
0x97: {  	v3 =	vld [tilespmem:s26+$0x8A70]  }
0x98: {  	[tilespmem:s26+$0xB240] =	vst v0;
	v6 =	vadd.f32 v1, v6;
	v0 =	vld [tilespmem:s26+$0x6280]  }
0x99: {  	s28 =	sshra.s32 s29, $0x2;
	v4 =	vld [tilespmem:s26+$0x8A80]  }
0x9a: {  	s29 =	sadd.s32 $0x200, s29;
	v1 =	vld [tilespmem:s28+$0x6290];
	[tilespmem:s26+$0xB250] =	vst v6;
	v5 =	vadd.f32 v7, v5  }
0x9b: {  	v6 =	vld [tilespmem:s28+$0x8A90]  }
0x9c: {  	v7 =	vld [tilespmem:s28+$0x6220];
	[tilespmem:s26+$0xB260] =	vst v5;
	v2 =	vadd.f32 v3, v2  }
0x9d: {  	v51 =	vld [tilespmem:s28+$0x8A20]  }
0x9e: {  	v5 =	vld [tilespmem:s28+$0x6230];
	[tilespmem:s26+$0xB270] =	vst v2;
	v0 =	vadd.f32 v4, v0  }
0x9f: {  	v2 =	vld [tilespmem:s28+$0x8A30]  }
0xa0: {  	v52 =	vld [tilespmem:s28+$0x6240];
	[tilespmem:s26+$0xB280] =	vst v0  }
0xa1: {  	v54 =	vld [tilespmem:s28+$0x8A40]  }
0xa2: {  	v55 =	vld [tilespmem:s28+$0x6250]  }
0xa3: {  	v56 =	vld [tilespmem:s28+$0x8A50]  }
0xa4: {  	v57 =	vld [tilespmem:s28+$0x6260]  }
0xa5: {  	v58 =	vld [tilespmem:s28+$0x8A60]  }
0xa6: {  	v59 =	vld [tilespmem:s28+$0x6270]  }
0xa7: {  	v53 =	vadd.f32 v6, v1;
	v60 =	vld [tilespmem:s28+$0x8A70]  }
0xa8: {  	v61 =	vld [tilespmem:s28+$0x6280];
	v3 =	vadd.f32 v51, v7  }
0xa9: {  	v62 =	vld [tilespmem:s28+$0x8A80];
	[tilespmem:s28+$0xB290] =	vst v53;
	v2 =	vadd.f32 v2, v5  }
0xaa: {  	[tilespmem:s28+$0xB220] =	vst v3;
	v1 =	vadd.f32 v54, v52  }
0xab: {  	s25 =	smul.u32 $0x50, s25;
	[tilespmem:s28+$0xB230] =	vst v2;
	v0 =	vadd.f32 v56, v55  }
0xac: {  	v3 =	vadd.f32 v58, v57;
	[tilespmem:s28+$0xB240] =	vst v1  }
.Ltmp7:
0xad: {  	s25 =	sadd.s32 s4, s25;
	v63 =	vadd.f32 v60, v59;
	[tilespmem:s28+$0xB250] =	vst v0;
	(pc) =	sbr.rel .LBB2_8-.Ltmp7, $4  }
0xae: {  	s25 =	sshll.u32 s25, $0x3;
	[tilespmem:s28+$0xB260] =	vst v3;
	v1 =	vadd.f32 v62, v61  }
0xaf: {  	s25 =	sand.u32 $0x1FFFFF80, s25;
	[tilespmem:s28+$0xB270] =	vst v63  }
0xb0: {  	s25 =	sadd.s32 s6, s25;
	[tilespmem:s28+$0xB280] =	vst v1  }
0xb1: {  	[hbm4b:s25+s3] =	stream.linear.scatter [tilespmem:s20], [sflag:$0x6], $0x1400, $0x38;
	[tilespmem:$0xC620] =	vst v63  }
.LBB2_10:
0xb2: {  	_ =	sfence.sel $0x180000  }
0xb3: {  	[bflag:$0x0] =	sbarrier.arrive $0xFFFF  }
0xb4: {  	p0 =	sne.s32 s0, $0x0;
	_ =	strace $0x9000004A  }
0xb5: {  	s0 =	sadd.s32 @!p0 $0x100000, s1;
	[bflag:$0x2] =	sbarrier.arrive $0xFFFF  }
0xb6: {  	[sflag:s0] =	ssyncadd.tile.s32 @!p0 $0x1;
	_ =	shalt  }
.Lfunc_end2:
_tile_overlayer_lowered:
.L_overlay_start_2:
0xb7: {  	(tag) =	ssettag $0x2  }
0xb8: {  	s0 =	rddreg [dreg:$0x0];
	s2 =	stileid.u32  }
0xb9: {  	s1 =	rddreg [dreg:$0x1];
	p0 =	sne.s32 s2, $0x0  }
0xba: {  	s3 =	rddreg [dreg:$0x2];
	[bflag:$0x3] =	sbarrier.arrive $0xFFFF;
	s2 =	simm.s32 @!p0 $0x1C07  }
0xbb: {  	[timem:s3], [sflag:s2] =	dma.local @!p0 [hbm:s0], s1  }
0xbc: {  	s0 =	simm.s32 @!p0 $0x7  }
0xbd: {  	_ =	swait.ge @!p0 [sflag:s0], s1  }
0xbe: {  	s1 =	ssub.s32 @!p0 $0x0, s1;
	[sflag:s0] =	ssyncset.done @!p0 $0x0  }
0xbf: {  	[sflag:s0] =	ssyncadd.s32 @!p0 s1  }
0xc0: {  	[bflag:$0x3] =	sbarrier.arrive $0xFFFF  }
0xc1: {  	_ =	shalt  }

// kernel: kernel.8.cloned.1.call-start
scs
__scs_entry_jumppad:
0x0: {  	(pc) =	sbr.rel $0x88, $3  }
0x1: {  	(tag) =	ssettag $0x0;
	lr =	simm.s32 $0x1  }
0x2: {  	[smem:$0x3F93] =	sst lr;
	_ =	strace $0xD0000000  }
0x3: {  	_ = 	snop  }
0x4: {  	_ = 	snop  }
0x5: {  	_ = 	snop  }
0x6: {  	_ = 	snop  }
0x7: {  	_ = 	snop  }
__scs_overlays_trampoline_lowered:
0x8: {  	[smem:$0x3FA2] =	sst s0  }
0x9: {  	[smem:$0x3FA3] =	sst s1  }
0xa: {  	[smem:$0x3FA4] =	sst s2  }
0xb: {  	[smem:$0x3FA5] =	sst s3  }
0xc: {  	[smem:$0x3FA6] =	sst s4  }
0xd: {  	[smem:$0x3FA7] =	sst s5  }
0xe: {  	[smem:$0x3FA8] =	sst s6  }
0xf: {  	[smem:$0x3FA9] =	sst s7  }
0x10: {  	[smem:$0x3FAA] =	sst s8  }
0x11: {  	[smem:$0x3FAB] =	sst s9;
	s0 =	simm.s32 @!p0 $0x0  }
0x12: {  	s1 =	sld [smem:$0x3F91];
	s0 =	simm.s32 @p0 $0x1  }
0x13: {  	[smem:$0x3FAC] =	sst s0;
	s0 =	simm.s32 @!p1 $0x0  }
0x14: {  	s2 =	sld [smem:$0x3F90];
	s0 =	simm.s32 @p1 $0x1  }
0x15: {  	[smem:$0x3FAD] =	sst s0;
	s0 =	simm.s32 @!p2 $0x0  }
0x16: {  	s3 =	sld [smem:$0x3FDB];
	s0 =	simm.s32 @p2 $0x1  }
0x17: {  	s4 =	simm.s32 $0x1BF5;
	[smem:$0x3FAF] =	sst s0  }
0x18: {  	s0 =	sld [smem:$0x3F92];
	_ =	swait.ge [sflag:s4], $0x0  }
0x19: {  	s7 =	sld [smem:$0x3F93]  }
0x1a: {  	s8 =	sadd.s32 $0xFFFFE003, lr  }
0x1b: {  	s9 =	sadd.s32 $0xFFFFFEF7, lr;
	s5 =	simm.s32 $0xFFFFFFFF;
	p2 =	slt.u32 s8, $0xFFFFF086  }
0x1c: {  	p1 =	slt.u32 s9, $0xF7A;
	s5 =	simm.s32 @!p2 $0x0  }
0x1d: {  	s5 =	simm.s32 @p1 $0x1;
	p0 =	seq.s32 s7, s2  }
0x1e: {  	s7 =	smul.u32 @!p0 $0xF7A, s2;
	p2 =	seq.s32 @!p0 s5, $0x0  }
0x1f: {  	s9 =	smul.u32 $0xF7A, s1;
	s8 =	simm.s32 @!p0 $0x1BF5;
	p2 =	por !p2, p0  }
0x20: {  	[sflag:s8] =	ssyncset.s32 @!p0 $0xFFFFF086;
	s6 =	sadd.s32 @!p0 s3, s7;
	s7 =	simm.s32 @!p0 $0x108  }
0x21: {  	s3 =	sadd.s32 s3, s9;
	s6 =	sadd.s32 @!p0 $0x88, s6;
	s7 =	simm.s32 @p2 $0x1082  }
0x22: {  	[simem:s7], [sflag:s8] =	dma.local @!p0 [hbm:s6], $0xF7A  }
0x23: {  	s9 =	sor.u32 $0xD0000000, s2;
	s6 =	simm.s32 $0x108;
	_ =	swait.ge @!p0 [sflag:s8], $0x0  }
0x24: {  	s3 =	sadd.s32 $0x88, s3;
	s6 =	simm.s32 @!p1 $0x1082;
	[sflag:s4] =	ssyncset.s32 $0xFFFFF086  }
0x25: {  	[simem:s6], [sflag:s4] =	dma.local [hbm:s3], $0xF7A  }
0x26: {  	[smem:$0x3F93] =	sst s1;
	(tag) =	ssettag s2;
	_ =	strace s9  }
0x27: {  	s1 =	sld [smem:$0x3FA3]  }
0x28: {  	s2 =	sld [smem:$0x3FA4]  }
0x29: {  	s4 =	sld [smem:$0x3FA6]  }
0x2a: {  	p0 =	seq.s32 s5, $0x0;
	s5 =	sld [smem:$0x3FA7]  }
0x2b: {  	s6 =	sld [smem:$0x3FA8]  }
0x2c: {  	s7 =	sld [smem:$0x3FA9]  }
0x2d: {  	s3 =	simm.s32 $0x108;
	s8 =	sld [smem:$0x3FAA]  }
0x2e: {  	s3 =	simm.s32 @!p0 $0x1082;
	s9 =	sld [smem:$0x3FAB]  }
0x2f: {  	lr =	sadd.s32 s0, s3;
	s0 =	sld [smem:$0x3FA2]  }
0x30: {  	s3 =	sld [smem:$0x3FA5]  }
0x31: {  	[smem:$0x3FAE] =	sst s10  }
0x32: {  	s10 =	sld [smem:$0x3FAC];
	_ =	sdelay $0x3  }
0x33: {  	p0 =	seq.s32 s10, $0x1;
	s10 =	sld [smem:$0x3FAE];
	_ =	sdelay $0x3  }
0x34: {  	[smem:$0x3FAE] =	sst s10  }
0x35: {  	s10 =	sld [smem:$0x3FAD];
	_ =	sdelay $0x3  }
0x36: {  	p1 =	seq.s32 s10, $0x1;
	s10 =	sld [smem:$0x3FAE];
	_ =	sdelay $0x3  }
0x37: {  	[smem:$0x3FAE] =	sst s10  }
0x38: {  	s10 =	sld [smem:$0x3FAF]  }
0x39: {  	_ = 	snop;
	(pc) =	sbr.ind lr, $3  }
0x3a: {  	_ = 	snop  }
0x3b: {  	_ = 	snop  }
0x3c: {  	p2 =	seq.s32 s10, $0x1;
	s10 =	sld [smem:$0x3FAE]  }
0x3d: {  	_ =	shalt  }
0x3e: {  	_ =	shalt  }
0x3f: {  	_ =	shalt  }
0x40: {  	_ =	shalt  }
0x41: {  	_ =	shalt  }
0x42: {  	_ =	shalt  }
0x43: {  	_ =	shalt  }
0x44: {  	_ =	shalt  }
0x45: {  	_ =	shalt  }
0x46: {  	_ =	shalt  }
0x47: {  	_ =	shalt  }
0x48: {  	_ =	shalt  }
0x49: {  	_ =	shalt  }
0x4a: {  	_ =	shalt  }
0x4b: {  	_ =	shalt  }
0x4c: {  	_ =	shalt  }
0x4d: {  	_ =	shalt  }
0x4e: {  	_ =	shalt  }
0x4f: {  	_ =	shalt  }
0x50: {  	_ =	shalt  }
0x51: {  	_ =	shalt  }
0x52: {  	_ =	shalt  }
0x53: {  	_ =	shalt  }
0x54: {  	_ =	shalt  }
0x55: {  	_ =	shalt  }
0x56: {  	_ =	shalt  }
0x57: {  	_ =	shalt  }
0x58: {  	_ =	shalt  }
0x59: {  	_ =	shalt  }
0x5a: {  	_ =	shalt  }
0x5b: {  	_ =	shalt  }
0x5c: {  	_ =	shalt  }
0x5d: {  	_ =	shalt  }
0x5e: {  	_ =	shalt  }
0x5f: {  	_ =	shalt  }
0x60: {  	_ =	shalt  }
0x61: {  	_ =	shalt  }
0x62: {  	_ =	shalt  }
0x63: {  	_ =	shalt  }
0x64: {  	_ =	shalt  }
0x65: {  	_ =	shalt  }
0x66: {  	_ =	shalt  }
0x67: {  	_ =	shalt  }
0x68: {  	_ =	shalt  }
0x69: {  	_ =	shalt  }
0x6a: {  	_ =	shalt  }
0x6b: {  	_ =	shalt  }
0x6c: {  	_ =	shalt  }
0x6d: {  	_ =	shalt  }
0x6e: {  	_ =	shalt  }
0x6f: {  	_ =	shalt  }
0x70: {  	_ =	shalt  }
0x71: {  	_ =	shalt  }
0x72: {  	_ =	shalt  }
0x73: {  	_ =	shalt  }
0x74: {  	_ =	shalt  }
0x75: {  	_ =	shalt  }
0x76: {  	_ =	shalt  }
0x77: {  	_ =	shalt  }
0x78: {  	_ =	shalt  }
0x79: {  	_ =	shalt  }
0x7a: {  	_ =	shalt  }
0x7b: {  	_ =	shalt  }
0x7c: {  	_ =	shalt  }
0x7d: {  	_ =	shalt  }
0x7e: {  	_ =	shalt  }
0x7f: {  	_ =	shalt  }
0x80: {  	_ =	shalt  }
0x81: {  	_ =	shalt  }
0x82: {  	_ =	shalt  }
0x83: {  	_ =	shalt  }
0x84: {  	_ =	shalt  }
0x85: {  	_ =	shalt  }
0x86: {  	_ =	shalt  }
0x87: {  	_ =	shalt  }
.Lfunc_end0:
.L_simem_size_0:
called_computation_lowered:
.L_overlay_start_0:
0x88: {  	s2 =	sld [smem:$0x3FD9]  }
0x89: {  	s3 =	sld [smem:$0x3FFE];
	_ =	sdelay $0x1  }
0x8a: {  	s1 =	srdreg.scid  }
0x8b: {  	s0 =	sand.u32 $0x1, s1  }
0x8c: {  	s17 =	sshll.u32 s0, $0xA;
	s2 =	sadd.s32 s3, s2  }
0x8d: {  	s2 =	sadd.s32 s2, s17  }
0x8e: {  	[smem:$0x3FBA] =	sst s2  }
0x8f: {  	_ = 	snop  }
0x90: {  	s2 =	sld [smem:$0x3FD0];
	(tm) =	ssettm $0x1  }
0x91: {  	s18 =	sld [smem:$0x3FFB];
	_ =	sdelay $0x3  }
0x92: {  	_ =	strace s18  }
0x93: {  	s3 =	sld [smem:$0x3FFC];
	_ =	sdelay $0x3  }
0x94: {  	_ =	strace s3  }
0x95: {  	s3 =	sld [smem:$0x3FFD];
	_ =	sdelay $0x3  }
0x96: {  	_ =	strace s3  }
0x97: {  	_ =	strace $0x8FFFFFFF  }
0x98: {  	s19 =	sld [smem:$0x3FDB];
	_ =	sdelay $0x1  }
0x99: {  	s4 =	simm.s32 $_scs_section_size  }
0x9a: {  	s5 =	simm.s32 $_size__tile_overlayer_lowered;
	s6 =	simm.s32 $_tile_overlayer_lowered  }
0x9b: {  	s22 =	simm.s32 $0x1BFF;
	s21 =	sshll.u32 s6, $0x1;
	s3 =	sadd.s32 s4, s19  }
0x9c: {  	s7 =	simm.s32 $0x0;
	s20 =	sshll.u32 s5, $0x1;
	s5 =	sadd.s32 s21, s3  }
0x9d: {  	[timem:s7], [sflag:s22] =	dma.local [hbm:s5], s20  }
0x9e: {  	_ =	swait.ge [sflag:s22], s20  }
0x9f: {  	s4 =	ssub.s32 $0x0, s20;
	[sflag:s22] =	ssyncset.done $0x0  }
0xa0: {  	[sflag:s22] =	ssyncadd.s32 s4;
	_ =	sdelay $0x1  }
0xa1: {  	s23 =	simm.s32 $0x1B8B  }
0xa2: {  	_ =	swait.ge [sflag:s23], $0x1  }
0xa3: {  	[sflag:s23] =	ssyncset.done $0x0  }
0xa4: {  	s25 =	simm.s32 $0x1B8E;
	s24 =	sld [smem:$0x3FFE];
	[sflag:s23] =	ssyncadd.s32 $0xFFFFFFFF  }
0xa5: {  	s26 =	simm.s32 $execute0_lowered;
	[smem:$0x3FD2] =	sst s25  }
0xa6: {  	s5 =	sshll.u32 s26, $0x1;
	_ =	strace $0x80000046;
	[dreg:$0x1] =	wrdreg $0xFFFFFFFF  }
0xa7: {  	s28 =	simm.s32 $_size_execute0_lowered;
	s3 =	sadd.s32 s3, s5;
	[dreg:$0x0] =	wrdreg $0x0  }
0xa8: {  	s5 =	sshll.u32 s28, $0x1;
	[dreg:$0x2] =	wrdreg s3  }
0xa9: {  	[dreg:$0x3] =	wrdreg s5  }
0xaa: {  	[dreg:$0x4] =	wrdreg $0xC0  }
0xab: {  	_ =	task [dreg:s7], $0x5FFFF  }
0xac: {  	[dreg:$0x1] =	wrdreg $0xFFFFFFFF  }
0xad: {  	[dreg:$0x0] =	wrdreg $0x60  }
0xae: {  	[dreg:$0x2] =	wrdreg s24  }
0xaf: {  	[dreg:$0x3] =	wrdreg s2  }
0xb0: {  	[dreg:$0x4] =	wrdreg $0x10C200  }
0xb1: {  	[dreg:$0x5] =	wrdreg $0x9  }
0xb2: {  	_ =	task.clear_ibuf [dreg:s7], $0x6FFFF;
	_ =	strace $0x90000046  }
0xb3: {  	s29 =	simm.s32 $0x9;
	_ =	strace $0x80000048  }
0xb4: {  	_ =	swait.ge [sflag:s29], $0x1  }
0xb5: {  	[sflag:s29] =	ssyncadd.s32 $0xFFFFFFFF  }
0xb6: {  	_ =	strace $0x90000048  }
0xb7: {  	_ =	sfence  }
0xb8: {  	s30 =	sld [smem:$0x0];
	_ =	sdelay $0x2  }
0xb9: {  	s31 =	sshll.u32 s1, $0xD;
	s1 =	sshrl.u32 s1, $0x2  }
0xba: {  	s3 =	sand.u32 $0x4000, s31;
	s1 =	sadd.s32 s1, s30  }
0xbb: {  	s0 =	sor.u32 s3, s0;
	s1 =	sshll.u32 s1, $0x11  }
0xbc: {  	s0 =	sor.u32 s1, s0  }
0xbd: {  	s0 =	sadd.s32 $0x8F2B, s0  }
0xbe: {  	[sflag:s0] =	ssyncadd.remote.s32 $0x1  }
0xbf: {  	_ =	sfence.sel $0xFFFF  }
0xc0: {  	[dreg:$0x0] =	wrdreg $0xFFFFFFFF;
	(pc) =	sbr.abs _section_cstart, $3  }
0xc1: {  	[dreg:$0x1] =	wrdreg $0xFFFFFFFF  }
0xc2: {  	_ =	task.clear_ibuf [dreg:s7], $0x2FFFF;
	_ =	strace $0x9FFFFFFF  }
0xc3: {  	(tm) =	ssettm $0x7FFFFFFF  }
tec
execute0_lowered:
.L_overlay_start_1:
0x0: {  	(tag) =	ssettag $0x1  }
0x1: {  	s0 =	rddreg [dreg:$0x0]  }
0x2: {  	s1 =	srdreg.scid;
	s2 =	rddreg [dreg:$0x1]  }
0x3: {  	s13 =	stileid.u32;
	s3 =	rddreg [dreg:$0x2]  }
0x4: {  	s16 =	simm.s32 $0x9;
	s19 =	simm.s32 $0x50;
	s22 =	simm.s32 $0x1  }
0x5: {  	s28 =	simm.s32 $0x2;
	s29 =	simm.s32 $0x4;
	s30 =	simm.s32 $0x6  }
0x6: {  	s31 =	simm.s32 $0xDA20;
	s18 =	simm.s32 $0x0;
	s11 =	smul.u32 $0xA000, s13  }
0x7: {  	s1 =	sand.u32 $0x1, s1;
	s4 =	sshll.u32 s13, $0x1;
	s25 =	smul.u32 $0x28000, s13  }
0x8: {  	s6 =	sadd.s32 $0x2A800, s0;
	s9 =	sor.u32 s1, s4;
	s10 =	smul.u32 $0x9C400, s1  }
0x9: {  	s7 =	sadd.s32 $0x3200, s0;
	s4 =	simm.s32 $0x0;
	s5 =	smul.u32 $0x2710, s9  }
0xa: {  	s1 =	ssub.s32 $0x2, s1;
	[smem:$0x7FF] =	sst s4;
	s23 =	smul.u32 $0x13880, s9  }
0xb: {  	s24 =	sshrl.u32 s1, $0x1;
	s9 =	sshll.u32 s13, $0x4;
	_ =	strace $0x80000047  }
0xc: {  	s10 =	sadd.s32 s11, s10;
	s1 =	ssub.s32 s1, s24;
	s24 =	simm.s32 $0x5  }
0xd: {  	s8 =	sshrl.u32 s5, $0x3;
	s10 =	sshrl.u32 s10, $0x3;
	s11 =	sadd.s32 s6, s23  }
0xe: {  	s1 =	smax.u32 s1, $0x1;
	s23 =	simm.s32 $0x3;
	s12 =	sadd.s32 s8, s0  }
0xf: {  	s8 =	sadd.s32 $0x2C2A00, s0;
	s0 =	sadd.s32 s10, s0;
	[dreg:$0x6] =	wrdreg s11  }
0x10: {  	s10 =	sshrl.u32 s25, $0x2;
	[dreg:$0x7] =	wrdreg s1;
	s25 =	simm.s32 $0xEE20  }
0x11: {  	s1 =	simm.s32 $0x7;
	s26 =	sadd.s32 $0x20A00, s12;
	s12 =	sadd.s32 $0x16C00, s12  }
0x12: {  	s14 =	sadd.s32 s10, s3;
	s15 =	sadd.s32 $0x29B800, s0;
	[dreg:$0x4] =	wrdreg s26  }
0x13: {  	v0 =	vimm.f32 $0.0e+00;
	s0 =	simm.s32 $0x8;
	[dreg:$0x5] =	wrdreg s12;
	s26 =	simm.s32 $0xC620  }
.LBB2_1:
0x14: {  	s10 =	simm.s32 $0x0;
	s11 =	simm.s32 $0x0  }
.LBB2_2:
0x15: {  	p0 =	sne.s32 s11, $0x27C0  }
.Ltmp0:
0x16: {  	_ = 	snop;
	(pc) =	sbr.rel @p0 .LBB2_2-.Ltmp0, $4  }
0x17: {  	s17 =	sand.u32 $0x3F00, s11  }
0x18: {  	s20 =	sand.u32 $0x30, s10;
	s17 =	sshrl.u32 s17, $0x2  }
0x19: {  	s17 =	sor.u32 s20, s17  }
0x1a: {  	s10 =	sadd.s32 $0x10, s10;
	s11 =	sadd.s32 $0x40, s11;
	[tilespmem:s17+$0x10220] =	vst v0  }
0x1b: {  	s10 =	sadd.s32 $0x0, s9  }
0x1c: {  	p0 =	sgt.u32 s10, $0xF9  }
0x1d: {  	s10 =	simm.s32 @!p0 $0x10220;
	s20 =	simm.s32 @!p0 $0x9  }
0x1e: {  	[spmem:s14] =	stream.linear.scatter @!p0 [tilespmem:s10], [sflag:$0x9], $0xA00, $0x38;
	[tilespmem:$0x1A860] =	vst v63  }
0x1f: {  	s11 =	simm.s32 $0x1;
	_ =	swait.ge @!p0 [sflag:s20], $0xA00  }
0x20: {  	s17 =	simm.s32 $0x2;
	s10 =	sadd.s32 $0xA00, s14;
	[sflag:s20] =	ssyncset.done @!p0 $0x0  }
.LBB2_4:
0x21: {  	s21 =	sadd.s32 s11, s9;
	s11 =	smov.u32 s17;
	s17 =	sadd.s32 $0x1, s17  }
0x22: {  	[sflag:s20] =	ssyncadd.s32 @!p0 $0xFFFFF600;
	p1 =	sne.s32 s17, $0x10  }
.Ltmp1:
0x23: {  	p0 =	sgt.u32 s21, $0xF9;
	(pc) =	sbr.rel @p1 .LBB2_4-.Ltmp1, $4  }
0x24: {  	s21 =	simm.s32 @!p0 $0x10220;
	s20 =	simm.s32 @!p0 $0x9  }
0x25: {  	[spmem:s10] =	stream.linear.scatter @!p0 [tilespmem:s21], [sflag:$0x9], $0xA00, $0x38;
	[tilespmem:$0x1A860] =	vst v63  }
0x26: {  	_ =	swait.ge @!p0 [sflag:s20], $0xA00  }
0x27: {  	s10 =	sadd.s32 $0xA00, s10;
	[sflag:s20] =	ssyncset.done @!p0 $0x0  }
0x28: {  	s11 =	sadd.s32 s11, s9  }
0x29: {  	p1 =	sgt.u32 s11, $0xF9  }
0x2a: {  	[sflag:s20] =	ssyncadd.s32 @!p0 $0xFFFFF600;
	s11 =	simm.s32 @!p1 $0x10220;
	s17 =	simm.s32 @!p1 $0x9  }
0x2b: {  	[spmem:s10] =	stream.linear.scatter @!p1 [tilespmem:s11], [sflag:$0x9], $0xA00, $0x38;
	[tilespmem:$0x1A860] =	vst v63  }
0x2c: {  	_ =	swait.ge @!p1 [sflag:s17], $0xA00  }
0x2d: {  	[sflag:s17] =	ssyncset.done @!p1 $0x0  }
0x2e: {  	s20 =	simm.s32 $0x0;
	s11 =	rddreg [dreg:$0x4];
	[sflag:s17] =	ssyncadd.s32 @!p1 $0xFFFFF600  }
0x2f: {  	[tilespmem:s20], [sflag:$0x9] =	stream.linear.gather [hbm4b:s11+s20], $0x2710, $0x38;
	[tilespmem:$0x1A860] =	vst v63  }
0x30: {  	_ =	swait.ge [sflag:s16], $0x2710  }
0x31: {  	[sflag:s16] =	ssyncset.done $0x0  }
0x32: {  	s11 =	simm.s32 $0x2710;
	s12 =	rddreg [dreg:$0x5];
	[sflag:s16] =	ssyncadd.s32 $0xFFFFD8F0  }
0x33: {  	[tilespmem:s11], [sflag:$0x9] =	stream.linear.gather [hbm4b:s12+s20], $0x2710, $0x38;
	[tilespmem:$0x1A860] =	vst v63  }
0x34: {  	_ =	swait.ge [sflag:s16], $0x2710  }
0x35: {  	[sflag:s16] =	ssyncset.done $0x0  }
0x36: {  	[sflag:s16] =	ssyncadd.s32 $0xFFFFD8F0  }
0x37: {  	[bflag:$0x0] =	sbarrier.arrive $0xFFFF  }
0x38: {  	s12 =	simm.s32 $0x4E20;
	s13 =	rddreg [dreg:$0x6]  }
0x39: {  	[tilespmem:s12], [sflag:$0x1] =	stream.linear.gather [hbm4b:s13+s20], $0x1400, $0x38;
	[tilespmem:$0x1A860] =	vst v63  }
.Ltmp2:
0x3a: {  	_ = 	snop;
	(pc) =	sbr.rel .LBB2_6-.Ltmp2, $4  }
0x3b: {  	s17 =	simm.s32 $0x7620  }
0x3c: {  	[tilespmem:s17], [sflag:$0x3] =	stream.indirect.gather [hbm4b:s2+s19], $0x40, s20, s19, $0xb8;
	[tilespmem:$0x1A860] =	vst v63  }
0x3d: {  	s21 =	simm.s32 $0x9E20  }
0x3e: {  	[tilespmem:s21], [sflag:$0x5] =	stream.indirect.gather [hbm4b:s7+s19], $0x40, s11, s19, $0xb8;
	[tilespmem:$0x1A860] =	vst v63  }
.LBB2_12:
0x3f: {  	s20 =	sadd.s32 $0x1, s20  }
0x40: {  	p0 =	sne.s32 s20, $0x3F  }
.Ltmp3:
0x41: {  	_ = 	snop;
	(pc) =	sbr.rel @!p0 .LBB2_13-.Ltmp3, $1  }
0x42: {  	_ =	sdelay $0x3  }
.LBB2_6:
0x43: {  	s21 =	sshllo.u32 s20, $0x1  }
0x44: {  	p0 =	sgt.u32 s21, $0x7C  }
0x45: {  	s10 =	smul.u32 @!p0 $0x50, s21;
	_ =	sdelay $0x1  }
0x46: {  	s11 =	sadd.s32 @!p0 s5, s10  }
0x47: {  	s11 =	sshll.u32 @!p0 s11, $0x3  }
0x48: {  	s11 =	sand.u32 @!p0 $0x1FFFFF80, s11  }
0x49: {  	s17 =	simm.s32 @!p0 $0x0;
	s12 =	simm.s32 @!p0 $0x6220;
	s11 =	sadd.s32 @!p0 s6, s11  }
0x4a: {  	[tilespmem:s12], [sflag:$0x2] =	stream.linear.gather @!p0 [hbm4b:s11+s17], $0x1400, $0x38;
	[tilespmem:$0x1A860] =	vst v63  }
0x4b: {  	s11 =	simm.s32 @!p0 $0x50;
	s12 =	simm.s32 @!p0 $0x8A20  }
0x4c: {  	[tilespmem:s12], [sflag:$0x4] =	stream.indirect.gather @!p0 [hbm4b:s2+s11], $0x40, s10, s11, $0xb8;
	[tilespmem:$0x1A860] =	vst v63  }
0x4d: {  	s10 =	sadd.s32 @!p0 $0x2710, s10;
	s12 =	simm.s32 @!p0 $0xB220  }
0x4e: {  	[tilespmem:s12], [sflag:$0x6] =	stream.indirect.gather @!p0 [hbm4b:s7+s11], $0x40, s10, s11, $0xb8;
	[tilespmem:$0x1A860] =	vst v63  }
0x4f: {  	_ =	swait.ge [sflag:s22], $0x1400  }
0x50: {  	[sflag:s22] =	ssyncset.done $0x0  }
0x51: {  	[sflag:s22] =	ssyncadd.s32 $0xFFFFEC00  }
0x52: {  	_ =	swait.ge [sflag:s23], $0x1400  }
0x53: {  	[sflag:s23] =	ssyncset.done $0x0  }
0x54: {  	[sflag:s23] =	ssyncadd.s32 $0xFFFFEC00  }
0x55: {  	_ =	swait.ge [sflag:s24], $0x1400  }
0x56: {  	p1 =	seq.s32 s20, $0x0;
	[sflag:s24] =	ssyncset.done $0x0  }
0x57: {  	s10 =	simm.s32 @!p1 $0x7;
	[sflag:s24] =	ssyncadd.s32 $0xFFFFEC00  }
0x58: {  	_ =	swait.ge @!p1 [sflag:s10], $0x1400  }
0x59: {  	[sflag:s10] =	ssyncset.done @!p1 $0x0  }
0x5a: {  	s17 =	simm.s32 $0x0;
	[sflag:s10] =	ssyncadd.s32 @!p1 $0xFFFFEC00  }
0x5b: {  	v1 =	vld [tilespmem:s17+$0x4E90]  }
0x5c: {  	v2 =	vld [tilespmem:s17+$0x7690]  }
0x5d: {  	v3 =	vld [tilespmem:s17+$0x4E20]  }
0x5e: {  	v4 =	vld [tilespmem:s17+$0x9E90]  }
0x5f: {  	v5 =	vld [tilespmem:s17+$0x7620]  }
0x60: {  	v6 =	vld [tilespmem:s17+$0x4E30]  }
0x61: {  	v7 =	vld [tilespmem:s17+$0x7630]  }
0x62: {  	v8 =	vld [tilespmem:s17+$0x7640]  }
0x63: {  	v10 =	vld [tilespmem:s17+$0x7650]  }
0x64: {  	v11 =	vld [tilespmem:s17+$0x4E60]  }
0x65: {  	v12 =	vld [tilespmem:s17+$0x7660]  }
0x66: {  	v13 =	vld [tilespmem:s17+$0x4E70];
	v1 =	vadd.f32 v2, v1  }
0x67: {  	v14 =	vld [tilespmem:s17+$0x7670]  }
0x68: {  	v15 =	vld [tilespmem:s17+$0x4E80];
	v1 =	vadd.f32 v4, v1  }
0x69: {  	v16 =	vld [tilespmem:s17+$0x7680]  }
0x6a: {  	v17 =	vld [tilespmem:s17+$0x9E30];
	v1 =	vmax.f32 v1, $0.0e+00  }
0x6b: {  	v2 =	vld [tilespmem:s17+$0x4E40];
	[tilespmem:s17+$0xC690] =	vst v1  }
0x6c: {  	[tilespmem:s17+$0xEE90] =	vst v1;
	v1 =	vld [tilespmem:s17+$0x9E20]  }
0x6d: {  	v4 =	vld [tilespmem:s17+$0x4E50]  }
0x6e: {  	v18 =	vld [tilespmem:s17+$0x9E40]  }
0x6f: {  	v9 =	vld [tilespmem:s17+$0x9E50];
	v3 =	vadd.f32 v5, v3;
	v7 =	vadd.f32 v7, v6  }
0x70: {  	v5 =	vadd.f32 v12, v11;
	v19 =	vadd.f32 v8, v2;
	v8 =	vld [tilespmem:s17+$0x9E60]  }
0x71: {  	v6 =	vld [tilespmem:s17+$0x9E70];
	v2 =	vadd.f32 v14, v13;
	v11 =	vadd.f32 v1, v3  }
0x72: {  	s10 =	simm.s32 $0x80;
	v4 =	vadd.f32 v10, v4;
	v10 =	vadd.f32 v17, v7;
	v3 =	vld [tilespmem:s17+$0x9E80]  }
0x73: {  	s11 =	simm.s32 $0x400;
	v7 =	vld [tilespmem:s10+$0x4E90];
	v1 =	vadd.f32 v16, v15;
	v12 =	vmax.f32 v11, $0.0e+00;
	v11 =	vadd.f32 v18, v19  }
.LBB2_7:
0x74: {  	p2 =	sne.s32 s11, $0x4E00;
	v13 =	vld [tilespmem:s10+$0x7690];
	[tilespmem:s17+$0xEE20] =	vst v12;
	v10 =	vmax.f32 v10, $0.0e+00;
	v4 =	vadd.f32 v9, v4  }
0x75: {  	v9 =	vld [tilespmem:s10+$0x4E20];
	[tilespmem:s17+$0xC620] =	vst v12;
	v11 =	vmax.f32 v11, $0.0e+00;
	v5 =	vadd.f32 v8, v5  }
0x76: {  	v8 =	vld [tilespmem:s10+$0x9E90];
	[tilespmem:s17+$0xEE30] =	vst v10;
	v4 =	vmax.f32 v4, $0.0e+00;
	v2 =	vadd.f32 v6, v2  }
0x77: {  	v6 =	vld [tilespmem:s10+$0x7620];
	[tilespmem:s17+$0xC630] =	vst v10;
	v5 =	vmax.f32 v5, $0.0e+00;
	v1 =	vadd.f32 v3, v1  }
0x78: {  	v3 =	vld [tilespmem:s10+$0x4E30];
	[tilespmem:s17+$0xEE40] =	vst v11;
	v2 =	vmax.f32 v2, $0.0e+00  }
0x79: {  	v10 =	vld [tilespmem:s10+$0x7630];
	v7 =	vadd.f32 v13, v7;
	[tilespmem:s17+$0xC640] =	vst v11;
	v1 =	vmax.f32 v1, $0.0e+00  }
0x7a: {  	v11 =	vld [tilespmem:s10+$0x4E40];
	[tilespmem:s17+$0xEE50] =	vst v4  }
0x7b: {  	v12 =	vld [tilespmem:s10+$0x7640];
	v7 =	vadd.f32 v8, v7;
	[tilespmem:s17+$0xC650] =	vst v4  }
0x7c: {  	v6 =	vadd.f32 v6, v9;
	v4 =	vld [tilespmem:s10+$0x4E50];
	[tilespmem:s17+$0xEE60] =	vst v5  }
0x7d: {  	v8 =	vld [tilespmem:s10+$0x7650];
	v7 =	vmax.f32 v7, $0.0e+00;
	[tilespmem:s17+$0xC660] =	vst v5  }
0x7e: {  	v3 =	vadd.f32 v10, v3;
	v5 =	vld [tilespmem:s10+$0x4E60];
	[tilespmem:s10+$0xC690] =	vst v7  }
0x7f: {  	v9 =	vld [tilespmem:s10+$0x7660];
	[tilespmem:s17+$0xEE70] =	vst v2  }
0x80: {  	v11 =	vadd.f32 v12, v11;
	v10 =	vld [tilespmem:s10+$0x4E70];
	[tilespmem:s17+$0xC670] =	vst v2  }
0x81: {  	v2 =	vld [tilespmem:s10+$0x7670];
	[tilespmem:s17+$0xEE80] =	vst v1  }
0x82: {  	v4 =	vadd.f32 v8, v4;
	v12 =	vld [tilespmem:s10+$0x4E80];
	[tilespmem:s17+$0xC680] =	vst v1;
	s17 =	smov.u32 s10  }
0x83: {  	v1 =	vld [tilespmem:s17+$0x7680];
	[tilespmem:s17+$0xEE90] =	vst v7  }
0x84: {  	v7 =	vld [tilespmem:s17+$0x9E20];
	v5 =	vadd.f32 v9, v5  }
0x85: {  	v13 =	vld [tilespmem:s17+$0x9E30]  }
0x86: {  	v14 =	vld [tilespmem:s17+$0x9E40];
	v2 =	vadd.f32 v2, v10  }
.Ltmp4:
0x87: {  	v9 =	vld [tilespmem:s17+$0x9E50];
	(pc) =	sbr.rel @p2 .LBB2_7-.Ltmp4, $4  }
0x88: {  	v8 =	vld [tilespmem:s17+$0x9E60];
	v1 =	vadd.f32 v1, v12  }
0x89: {  	v12 =	vadd.f32 v7, v6;
	v6 =	vld [tilespmem:s17+$0x9E70]  }
0x8a: {  	s10 =	sshra.s32 s11, $0x2;
	v10 =	vadd.f32 v13, v3;
	v3 =	vld [tilespmem:s17+$0x9E80]  }
0x8b: {  	s11 =	sadd.s32 $0x200, s11;
	v7 =	vld [tilespmem:s10+$0x4E90];
	v12 =	vmax.f32 v12, $0.0e+00;
	v11 =	vadd.f32 v14, v11  }
0x8c: {  	v13 =	vld [tilespmem:s10+$0x7690];
	[tilespmem:s17+$0xEE20] =	vst v12  }
0x8d: {  	v10 =	vmax.f32 v10, $0.0e+00;
	v14 =	vld [tilespmem:s10+$0x4E20];
	[tilespmem:s17+$0xC620] =	vst v12  }
0x8e: {  	v12 =	vld [tilespmem:s10+$0x9E90];
	[tilespmem:s17+$0xEE30] =	vst v10  }
0x8f: {  	v4 =	vadd.f32 v9, v4;
	v43 =	vmax.f32 v11, $0.0e+00;
	v15 =	vld [tilespmem:s10+$0x7620];
	[tilespmem:s17+$0xC630] =	vst v10  }
0x90: {  	v44 =	vld [tilespmem:s10+$0x4E30];
	[tilespmem:s17+$0xEE40] =	vst v43  }
0x91: {  	v5 =	vadd.f32 v8, v5;
	v4 =	vmax.f32 v4, $0.0e+00;
	v45 =	vld [tilespmem:s10+$0x7630];
	[tilespmem:s17+$0xC640] =	vst v43;
	v48 =	vadd.f32 v13, v7  }
0x92: {  	v10 =	vld [tilespmem:s10+$0x4E40];
	[tilespmem:s17+$0xEE50] =	vst v4  }
0x93: {  	v47 =	vmax.f32 v5, $0.0e+00;
	v46 =	vld [tilespmem:s10+$0x7640];
	[tilespmem:s17+$0xC650] =	vst v4;
	v5 =	vadd.f32 v12, v48  }
0x94: {  	v2 =	vadd.f32 v6, v2;
	v49 =	vld [tilespmem:s10+$0x4E50];
	[tilespmem:s17+$0xEE60] =	vst v47  }
0x95: {  	v50 =	vld [tilespmem:s10+$0x7650];
	[tilespmem:s17+$0xC660] =	vst v47;
	v51 =	vmax.f32 v5, $0.0e+00  }
0x96: {  	v1 =	vadd.f32 v3, v1;
	v2 =	vmax.f32 v2, $0.0e+00;
	v52 =	vld [tilespmem:s10+$0x4E60];
	[tilespmem:s10+$0xC690] =	vst v51  }
0x97: {  	v53 =	vld [tilespmem:s10+$0x7660];
	[tilespmem:s17+$0xEE70] =	vst v2  }
0x98: {  	v1 =	vmax.f32 v1, $0.0e+00;
	v3 =	vld [tilespmem:s10+$0x4E70];
	[tilespmem:s17+$0xC670] =	vst v2  }
0x99: {  	v2 =	vld [tilespmem:s10+$0x7670];
	[tilespmem:s17+$0xEE80] =	vst v1  }
0x9a: {  	v54 =	vld [tilespmem:s10+$0x4E80];
	[tilespmem:s17+$0xC680] =	vst v1  }
0x9b: {  	v55 =	vld [tilespmem:s10+$0x9E20];
	_ =	sdelay $0x1  }
0x9c: {  	v16 =	vld [tilespmem:s10+$0x9E30]  }
0x9d: {  	v14 =	vadd.f32 v15, v14  }
0x9e: {  	v56 =	vld [tilespmem:s10+$0x9E40]  }
0x9f: {  	v9 =	vadd.f32 v45, v44;
	v4 =	vadd.f32 v55, v14  }
0xa0: {  	v17 =	vld [tilespmem:s10+$0x9E50]  }
0xa1: {  	v8 =	vadd.f32 v46, v10;
	[tilespmem:s10+$0xEE90] =	vst v51;
	v9 =	vadd.f32 v16, v9;
	v4 =	vmax.f32 v4, $0.0e+00  }
0xa2: {  	v57 =	vld [tilespmem:s10+$0x9E60];
	[tilespmem:s10+$0xEE20] =	vst v4  }
0xa3: {  	v7 =	vadd.f32 v50, v49;
	v1 =	vld [tilespmem:s10+$0x7680];
	v8 =	vadd.f32 v56, v8;
	v60 =	vmax.f32 v9, $0.0e+00;
	[tilespmem:s10+$0xC620] =	vst v4  }
0xa4: {  	v58 =	vld [tilespmem:s10+$0x9E70];
	[tilespmem:s10+$0xEE30] =	vst v60  }
0xa5: {  	v5 =	vadd.f32 v53, v52;
	v61 =	vadd.f32 v17, v7;
	v62 =	vmax.f32 v8, $0.0e+00;
	[tilespmem:s10+$0xC630] =	vst v60  }
0xa6: {  	v59 =	vld [tilespmem:s10+$0x9E80];
	[tilespmem:s10+$0xEE40] =	vst v62  }
0xa7: {  	v2 =	vadd.f32 v2, v3;
	v3 =	vadd.f32 v57, v5;
	v63 =	vmax.f32 v61, $0.0e+00;
	[tilespmem:s10+$0xC640] =	vst v62  }
0xa8: {  	[tilespmem:s10+$0xEE50] =	vst v63  }
0xa9: {  	v1 =	vadd.f32 v1, v54;
	v2 =	vadd.f32 v58, v2;
	v3 =	vmax.f32 v3, $0.0e+00;
	[tilespmem:s10+$0xC650] =	vst v63  }
0xaa: {  	[tilespmem:s10+$0xEE60] =	vst v3  }
0xab: {  	v1 =	vadd.f32 v59, v1;
	v2 =	vmax.f32 v2, $0.0e+00;
	[tilespmem:s10+$0xC660] =	vst v3  }
0xac: {  	s11 =	smul.u32 $0x280, s20;
	[tilespmem:s10+$0xEE70] =	vst v2  }
0xad: {  	[tilespmem:s10+$0xC670] =	vst v2;
	v1 =	vmax.f32 v1, $0.0e+00  }
0xae: {  	s11 =	sshra.s32 s11, $0x2;
	[tilespmem:s10+$0xEE80] =	vst v1  }
0xaf: {  	s13 =	sadd.s32 $0x2710, s11;
	s11 =	smul.u32 $0xA0, s20;
	[tilespmem:s10+$0xC680] =	vst v1  }
0xb0: {  	[spmem:s3] =	stream.indirect.scatter.add.f32 [tilespmem:s25], [sflag:$0x9], $0x40, s13, s19, $0xb8;
	[tilespmem:$0x1A860] =	vst v63  }
0xb1: {  	s17 =	sadd.s32 s5, s11;
	_ =	swait.ge [sflag:s16], $0x1400  }
0xb2: {  	s10 =	sshll.u32 s17, $0x3;
	[sflag:s16] =	ssyncset.done $0x0  }
0xb3: {  	p2 =	seq.s32 s20, $0x3E;
	s10 =	sadd.s32 s8, s10;
	[sflag:s16] =	ssyncadd.s32 $0xFFFFEC00  }
0xb4: {  	[hbm4b:s10+s4] =	stream.linear.scatter [tilespmem:s26], [sflag:$0x7], $0x1400, $0x38;
	[tilespmem:$0x1A860] =	vst v63  }
0xb5: {  	s10 =	sadd.s32 @!p2 $0xA0, s11  }
0xb6: {  	s12 =	sadd.s32 @!p2 s5, s10  }
0xb7: {  	s12 =	sshll.u32 @!p2 s12, $0x3  }
0xb8: {  	s12 =	sand.u32 @!p2 $0x1FFFFF80, s12  }
0xb9: {  	s17 =	simm.s32 @!p2 $0x0;
	s13 =	simm.s32 @!p2 $0x4E20;
	s12 =	sadd.s32 @!p2 s6, s12  }
0xba: {  	[tilespmem:s13], [sflag:$0x1] =	stream.linear.gather @!p2 [hbm4b:s12+s17], $0x1400, $0x38;
	[tilespmem:$0x1A860] =	vst v63  }
.Ltmp5:
0xbb: {  	_ = 	snop;
	(pc) =	sbr.rel @p0 .LBB2_12-.Ltmp5, $4  }
0xbc: {  	s12 =	simm.s32 @!p2 $0x50;
	s13 =	simm.s32 @!p2 $0x7620  }
0xbd: {  	[tilespmem:s13], [sflag:$0x3] =	stream.indirect.gather @!p2 [hbm4b:s2+s12], $0x40, s10, s12, $0xb8;
	[tilespmem:$0x1A860] =	vst v63  }
0xbe: {  	s10 =	sadd.s32 @!p2 $0x27B0, s11;
	s11 =	simm.s32 @!p2 $0x9E20  }
0xbf: {  	[tilespmem:s11], [sflag:$0x5] =	stream.indirect.gather @!p2 [hbm4b:s7+s12], $0x40, s10, s12, $0xb8;
	[tilespmem:$0x1A860] =	vst v63  }
0xc0: {  	_ =	swait.ge [sflag:s28], $0x1400  }
0xc1: {  	[sflag:s28] =	ssyncset.done $0x0  }
0xc2: {  	[sflag:s28] =	ssyncadd.s32 $0xFFFFEC00  }
0xc3: {  	_ =	swait.ge [sflag:s29], $0x1400  }
0xc4: {  	[sflag:s29] =	ssyncset.done $0x0  }
0xc5: {  	[sflag:s29] =	ssyncadd.s32 $0xFFFFEC00  }
0xc6: {  	_ =	swait.ge [sflag:s30], $0x1400  }
0xc7: {  	[sflag:s30] =	ssyncset.done $0x0  }
0xc8: {  	s10 =	simm.s32 @!p1 $0x8;
	[sflag:s30] =	ssyncadd.s32 $0xFFFFEC00  }
0xc9: {  	_ =	swait.ge @!p1 [sflag:s10], $0x1400  }
0xca: {  	[sflag:s10] =	ssyncset.done @!p1 $0x0  }
0xcb: {  	s17 =	simm.s32 $0x0;
	[sflag:s10] =	ssyncadd.s32 @!p1 $0xFFFFEC00  }
0xcc: {  	v1 =	vld [tilespmem:s17+$0x6290]  }
0xcd: {  	v2 =	vld [tilespmem:s17+$0x8A90]  }
0xce: {  	v3 =	vld [tilespmem:s17+$0x6220]  }
0xcf: {  	v4 =	vld [tilespmem:s17+$0xB290]  }
0xd0: {  	v5 =	vld [tilespmem:s17+$0x8A20]  }
0xd1: {  	v6 =	vld [tilespmem:s17+$0x6230]  }
0xd2: {  	v7 =	vld [tilespmem:s17+$0x8A30]  }
0xd3: {  	v8 =	vld [tilespmem:s17+$0x8A40]  }
0xd4: {  	v10 =	vld [tilespmem:s17+$0x8A50]  }
0xd5: {  	v11 =	vld [tilespmem:s17+$0x6260]  }
0xd6: {  	v12 =	vld [tilespmem:s17+$0x8A60]  }
0xd7: {  	v13 =	vld [tilespmem:s17+$0x6270];
	v1 =	vadd.f32 v2, v1  }
0xd8: {  	v14 =	vld [tilespmem:s17+$0x8A70]  }
0xd9: {  	v15 =	vld [tilespmem:s17+$0x6280];
	v1 =	vadd.f32 v4, v1  }
0xda: {  	v16 =	vld [tilespmem:s17+$0x8A80]  }
0xdb: {  	v17 =	vld [tilespmem:s17+$0xB230];
	v1 =	vmax.f32 v1, $0.0e+00  }
0xdc: {  	v2 =	vld [tilespmem:s17+$0x6240];
	[tilespmem:s17+$0xDA90] =	vst v1  }
0xdd: {  	[tilespmem:s17+$0xEE90] =	vst v1;
	v1 =	vld [tilespmem:s17+$0xB220]  }
0xde: {  	v4 =	vld [tilespmem:s17+$0x6250]  }
0xdf: {  	v18 =	vld [tilespmem:s17+$0xB240]  }
0xe0: {  	v9 =	vld [tilespmem:s17+$0xB250];
	v3 =	vadd.f32 v5, v3;
	v7 =	vadd.f32 v7, v6  }
0xe1: {  	v5 =	vadd.f32 v12, v11;
	v19 =	vadd.f32 v8, v2;
	v8 =	vld [tilespmem:s17+$0xB260]  }
0xe2: {  	v6 =	vld [tilespmem:s17+$0xB270];
	v2 =	vadd.f32 v14, v13;
	v11 =	vadd.f32 v1, v3  }
0xe3: {  	s10 =	simm.s32 $0x80;
	v4 =	vadd.f32 v10, v4;
	v10 =	vadd.f32 v17, v7;
	v3 =	vld [tilespmem:s17+$0xB280]  }
0xe4: {  	s11 =	simm.s32 $0x400;
	v7 =	vld [tilespmem:s10+$0x6290];
	v1 =	vadd.f32 v16, v15;
	v12 =	vmax.f32 v11, $0.0e+00;
	v11 =	vadd.f32 v18, v19  }
.LBB2_10:
0xe5: {  	p0 =	sne.s32 s11, $0x4E00;
	v13 =	vld [tilespmem:s10+$0x8A90];
	[tilespmem:s17+$0xEE20] =	vst v12;
	v10 =	vmax.f32 v10, $0.0e+00;
	v4 =	vadd.f32 v9, v4  }
0xe6: {  	v9 =	vld [tilespmem:s10+$0x6220];
	[tilespmem:s17+$0xDA20] =	vst v12;
	v11 =	vmax.f32 v11, $0.0e+00;
	v5 =	vadd.f32 v8, v5  }
0xe7: {  	v8 =	vld [tilespmem:s10+$0xB290];
	[tilespmem:s17+$0xEE30] =	vst v10;
	v4 =	vmax.f32 v4, $0.0e+00;
	v2 =	vadd.f32 v6, v2  }
0xe8: {  	v6 =	vld [tilespmem:s10+$0x8A20];
	[tilespmem:s17+$0xDA30] =	vst v10;
	v5 =	vmax.f32 v5, $0.0e+00;
	v1 =	vadd.f32 v3, v1  }
0xe9: {  	v3 =	vld [tilespmem:s10+$0x6230];
	[tilespmem:s17+$0xEE40] =	vst v11;
	v2 =	vmax.f32 v2, $0.0e+00  }
0xea: {  	v10 =	vld [tilespmem:s10+$0x8A30];
	v7 =	vadd.f32 v13, v7;
	[tilespmem:s17+$0xDA40] =	vst v11;
	v1 =	vmax.f32 v1, $0.0e+00  }
0xeb: {  	v11 =	vld [tilespmem:s10+$0x6240];
	[tilespmem:s17+$0xEE50] =	vst v4  }
0xec: {  	v12 =	vld [tilespmem:s10+$0x8A40];
	v7 =	vadd.f32 v8, v7;
	[tilespmem:s17+$0xDA50] =	vst v4  }
0xed: {  	v6 =	vadd.f32 v6, v9;
	v4 =	vld [tilespmem:s10+$0x6250];
	[tilespmem:s17+$0xEE60] =	vst v5  }
0xee: {  	v8 =	vld [tilespmem:s10+$0x8A50];
	v7 =	vmax.f32 v7, $0.0e+00;
	[tilespmem:s17+$0xDA60] =	vst v5  }
0xef: {  	v3 =	vadd.f32 v10, v3;
	v5 =	vld [tilespmem:s10+$0x6260];
	[tilespmem:s10+$0xDA90] =	vst v7  }
0xf0: {  	v9 =	vld [tilespmem:s10+$0x8A60];
	[tilespmem:s17+$0xEE70] =	vst v2  }
0xf1: {  	v11 =	vadd.f32 v12, v11;
	v10 =	vld [tilespmem:s10+$0x6270];
	[tilespmem:s17+$0xDA70] =	vst v2  }
0xf2: {  	v2 =	vld [tilespmem:s10+$0x8A70];
	[tilespmem:s17+$0xEE80] =	vst v1  }
0xf3: {  	v4 =	vadd.f32 v8, v4;
	v12 =	vld [tilespmem:s10+$0x6280];
	[tilespmem:s17+$0xDA80] =	vst v1;
	s17 =	smov.u32 s10  }
0xf4: {  	v1 =	vld [tilespmem:s17+$0x8A80];
	[tilespmem:s17+$0xEE90] =	vst v7  }
0xf5: {  	v7 =	vld [tilespmem:s17+$0xB220];
	v5 =	vadd.f32 v9, v5  }
0xf6: {  	v13 =	vld [tilespmem:s17+$0xB230]  }
0xf7: {  	v14 =	vld [tilespmem:s17+$0xB240];
	v2 =	vadd.f32 v2, v10  }
.Ltmp6:
0xf8: {  	v9 =	vld [tilespmem:s17+$0xB250];
	(pc) =	sbr.rel @p0 .LBB2_10-.Ltmp6, $4  }
0xf9: {  	v8 =	vld [tilespmem:s17+$0xB260];
	v1 =	vadd.f32 v1, v12  }
0xfa: {  	v12 =	vadd.f32 v7, v6;
	v6 =	vld [tilespmem:s17+$0xB270]  }
0xfb: {  	s10 =	sshra.s32 s11, $0x2;
	v10 =	vadd.f32 v13, v3;
	v3 =	vld [tilespmem:s17+$0xB280]  }
0xfc: {  	s11 =	sadd.s32 $0x200, s11;
	v7 =	vld [tilespmem:s10+$0x6290];
	v12 =	vmax.f32 v12, $0.0e+00;
	v11 =	vadd.f32 v14, v11  }
0xfd: {  	v13 =	vld [tilespmem:s10+$0x8A90];
	[tilespmem:s17+$0xEE20] =	vst v12  }
0xfe: {  	v10 =	vmax.f32 v10, $0.0e+00;
	v14 =	vld [tilespmem:s10+$0x6220];
	[tilespmem:s17+$0xDA20] =	vst v12  }
0xff: {  	v12 =	vld [tilespmem:s10+$0xB290];
	[tilespmem:s17+$0xEE30] =	vst v10  }
0x100: {  	v4 =	vadd.f32 v9, v4;
	v43 =	vmax.f32 v11, $0.0e+00;
	v15 =	vld [tilespmem:s10+$0x8A20];
	[tilespmem:s17+$0xDA30] =	vst v10  }
0x101: {  	v44 =	vld [tilespmem:s10+$0x6230];
	[tilespmem:s17+$0xEE40] =	vst v43  }
0x102: {  	v5 =	vadd.f32 v8, v5;
	v4 =	vmax.f32 v4, $0.0e+00;
	v45 =	vld [tilespmem:s10+$0x8A30];
	[tilespmem:s17+$0xDA40] =	vst v43;
	v48 =	vadd.f32 v13, v7  }
0x103: {  	v10 =	vld [tilespmem:s10+$0x6240];
	[tilespmem:s17+$0xEE50] =	vst v4  }
0x104: {  	v47 =	vmax.f32 v5, $0.0e+00;
	v46 =	vld [tilespmem:s10+$0x8A40];
	[tilespmem:s17+$0xDA50] =	vst v4;
	v5 =	vadd.f32 v12, v48  }
0x105: {  	v2 =	vadd.f32 v6, v2;
	v49 =	vld [tilespmem:s10+$0x6250];
	[tilespmem:s17+$0xEE60] =	vst v47  }
0x106: {  	v50 =	vld [tilespmem:s10+$0x8A50];
	[tilespmem:s17+$0xDA60] =	vst v47;
	v51 =	vmax.f32 v5, $0.0e+00  }
0x107: {  	v1 =	vadd.f32 v3, v1;
	v2 =	vmax.f32 v2, $0.0e+00;
	v52 =	vld [tilespmem:s10+$0x6260];
	[tilespmem:s10+$0xDA90] =	vst v51  }
0x108: {  	v53 =	vld [tilespmem:s10+$0x8A60];
	[tilespmem:s17+$0xEE70] =	vst v2  }
0x109: {  	v1 =	vmax.f32 v1, $0.0e+00;
	v3 =	vld [tilespmem:s10+$0x6270];
	[tilespmem:s17+$0xDA70] =	vst v2  }
0x10a: {  	v2 =	vld [tilespmem:s10+$0x8A70];
	[tilespmem:s17+$0xEE80] =	vst v1  }
0x10b: {  	v54 =	vld [tilespmem:s10+$0x6280];
	[tilespmem:s17+$0xDA80] =	vst v1  }
0x10c: {  	v55 =	vld [tilespmem:s10+$0xB220];
	_ =	sdelay $0x1  }
0x10d: {  	v16 =	vld [tilespmem:s10+$0xB230]  }
0x10e: {  	v14 =	vadd.f32 v15, v14  }
0x10f: {  	v56 =	vld [tilespmem:s10+$0xB240]  }
0x110: {  	v9 =	vadd.f32 v45, v44;
	v4 =	vadd.f32 v55, v14  }
0x111: {  	v17 =	vld [tilespmem:s10+$0xB250]  }
0x112: {  	v8 =	vadd.f32 v46, v10;
	[tilespmem:s10+$0xEE90] =	vst v51;
	v9 =	vadd.f32 v16, v9;
	v4 =	vmax.f32 v4, $0.0e+00  }
0x113: {  	v57 =	vld [tilespmem:s10+$0xB260];
	[tilespmem:s10+$0xEE20] =	vst v4  }
0x114: {  	v7 =	vadd.f32 v50, v49;
	v1 =	vld [tilespmem:s10+$0x8A80];
	v8 =	vadd.f32 v56, v8;
	v60 =	vmax.f32 v9, $0.0e+00;
	[tilespmem:s10+$0xDA20] =	vst v4  }
0x115: {  	v58 =	vld [tilespmem:s10+$0xB270];
	[tilespmem:s10+$0xEE30] =	vst v60  }
0x116: {  	v5 =	vadd.f32 v53, v52;
	v61 =	vadd.f32 v17, v7;
	v62 =	vmax.f32 v8, $0.0e+00;
	[tilespmem:s10+$0xDA30] =	vst v60  }
0x117: {  	v59 =	vld [tilespmem:s10+$0xB280];
	[tilespmem:s10+$0xEE40] =	vst v62  }
0x118: {  	v2 =	vadd.f32 v2, v3;
	v3 =	vadd.f32 v57, v5;
	v63 =	vmax.f32 v61, $0.0e+00;
	[tilespmem:s10+$0xDA40] =	vst v62  }
0x119: {  	[tilespmem:s10+$0xEE50] =	vst v63  }
0x11a: {  	v1 =	vadd.f32 v1, v54;
	v2 =	vadd.f32 v58, v2;
	v3 =	vmax.f32 v3, $0.0e+00;
	[tilespmem:s10+$0xDA50] =	vst v63  }
0x11b: {  	[tilespmem:s10+$0xEE60] =	vst v3  }
0x11c: {  	v1 =	vadd.f32 v59, v1;
	v2 =	vmax.f32 v2, $0.0e+00;
	[tilespmem:s10+$0xDA60] =	vst v3  }
0x11d: {  	[tilespmem:s10+$0xEE70] =	vst v2  }
0x11e: {  	s11 =	smul.u32 $0x50, s21;
	[tilespmem:s10+$0xDA70] =	vst v2;
	v1 =	vmax.f32 v1, $0.0e+00  }
0x11f: {  	[tilespmem:s10+$0xEE80] =	vst v1  }
0x120: {  	s17 =	sadd.s32 $0x2710, s11;
	[tilespmem:s10+$0xDA80] =	vst v1  }
0x121: {  	[spmem:s3] =	stream.indirect.scatter.add.f32 [tilespmem:s25], [sflag:$0x9], $0x40, s17, s19, $0xb8;
	[tilespmem:$0x1A860] =	vst v63  }
.Ltmp7:
0x122: {  	s21 =	sadd.s32 s5, s11;
	(pc) =	sbr.rel .LBB2_12-.Ltmp7, $4  }
0x123: {  	s10 =	sshll.u32 s21, $0x3;
	_ =	swait.ge [sflag:s16], $0x1400  }
0x124: {  	s10 =	sand.u32 $0x1FFFFF80, s10;
	[sflag:s16] =	ssyncset.done $0x0  }
0x125: {  	s10 =	sadd.s32 s8, s10;
	[sflag:s16] =	ssyncadd.s32 $0xFFFFEC00  }
0x126: {  	[hbm4b:s10+s4] =	stream.linear.scatter [tilespmem:s31], [sflag:$0x8], $0x1400, $0x38;
	[tilespmem:$0x1A860] =	vst v63  }
.LBB2_13:
0x127: {  	_ =	swait.ge [sflag:s1], $0x1400  }
0x128: {  	[sflag:s1] =	ssyncset.done $0x0  }
0x129: {  	[sflag:s1] =	ssyncadd.s32 $0xFFFFEC00  }
0x12a: {  	s10 =	sadd.s32 $0x0, s9;
	_ =	swait.ge [sflag:s0], $0x1400  }
0x12b: {  	p0 =	sgt.u32 s10, $0xF9;
	[sflag:s0] =	ssyncset.done $0x0  }
0x12c: {  	s10 =	simm.s32 @!p0 $0x10220;
	[sflag:s0] =	ssyncadd.s32 $0xFFFFEC00  }
0x12d: {  	s12 =	simm.s32 @!p0 $0xA;
	p0 =	por p0, p0;
	[bflag:$0x0] =	sbarrier.arrive $0xFFFF  }
0x12e: {  	[tilespmem:s10], [sflag:$0xA] =	stream.linear.gather @!p0 [spmem:s14], $0xA00, $0x38;
	[tilespmem:$0x1A860] =	vst v63  }
0x12f: {  	_ =	swait.ge @!p0 [sflag:s12], $0xA00  }
0x130: {  	s11 =	simm.s32 $0x2;
	[sflag:s12] =	ssyncset.done @!p0 $0x0  }
0x131: {  	s20 =	simm.s32 @!p0 $0x9;
	[sflag:s12] =	ssyncadd.s32 @!p0 $0xFFFFF600;
	s12 =	simm.s32 @!p0 $0x0  }
0x132: {  	[hbm4b:s15+s12] =	stream.linear.scatter @!p0 [tilespmem:s10], [sflag:$0x9], $0xA00, $0x38;
	[tilespmem:$0x1A860] =	vst v63  }
0x133: {  	s21 =	sadd.s32 $0x1, s9;
	s17 =	sadd.s32 $0xA00, s14;
	_ =	swait.ge @!p0 [sflag:s20], $0xA00  }
0x134: {  	p1 =	sgt.u32 s21, $0xF9;
	s10 =	sadd.s32 $0x140, s15;
	[sflag:s20] =	ssyncset.done @!p0 $0x0  }
.LBB2_14:
0x135: {  	s12 =	simm.s32 @!p1 $0x10220;
	s13 =	simm.s32 @!p1 $0xA;
	[sflag:s20] =	ssyncadd.s32 @!p0 $0xFFFFF600  }
0x136: {  	s21 =	smov.u32 s11;
	p0 =	por p1, p1;
	s11 =	sadd.s32 $0x1, s11  }
0x137: {  	[tilespmem:s12], [sflag:$0xA] =	stream.linear.gather @!p0 [spmem:s17], $0xA00, $0x38;
	[tilespmem:$0x1A860] =	vst v63  }
0x138: {  	p2 =	sne.s32 s11, $0x10;
	_ =	swait.ge @!p0 [sflag:s13], $0xA00  }
.Ltmp8:
0x139: {  	[sflag:s13] =	ssyncset.done @!p0 $0x0;
	(pc) =	sbr.rel @p2 .LBB2_14-.Ltmp8, $4  }
0x13a: {  	s20 =	simm.s32 @!p0 $0x9;
	[sflag:s13] =	ssyncadd.s32 @!p0 $0xFFFFF600;
	s13 =	simm.s32 @!p0 $0x0  }
0x13b: {  	[hbm4b:s10+s13] =	stream.linear.scatter @!p0 [tilespmem:s12], [sflag:$0x9], $0xA00, $0x38;
	[tilespmem:$0x1A860] =	vst v63  }
0x13c: {  	s17 =	sadd.s32 $0xA00, s17;
	s12 =	sadd.s32 s21, s9;
	_ =	swait.ge @!p0 [sflag:s20], $0xA00  }
0x13d: {  	s10 =	sadd.s32 $0x140, s10;
	p1 =	sgt.u32 s12, $0xF9;
	[sflag:s20] =	ssyncset.done @!p0 $0x0  }
0x13e: {  	s11 =	simm.s32 @!p1 $0x10220  }
0x13f: {  	s12 =	simm.s32 @!p1 $0xA;
	[sflag:s20] =	ssyncadd.s32 @!p0 $0xFFFFF600;
	p0 =	por p1, p1  }
0x140: {  	[tilespmem:s11], [sflag:$0xA] =	stream.linear.gather @!p0 [spmem:s17], $0xA00, $0x38;
	[tilespmem:$0x1A860] =	vst v63  }
0x141: {  	_ =	swait.ge @!p0 [sflag:s12], $0xA00  }
0x142: {  	[sflag:s12] =	ssyncset.done @!p0 $0x0  }
0x143: {  	s13 =	simm.s32 @!p0 $0x9;
	[sflag:s12] =	ssyncadd.s32 @!p0 $0xFFFFF600;
	s12 =	simm.s32 @!p0 $0x0  }
0x144: {  	[hbm4b:s10+s12] =	stream.linear.scatter @!p0 [tilespmem:s11], [sflag:$0x9], $0xA00, $0x38;
	[tilespmem:$0x1A860] =	vst v63  }
0x145: {  	_ =	swait.ge @!p0 [sflag:s13], $0xA00  }
0x146: {  	s18 =	sadd.s32 $0x1, s18;
	s21 =	rddreg [dreg:$0x7]  }
0x147: {  	p1 =	sne.s32 s18, s21  }
.Ltmp9:
0x148: {  	_ = 	snop;
	(pc) =	sbr.rel @p1 .LBB2_1-.Ltmp9, $3  }
0x149: {  	_ =	sdelay $0x1  }
0x14a: {  	[sflag:s13] =	ssyncset.done @!p0 $0x0  }
0x14b: {  	[sflag:s13] =	ssyncadd.s32 @!p0 $0xFFFFF600  }
0x14c: {  	_ =	sfence.sel $0x180000  }
0x14d: {  	[bflag:$0x0] =	sbarrier.arrive $0xFFFF  }
0x14e: {  	_ =	strace $0x90000047  }
0x14f: {  	s0 =	stileid.u32;
	[bflag:$0x2] =	sbarrier.arrive $0xFFFF  }
0x150: {  	p0 =	sne.s32 s0, $0x0;
	s0 =	rddreg [dreg:$0x3]  }
0x151: {  	s0 =	sadd.s32 @!p0 $0x100000, s0  }
0x152: {  	[sflag:s0] =	ssyncadd.tile.s32 @!p0 $0x1;
	_ =	shalt  }
.Lfunc_end2:
_tile_overlayer_lowered:
.L_overlay_start_2:
0x153: {  	(tag) =	ssettag $0x2  }
0x154: {  	s0 =	rddreg [dreg:$0x0];
	s2 =	stileid.u32  }
0x155: {  	s1 =	rddreg [dreg:$0x1];
	p0 =	sne.s32 s2, $0x0  }
0x156: {  	s3 =	rddreg [dreg:$0x2];
	[bflag:$0x3] =	sbarrier.arrive $0xFFFF;
	s2 =	simm.s32 @!p0 $0x1C09  }
0x157: {  	[timem:s3], [sflag:s2] =	dma.local @!p0 [hbm:s0], s1  }
0x158: {  	s0 =	simm.s32 @!p0 $0x9  }
0x159: {  	_ =	swait.ge @!p0 [sflag:s0], s1  }
0x15a: {  	s1 =	ssub.s32 @!p0 $0x0, s1;
	[sflag:s0] =	ssyncset.done @!p0 $0x0  }
0x15b: {  	[sflag:s0] =	ssyncadd.s32 @!p0 s1  }
0x15c: {  	[bflag:$0x3] =	sbarrier.arrive $0xFFFF  }
0x15d: {  	_ =	shalt  }

</sc_bundles>
